<compile_context>
chip_gen: v7x
topology: tpu7x:2x2x1
jax: 0.10.2.dev20260603
libtpu: 0.0.44.dev20260713+nightly
codegen_flags: <defaults>
</compile_context>

<pallas_src>
import functools

import jax
import jax.numpy as jnp
from jax import lax
from jax.experimental import pallas as pl
from jax.experimental.pallas import tpu as pltpu
from jax.experimental.pallas import tpu_sc as plsc

B = 16384
IN = 2048
NCLS = 3
H = 341
HP = 384
OUTP = 128
T = 256
TSHIFT = 8
NCORE = 2
NSUB = 16
NW = NCORE * NSUB
GR = 16

BH = B // 2
CHUNKH = BH // NW
VPCH = CHUNKH // 16
NPH = BH + 4 * T
NTH = NPH // T
NTPH = 48
IQ = CHUNKH // 128


def _make_route_body(off):
    def body(cls_hbm, emb_hbm, inv_hbm, tcls_hbm, xs_hbm,
             cls_v, pos_v, pos2_v, xa_v, xb_v, xc_v, tcls_v,
             sin0, sin1, sin2, sout0, sout1, sout2):
        wid = lax.axis_index("s") * NCORE + lax.axis_index("c")
        base = wid * CHUNKH
        pltpu.sync_copy(cls_hbm, cls_v)

        vzero = jnp.zeros((16,), jnp.int32)
        t0 = wid * VPCH

        def count_body(i, carry):
            a0, a1 = carry
            v = cls_v[pl.ds(i * 16, 16)]
            return (a0 + (v == 0).astype(jnp.int32),
                    a1 + (v == 1).astype(jnp.int32))

        acc0, acc1 = lax.fori_loop(0, t0, count_body, (vzero, vzero))
        pre0 = jnp.sum(acc0)
        pre1 = jnp.sum(acc1)
        acc0, acc1 = lax.fori_loop(t0, BH // 16, count_body, (acc0, acc1))
        tot0 = jnp.sum(acc0)
        tot1 = jnp.sum(acc1)
        pre2 = t0 * 16 - pre0 - pre1

        cap0 = ((tot0 + (T - 1)) >> TSHIFT) << TSHIFT
        cap1 = ((tot1 + (T - 1)) >> TSHIFT) << TSHIFT
        o1 = cap0
        o2 = cap0 + cap1

        @pl.when(wid == 0)
        def _emit_tile_classes():
            for k in range(NTPH // 16):
                tv = (lax.iota(jnp.int32, 16) + 16 * k) * T
                tcls_v[pl.ds(16 * k, 16)] = (
                    (tv >= o1).astype(jnp.int32) + (tv >= o2).astype(jnp.int32))
            pltpu.sync_copy(tcls_v, tcls_hbm)

        def pos_body(g, carry):
            b0, b1, b2 = carry
            v = cls_v[pl.ds((t0 + g) * 16, 16)]
            m0 = v == 0
            m1 = v == 1
            r0 = jnp.cumsum(m0.astype(jnp.int32))
            r1 = jnp.cumsum(m1.astype(jnp.int32))
            r2 = jnp.cumsum((1 - m0.astype(jnp.int32) - m1.astype(jnp.int32)))
            pos = jnp.where(m0, b0 + r0, jnp.where(m1, b1 + r1, b2 + r2)) - 1
            pos_v[g] = pos
            return (b0 + r0[15], b1 + r1[15], b2 + r2[15])

        lax.fori_loop(0, VPCH, pos_body, (pre0, o1 + pre1, o2 + pre2))
        for g in range(VPCH):
            pos2_v[g // 8, pl.ds((g % 8) * 16, 16)] = pos_v[g]
        pltpu.sync_copy(pos2_v, inv_hbm.at[wid])

        bufs = (xa_v, xb_v, xc_v)
        sin = (sin0, sin1, sin2)
        sout = (sout0, sout1, sout2)

        def start_in(g, b):
            pltpu.async_copy(
                emb_hbm.at[pl.ds(off + base + g * GR, GR)], bufs[b], sin[b])

        def wait_in(g, b):
            pltpu.make_async_copy(
                emb_hbm.at[pl.ds(off + base + g * GR, GR)], bufs[b],
                sin[b]).wait()

        def idxs(g):
            return pos_v.at[g]

        def start_out(g, b):
            pltpu.async_copy(bufs[b], xs_hbm.at[idxs(g)], sout[b])

        def wait_out(g, b):
            pltpu.make_async_copy(
                bufs[b], xs_hbm.at[idxs(g)], sout[b]).wait()

        NSTEP = CHUNKH // GR
        FULL = (NSTEP - 1) // 3

        start_in(0, 0)

        def ring_body(jj, _):
            for b in range(3):
                g = 3 * jj + b
                nb = (b + 1) % 3
                if b == 2:
                    wait_out(g - 2, nb)
                else:
                    @pl.when(jj >= 1)
                    def _():
                        wait_out(g - 2, nb)
                start_in(g + 1, nb)
                wait_in(g, b)
                start_out(g, b)
            return 0

        lax.fori_loop(0, FULL, ring_body, 0)
        for g in range(3 * FULL, NSTEP):
            if g >= 2:
                wait_out(g - 2, (g + 1) % 3)
            if g + 1 < NSTEP:
                start_in(g + 1, (g + 1) % 3)
            wait_in(g, g % 3)
            start_out(g, g % 3)
        for g in range(NSTEP - 2, NSTEP):
            wait_out(g, g % 3)

    return body


def _unsort_body(res0_hbm, res1_hbm, inv0_hbm, inv1_hbm, out_hbm,
                 inv_v, rows_v, out_v, sem):
    wid = lax.axis_index("s") * NCORE + lax.axis_index("c")
    zeros16 = jnp.zeros((16,), jnp.int32)
    for h, (res_hbm, inv_hbm) in enumerate(
            ((res0_hbm, inv0_hbm), (res1_hbm, inv1_hbm))):
        pltpu.sync_copy(inv_hbm.at[wid], inv_v)
        for q in range(IQ):
            pltpu.async_copy(res_hbm.at[inv_v.at[q]],
                             rows_v.at[pl.ds(q * 128, 128)], sem)
        for q in range(IQ):
            pltpu.make_async_copy(res_hbm.at[inv_v.at[q]],
                                  rows_v.at[pl.ds(q * 128, 128)], sem).wait()

        def body(g, _):
            rid = lax.iota(jnp.int32, 16) + g * 16
            out_v[g] = plsc.load_gather(rows_v, [rid, zeros16])
            return 0

        lax.fori_loop(0, VPCH, body, 0)
        pltpu.sync_copy(out_v, out_hbm.at[h, wid])


def _mlp_body(tcls_ref, x_ref, w1_ref, b1_ref, w2_ref, b2_ref,
              w3_ref, b3_ref, w4_ref, b4_ref, o_ref):
    x = x_ref[...].astype(jnp.bfloat16)
    h = jnp.dot(x, w1_ref[0], preferred_element_type=jnp.float32) + b1_ref[0]
    h = jnp.maximum(h, 0.0)
    h = jnp.dot(h, w2_ref[0], preferred_element_type=jnp.float32) + b2_ref[0]
    h = jnp.maximum(h, 0.0)
    h = jnp.dot(h, w3_ref[0], preferred_element_type=jnp.float32) + b3_ref[0]
    h = jnp.maximum(h, 0.0)
    o_ref[...] = (jnp.dot(h, w4_ref[0], preferred_element_type=jnp.float32)
                  + b4_ref[0])


_mlp_grid = pltpu.PrefetchScalarGridSpec(
    num_scalar_prefetch=1,
    grid=(NTH,),
    in_specs=[
        pl.BlockSpec((T, IN), lambda t, tc: (t, 0)),
        pl.BlockSpec((1, IN, HP), lambda t, tc: (tc[t], 0, 0)),
        pl.BlockSpec((1, 1, HP), lambda t, tc: (tc[t], 0, 0)),
        pl.BlockSpec((1, HP, HP), lambda t, tc: (tc[t], 0, 0)),
        pl.BlockSpec((1, 1, HP), lambda t, tc: (tc[t], 0, 0)),
        pl.BlockSpec((1, HP, HP), lambda t, tc: (tc[t], 0, 0)),
        pl.BlockSpec((1, 1, HP), lambda t, tc: (tc[t], 0, 0)),
        pl.BlockSpec((1, HP, OUTP), lambda t, tc: (tc[t], 0, 0)),
        pl.BlockSpec((1, 1, OUTP), lambda t, tc: (tc[t], 0, 0)),
    ],
    out_specs=pl.BlockSpec((T, OUTP), lambda t, tc: (t, 0)),
)

_mlp_call = pl.pallas_call(
    _mlp_body,
    grid_spec=_mlp_grid,
    out_shape=jax.ShapeDtypeStruct((NPH, OUTP), jnp.float32),
    compiler_params=pltpu.CompilerParams(
        dimension_semantics=("arbitrary",)),
)


@functools.lru_cache(maxsize=1)
def _sc_kernels():
    mesh = plsc.VectorSubcoreMesh(
        core_axis_name="c", subcore_axis_name="s",
        num_cores=NCORE, num_subcores=NSUB)
    sc_params = pltpu.CompilerParams(
        needs_layout_passes=False, has_side_effects=True)
    route_out = (
        jax.ShapeDtypeStruct((NW, IQ, 128), jnp.int32),
        jax.ShapeDtypeStruct((NTPH,), jnp.int32),
        jax.ShapeDtypeStruct((NPH, IN), jnp.float32),
    )
    route_scratch = (
        pltpu.VMEM((BH,), jnp.int32),
        pltpu.VMEM((VPCH, 16), jnp.int32),
        pltpu.VMEM((IQ, 128), jnp.int32),
        pltpu.VMEM((GR, IN), jnp.float32),
        pltpu.VMEM((GR, IN), jnp.float32),
        pltpu.VMEM((GR, IN), jnp.float32),
        pltpu.VMEM((NTPH,), jnp.int32),
        pltpu.SemaphoreType.DMA,
        pltpu.SemaphoreType.DMA,
        pltpu.SemaphoreType.DMA,
        pltpu.SemaphoreType.DMA,
        pltpu.SemaphoreType.DMA,
        pltpu.SemaphoreType.DMA,
    )
    routes = tuple(
        pl.kernel(
            _make_route_body(off),
            compiler_params=sc_params,
            out_type=route_out,
            mesh=mesh,
            scratch_types=route_scratch,
        )
        for off in (0, BH)
    )
    unsort = pl.kernel(
        _unsort_body,
        compiler_params=sc_params,
        out_type=jax.ShapeDtypeStruct((2, NW, VPCH, 16), jnp.float32),
        mesh=mesh,
        scratch_types=(
            pltpu.VMEM((IQ, 128), jnp.int32),
            pltpu.VMEM((CHUNKH, OUTP), jnp.float32),
            pltpu.VMEM((VPCH, 16), jnp.float32),
            pltpu.SemaphoreType.DMA,
        ),
    )
    return routes, unsort


def _pad_params(params):
    w1 = jnp.stack([jnp.pad(params[c][0][0], ((0, 0), (0, HP - H)))
                    for c in range(NCLS)]).astype(jnp.bfloat16)
    b1 = jnp.stack([jnp.pad(params[c][0][1], (0, HP - H))[None]
                    for c in range(NCLS)])
    w2 = jnp.stack([jnp.pad(params[c][1][0], ((0, HP - H), (0, HP - H)))
                    for c in range(NCLS)])
    b2 = jnp.stack([jnp.pad(params[c][1][1], (0, HP - H))[None]
                    for c in range(NCLS)])
    w3 = jnp.stack([jnp.pad(params[c][2][0], ((0, HP - H), (0, HP - H)))
                    for c in range(NCLS)])
    b3 = jnp.stack([jnp.pad(params[c][2][1], (0, HP - H))[None]
                    for c in range(NCLS)])
    w4 = jnp.stack([jnp.pad(params[c][3][0], ((0, HP - H), (0, OUTP - 1)))
                    for c in range(NCLS)])
    b4 = jnp.stack([jnp.pad(params[c][3][1], (0, OUTP - 1))[None]
                    for c in range(NCLS)])
    return w1, b1, w2, b2, w3, b3, w4, b4


def kernel(graph_emb, class_idx, params):
    ws = _pad_params(params)
    routes, unsort = _sc_kernels()
    halves = []
    for hi, route in enumerate(routes):
        cls_h = lax.slice_in_dim(class_idx, hi * BH, (hi + 1) * BH)
        halves.append(route(cls_h, graph_emb))
    res = [_mlp_call(tcls, xs, *ws) for _, tcls, xs in halves]
    out = unsort(res[0], res[1], halves[0][0], halves[1][0])
    return out.reshape(B)

# --- scband reference (transcript-rebuilt; emitter-appended) ---
"""Pipeline reference for scband-cap-regressor-73375221285398 (READ-ONLY COPY).

The authoritative reference and input builder live on the scoring server;
editing this copy changes nothing except your own understanding.
"""

import jax, jax.numpy as jnp
import numpy as np

B = 16384
HID = 1024
NC = 3
H = HID // NC  # 341
IN = HID * 2   # 2048, src_dst_agg='concat'


def _init_linear(key, fan_in, fan_out):
    k1, k2 = jax.random.split(key)
    bound = 1.0 / np.sqrt(fan_in)
    W = jax.random.uniform(k1, (fan_in, fan_out), minval=-bound, maxval=bound, dtype=jnp.float32)
    b = jax.random.uniform(k2, (fan_out,), minval=-bound, maxval=bound, dtype=jnp.float32)
    return W, b


def setup_inputs(seed: int = 0) -> dict:
    key = jax.random.key(seed)
    kx, kc, kp = jax.random.split(key, 3)
    graph_emb = jax.random.normal(kx, (B, IN), dtype=jnp.float32)
    class_idx = jax.random.randint(kc, (B,), 0, NC, dtype=jnp.int32)
    # 3 class-specific MLPs, each num_layers=4: [IN -> H -> H -> H -> 1], relu between, plain last
    dims = [(IN, H), (H, H), (H, H), (H, 1)]
    params = []
    for c in range(NC):
        layers = []
        kk = jax.random.fold_in(kp, c)
        for i, (fi, fo) in enumerate(dims):
            kk, sub = jax.random.split(kk)
            layers.append(_init_linear(sub, fi, fo))
        params.append(tuple(layers))
    params = tuple(params)
    return {"graph_emb": graph_emb, "class_idx": class_idx, "params": params}


def _mlp(x, layers):
    n = len(layers)
    for i, (W, b) in enumerate(layers):
        x = x @ W + b
        if i < n - 1:
            x = jax.nn.relu(x)
    return x


def reference(graph_emb, class_idx, params):
    # CapRegressor.forward: route each sample to its class-specific regressor MLP,
    # scatter results back into a [B, 1] output, then squeeze.
    bsz = graph_emb.shape[0]
    outputs = jnp.zeros((bsz, 1), dtype=graph_emb.dtype)
    for c in range(NC):
        out_c = _mlp(graph_emb, params[c])
        mask = (class_idx == c)[:, None]
        outputs = jnp.where(mask, out_c, outputs)
    return outputs.squeeze(-1)

if __name__ == "__main__":
    import jax
    _d = setup_inputs()
    print(jax.jit(kernel)(*tuple(_d.values())))

</pallas_src>

<mosaic_0001>
#map = affine_map<(d0, d1) -> (0)>
#map1 = affine_map<(d0, d1) -> (0, 0)>
#map2 = affine_map<(d0, d1) -> (0, 0, 0)>
module attributes {stable_mosaic.version = 14 : i64} {
  func.func @body(%arg0: i32, %arg1: i32, %arg2: memref<8192xi32, #tpu.memory_space<hbm>>, %arg3: memref<16384x2048xf32, #tpu.memory_space<hbm>>, %arg4: memref<32x2x128xi32, #tpu.memory_space<hbm>>, %arg5: memref<48xi32, #tpu.memory_space<hbm>>, %arg6: memref<9216x2048xf32, #tpu.memory_space<hbm>>, %arg7: memref<8192xi32, #tpu.memory_space<vmem>>, %arg8: memref<16x16xi32, #tpu.memory_space<vmem>>, %arg9: memref<2x128xi32, #tpu.memory_space<vmem>>, %arg10: memref<16x2048xf32, #tpu.memory_space<vmem>>, %arg11: memref<16x2048xf32, #tpu.memory_space<vmem>>, %arg12: memref<16x2048xf32, #tpu.memory_space<vmem>>, %arg13: memref<48xi32, #tpu.memory_space<vmem>>, %arg14: memref<!tpu.dma_semaphore, #tpu.memory_space<semaphore_mem>>, %arg15: memref<!tpu.dma_semaphore, #tpu.memory_space<semaphore_mem>>, %arg16: memref<!tpu.dma_semaphore, #tpu.memory_space<semaphore_mem>>, %arg17: memref<!tpu.dma_semaphore, #tpu.memory_space<semaphore_mem>>, %arg18: memref<!tpu.dma_semaphore, #tpu.memory_space<semaphore_mem>>, %arg19: memref<!tpu.dma_semaphore, #tpu.memory_space<semaphore_mem>>) attributes {dimension_semantics = [#tpu.dimension_semantics<core_parallel>, #tpu.dimension_semantics<subcore_parallel>], iteration_bounds = array<i64: 2, 16>, scalar_prefetch = 0 : i64, scratch_operands = 13 : i64, tpu.core_type = #tpu.core_type<sc_vector_subcore>, window_params = [{transform_indices = #map}, {transform_indices = #map1}, {transform_indices = #map2}, {transform_indices = #map}, {transform_indices = #map1}]} {
    %mul3A = arith.constant 2 : i32
    %mul3A_0 = arith.muli %arg1, %mul3A : i32
    %add3A = arith.addi %mul3A_0, %arg0 : i32
    %mul3A_1 = arith.constant 256 : i32
    %mul3A_2 = arith.muli %add3A, %mul3A_1 : i32
    "tpu.region"() ({
      %run_scoped3A = tpu.sem_alloc : memref<!tpu.dma_semaphore, #tpu.memory_space<semaphore_mem>>
      tpu.enqueue_dma source(%arg2 : memref<8192xi32, #tpu.memory_space<hbm>>) target(%arg7 : memref<8192xi32, #tpu.memory_space<vmem>>) target_semaphore(%run_scoped3A : memref<!tpu.dma_semaphore, #tpu.memory_space<semaphore_mem>>)
      tpu.wait_dma2 semaphore(%run_scoped3A : memref<!tpu.dma_semaphore, #tpu.memory_space<semaphore_mem>>) src(%arg2 : memref<8192xi32, #tpu.memory_space<hbm>>) dst(%arg7 : memref<8192xi32, #tpu.memory_space<vmem>>)
      tpu.yield
    }) : () -> ()
    %broadcast_in_dim3A = arith.constant 0 : i32
    %broadcast_in_dim3A_3 = vector.broadcast %broadcast_in_dim3A : i32 to vector<16xi32>
    %mul3A_4 = arith.constant 16 : i32
    %mul3A_5 = arith.muli %add3A, %mul3A_4 : i32
    %while3A = arith.constant 0 : i32
    %while3A_6 = arith.subi %mul3A_5, %while3A : i32
    %while3A_7 = arith.addi %while3A, %while3A_6 : i32
    %while3A_8 = arith.constant 1 : i32
    %while3A_9 = arith.divsi %while3A_6, %while3A_8 : i32
    %while3A_10 = arith.muli %while3A_9, %while3A_8 : i32
    %while3A_11 = arith.addi %while3A, %while3A_10 : i32
    %while3A_12 = arith.constant 1 : i32
    %while3A_13:2 = scf.for %while3A_240 = %while3A to %while3A_11 step %while3A_12 iter_args(%while3A_241 = %broadcast_in_dim3A_3, %while3A_242 = %broadcast_in_dim3A_3) -> (vector<16xi32>, vector<16xi32>)  : i32 {
      %mul3A_243 = arith.constant 16 : i32
      %mul3A_244 = arith.muli %while3A_240, %mul3A_243 : i32
      %get3A_245 = arith.index_cast %mul3A_244 : i32 to index
      %get3A_246 = tpu.vector_load %arg7[%get3A_245] {strides = array<i32>} : memref<8192xi32, #tpu.memory_space<vmem>>, vector<16xi32>,
      %eq3A_247 = arith.constant 0 : i32
      %eq3A_248 = vector.broadcast %eq3A_247 : i32 to vector<16xi32>
      %eq3A_249 = arith.cmpi eq, %get3A_246, %eq3A_248 : vector<16xi32>
      %convert_element_type3A_250 = arith.extui %eq3A_249 : vector<16xi1> to vector<16xi32>
      %add3A_251 = arith.addi %while3A_241, %convert_element_type3A_250 : vector<16xi32>
      %eq3A_252 = arith.constant 1 : i32
      %eq3A_253 = vector.broadcast %eq3A_252 : i32 to vector<16xi32>
      %eq3A_254 = arith.cmpi eq, %get3A_246, %eq3A_253 : vector<16xi32>
      %convert_element_type3A_255 = arith.extui %eq3A_254 : vector<16xi1> to vector<16xi32>
      %add3A_256 = arith.addi %while3A_242, %convert_element_type3A_255 : vector<16xi32>
      scf.yield %add3A_251, %add3A_256 : vector<16xi32>, vector<16xi32>
    }
    %while3A_14 = arith.constant 1 : i32
    %while3A_15:2 = scf.for %while3A_240 = %while3A_11 to %while3A_7 step %while3A_14 iter_args(%while3A_241 = %while3A_13#0, %while3A_242 = %while3A_13#1) -> (vector<16xi32>, vector<16xi32>)  : i32 {
      %mul3A_243 = arith.constant 16 : i32
      %mul3A_244 = arith.muli %while3A_240, %mul3A_243 : i32
      %get3A_245 = arith.index_cast %mul3A_244 : i32 to index
      %get3A_246 = tpu.vector_load %arg7[%get3A_245] {strides = array<i32>} : memref<8192xi32, #tpu.memory_space<vmem>>, vector<16xi32>,
      %eq3A_247 = arith.constant 0 : i32
      %eq3A_248 = vector.broadcast %eq3A_247 : i32 to vector<16xi32>
      %eq3A_249 = arith.cmpi eq, %get3A_246, %eq3A_248 : vector<16xi32>
      %convert_element_type3A_250 = arith.extui %eq3A_249 : vector<16xi1> to vector<16xi32>
      %add3A_251 = arith.addi %while3A_241, %convert_element_type3A_250 : vector<16xi32>
      %eq3A_252 = arith.constant 1 : i32
      %eq3A_253 = vector.broadcast %eq3A_252 : i32 to vector<16xi32>
      %eq3A_254 = arith.cmpi eq, %get3A_246, %eq3A_253 : vector<16xi32>
      %convert_element_type3A_255 = arith.extui %eq3A_254 : vector<16xi1> to vector<16xi32>
      %add3A_256 = arith.addi %while3A_242, %convert_element_type3A_255 : vector<16xi32>
      scf.yield %add3A_251, %add3A_256 : vector<16xi32>, vector<16xi32>
    }
    %reduce_sum3A = arith.constant true
    %reduce_sum3A_16 = vector.broadcast %reduce_sum3A : i1 to vector<16xi1>
    %reduce_sum3A_17 = tpu.scan <sum>, %while3A_15#0 masked %reduce_sum3A_16 : vector<16xi32>, vector<16xi1> -> vector<16xi32>
    %reduce_sum3A_18 = vector.extract %reduce_sum3A_17[15] : i32 from vector<16xi32>
    %reduce_sum3A_19 = arith.constant true
    %reduce_sum3A_20 = vector.broadcast %reduce_sum3A_19 : i1 to vector<16xi1>
    %reduce_sum3A_21 = tpu.scan <sum>, %while3A_15#1 masked %reduce_sum3A_20 : vector<16xi32>, vector<16xi1> -> vector<16xi32>
    %reduce_sum3A_22 = vector.extract %reduce_sum3A_21[15] : i32 from vector<16xi32>
    %while3A_23 = arith.constant 512 : i32
    %while3A_24 = arith.subi %while3A_23, %mul3A_5 : i32
    %while3A_25 = arith.addi %mul3A_5, %while3A_24 : i32
    %while3A_26 = arith.constant 1 : i32
    %while3A_27 = arith.divsi %while3A_24, %while3A_26 : i32
    %while3A_28 = arith.muli %while3A_27, %while3A_26 : i32
    %while3A_29 = arith.addi %mul3A_5, %while3A_28 : i32
    %while3A_30 = arith.constant 1 : i32
    %while3A_31:2 = scf.for %while3A_240 = %mul3A_5 to %while3A_29 step %while3A_30 iter_args(%while3A_241 = %while3A_15#0, %while3A_242 = %while3A_15#1) -> (vector<16xi32>, vector<16xi32>)  : i32 {
      %mul3A_243 = arith.constant 16 : i32
      %mul3A_244 = arith.muli %while3A_240, %mul3A_243 : i32
      %get3A_245 = arith.index_cast %mul3A_244 : i32 to index
      %get3A_246 = tpu.vector_load %arg7[%get3A_245] {strides = array<i32>} : memref<8192xi32, #tpu.memory_space<vmem>>, vector<16xi32>,
      %eq3A_247 = arith.constant 0 : i32
      %eq3A_248 = vector.broadcast %eq3A_247 : i32 to vector<16xi32>
      %eq3A_249 = arith.cmpi eq, %get3A_246, %eq3A_248 : vector<16xi32>
      %convert_element_type3A_250 = arith.extui %eq3A_249 : vector<16xi1> to vector<16xi32>
      %add3A_251 = arith.addi %while3A_241, %convert_element_type3A_250 : vector<16xi32>
      %eq3A_252 = arith.constant 1 : i32
      %eq3A_253 = vector.broadcast %eq3A_252 : i32 to vector<16xi32>
      %eq3A_254 = arith.cmpi eq, %get3A_246, %eq3A_253 : vector<16xi32>
      %convert_element_type3A_255 = arith.extui %eq3A_254 : vector<16xi1> to vector<16xi32>
      %add3A_256 = arith.addi %while3A_242, %convert_element_type3A_255 : vector<16xi32>
      scf.yield %add3A_251, %add3A_256 : vector<16xi32>, vector<16xi32>
    }
    %while3A_32 = arith.constant 1 : i32
    %while3A_33:2 = scf.for %while3A_240 = %while3A_29 to %while3A_25 step %while3A_32 iter_args(%while3A_241 = %while3A_31#0, %while3A_242 = %while3A_31#1) -> (vector<16xi32>, vector<16xi32>)  : i32 {
      %mul3A_243 = arith.constant 16 : i32
      %mul3A_244 = arith.muli %while3A_240, %mul3A_243 : i32
      %get3A_245 = arith.index_cast %mul3A_244 : i32 to index
      %get3A_246 = tpu.vector_load %arg7[%get3A_245] {strides = array<i32>} : memref<8192xi32, #tpu.memory_space<vmem>>, vector<16xi32>,
      %eq3A_247 = arith.constant 0 : i32
      %eq3A_248 = vector.broadcast %eq3A_247 : i32 to vector<16xi32>
      %eq3A_249 = arith.cmpi eq, %get3A_246, %eq3A_248 : vector<16xi32>
      %convert_element_type3A_250 = arith.extui %eq3A_249 : vector<16xi1> to vector<16xi32>
      %add3A_251 = arith.addi %while3A_241, %convert_element_type3A_250 : vector<16xi32>
      %eq3A_252 = arith.constant 1 : i32
      %eq3A_253 = vector.broadcast %eq3A_252 : i32 to vector<16xi32>
      %eq3A_254 = arith.cmpi eq, %get3A_246, %eq3A_253 : vector<16xi32>
      %convert_element_type3A_255 = arith.extui %eq3A_254 : vector<16xi1> to vector<16xi32>
      %add3A_256 = arith.addi %while3A_242, %convert_element_type3A_255 : vector<16xi32>
      scf.yield %add3A_251, %add3A_256 : vector<16xi32>, vector<16xi32>
    }
    %reduce_sum3A_34 = arith.constant true
    %reduce_sum3A_35 = vector.broadcast %reduce_sum3A_34 : i1 to vector<16xi1>
    %reduce_sum3A_36 = tpu.scan <sum>, %while3A_33#0 masked %reduce_sum3A_35 : vector<16xi32>, vector<16xi1> -> vector<16xi32>
    %reduce_sum3A_37 = vector.extract %reduce_sum3A_36[15] : i32 from vector<16xi32>
    %reduce_sum3A_38 = arith.constant true
    %reduce_sum3A_39 = vector.broadcast %reduce_sum3A_38 : i1 to vector<16xi1>
    %reduce_sum3A_40 = tpu.scan <sum>, %while3A_33#1 masked %reduce_sum3A_39 : vector<16xi32>, vector<16xi1> -> vector<16xi32>
    %reduce_sum3A_41 = vector.extract %reduce_sum3A_40[15] : i32 from vector<16xi32>
    %mul3A_42 = arith.constant 16 : i32
    %mul3A_43 = arith.muli %mul3A_5, %mul3A_42 : i32
    %sub3A = arith.subi %mul3A_43, %reduce_sum3A_18 : i32
    %sub3A_44 = arith.subi %sub3A, %reduce_sum3A_22 : i32
    %add3A_45 = arith.constant 255 : i32
    %add3A_46 = arith.addi %reduce_sum3A_37, %add3A_45 : i32
    %shift_right_arithmetic3A = arith.constant 8 : i32
    %shift_right_arithmetic3A_47 = arith.shrsi %add3A_46, %shift_right_arithmetic3A : i32
    %shift_left3A = arith.constant 8 : i32
    %shift_left3A_48 = arith.shli %shift_right_arithmetic3A_47, %shift_left3A : i32
    %add3A_49 = arith.constant 255 : i32
    %add3A_50 = arith.addi %reduce_sum3A_41, %add3A_49 : i32
    %shift_right_arithmetic3A_51 = arith.constant 8 : i32
    %shift_right_arithmetic3A_52 = arith.shrsi %add3A_50, %shift_right_arithmetic3A_51 : i32
    %shift_left3A_53 = arith.constant 8 : i32
    %shift_left3A_54 = arith.shli %shift_right_arithmetic3A_52, %shift_left3A_53 : i32
    %add3A_55 = arith.addi %shift_left3A_48, %shift_left3A_54 : i32
    %eq3A = arith.constant 0 : i32
    %eq3A_56 = arith.cmpi eq, %add3A, %eq3A : i32
    %convert_element_type3A = arith.extui %eq3A_56 : i1 to i32
    %cond3A = arith.constant 0 : i32
    %cond3A_57 = arith.cmpi ne, %convert_element_type3A, %cond3A : i32
    scf.if %cond3A_57 {
      %iota3A = tpu.iota {dimensions = array<i32: 0>} : vector<16xi32>
      %add3A_240 = arith.constant 0 : i32
      %add3A_241 = vector.broadcast %add3A_240 : i32 to vector<16xi32>
      %add3A_242 = arith.addi %iota3A, %add3A_241 : vector<16xi32>
      %mul3A_243 = arith.constant 256 : i32
      %mul3A_244 = vector.broadcast %mul3A_243 : i32 to vector<16xi32>
      %mul3A_245 = arith.muli %add3A_242, %mul3A_244 : vector<16xi32>
      %ge3A = vector.broadcast %shift_left3A_48 : i32 to vector<16xi32>
      %ge3A_246 = arith.cmpi sge, %mul3A_245, %ge3A : vector<16xi32>
      %convert_element_type3A_247 = arith.extui %ge3A_246 : vector<16xi1> to vector<16xi32>
      %ge3A_248 = vector.broadcast %add3A_55 : i32 to vector<16xi32>
      %ge3A_249 = arith.cmpi sge, %mul3A_245, %ge3A_248 : vector<16xi32>
      %convert_element_type3A_250 = arith.extui %ge3A_249 : vector<16xi1> to vector<16xi32>
      %add3A_251 = arith.addi %convert_element_type3A_247, %convert_element_type3A_250 : vector<16xi32>
      %swap3A_252 = arith.constant 0 : index
      %swap3A_253 = tpu.vector_load %arg13[%swap3A_252] {strides = array<i32>} : memref<48xi32, #tpu.memory_space<vmem>>, vector<16xi32>,
      tpu.vector_store %arg13[%swap3A_252], %add3A_251 {strides = array<i32>} : memref<48xi32, #tpu.memory_space<vmem>>, vector<16xi32>,
      %iota3A_254 = tpu.iota {dimensions = array<i32: 0>} : vector<16xi32>
      %add3A_255 = arith.constant 16 : i32
      %add3A_256 = vector.broadcast %add3A_255 : i32 to vector<16xi32>
      %add3A_257 = arith.addi %iota3A_254, %add3A_256 : vector<16xi32>
      %mul3A_258 = arith.constant 256 : i32
      %mul3A_259 = vector.broadcast %mul3A_258 : i32 to vector<16xi32>
      %mul3A_260 = arith.muli %add3A_257, %mul3A_259 : vector<16xi32>
      %ge3A_261 = vector.broadcast %shift_left3A_48 : i32 to vector<16xi32>
      %ge3A_262 = arith.cmpi sge, %mul3A_260, %ge3A_261 : vector<16xi32>
      %convert_element_type3A_263 = arith.extui %ge3A_262 : vector<16xi1> to vector<16xi32>
      %ge3A_264 = vector.broadcast %add3A_55 : i32 to vector<16xi32>
      %ge3A_265 = arith.cmpi sge, %mul3A_260, %ge3A_264 : vector<16xi32>
      %convert_element_type3A_266 = arith.extui %ge3A_265 : vector<16xi1> to vector<16xi32>
      %add3A_267 = arith.addi %convert_element_type3A_263, %convert_element_type3A_266 : vector<16xi32>
      %swap3A_268 = arith.constant 16 : index
      %swap3A_269 = tpu.vector_load %arg13[%swap3A_268] {strides = array<i32>} : memref<48xi32, #tpu.memory_space<vmem>>, vector<16xi32>,
      tpu.vector_store %arg13[%swap3A_268], %add3A_267 {strides = array<i32>} : memref<48xi32, #tpu.memory_space<vmem>>, vector<16xi32>,
      %iota3A_270 = tpu.iota {dimensions = array<i32: 0>} : vector<16xi32>
      %add3A_271 = arith.constant 32 : i32
      %add3A_272 = vector.broadcast %add3A_271 : i32 to vector<16xi32>
      %add3A_273 = arith.addi %iota3A_270, %add3A_272 : vector<16xi32>
      %mul3A_274 = arith.constant 256 : i32
      %mul3A_275 = vector.broadcast %mul3A_274 : i32 to vector<16xi32>
      %mul3A_276 = arith.muli %add3A_273, %mul3A_275 : vector<16xi32>
      %ge3A_277 = vector.broadcast %shift_left3A_48 : i32 to vector<16xi32>
      %ge3A_278 = arith.cmpi sge, %mul3A_276, %ge3A_277 : vector<16xi32>
      %convert_element_type3A_279 = arith.extui %ge3A_278 : vector<16xi1> to vector<16xi32>
      %ge3A_280 = vector.broadcast %add3A_55 : i32 to vector<16xi32>
      %ge3A_281 = arith.cmpi sge, %mul3A_276, %ge3A_280 : vector<16xi32>
      %convert_element_type3A_282 = arith.extui %ge3A_281 : vector<16xi1> to vector<16xi32>
      %add3A_283 = arith.addi %convert_element_type3A_279, %convert_element_type3A_282 : vector<16xi32>
      %swap3A_284 = arith.constant 32 : index
      %swap3A_285 = tpu.vector_load %arg13[%swap3A_284] {strides = array<i32>} : memref<48xi32, #tpu.memory_space<vmem>>, vector<16xi32>,
      tpu.vector_store %arg13[%swap3A_284], %add3A_283 {strides = array<i32>} : memref<48xi32, #tpu.memory_space<vmem>>, vector<16xi32>,
      "tpu.region"() ({
        %run_scoped3A = tpu.sem_alloc : memref<!tpu.dma_semaphore, #tpu.memory_space<semaphore_mem>>
        tpu.enqueue_dma source(%arg13 : memref<48xi32, #tpu.memory_space<vmem>>) target(%arg5 : memref<48xi32, #tpu.memory_space<hbm>>) target_semaphore(%run_scoped3A : memref<!tpu.dma_semaphore, #tpu.memory_space<semaphore_mem>>)
        tpu.wait_dma2 semaphore(%run_scoped3A : memref<!tpu.dma_semaphore, #tpu.memory_space<semaphore_mem>>) src(%arg13 : memref<48xi32, #tpu.memory_space<vmem>>) dst(%arg5 : memref<48xi32, #tpu.memory_space<hbm>>)
        tpu.yield
      }) : () -> ()
    } else {
    }
    %add3A_58 = arith.addi %shift_left3A_48, %reduce_sum3A_22 : i32
    %add3A_59 = arith.addi %add3A_55, %sub3A_44 : i32
    %scan3A = arith.constant 0 : i32
    %scan3A_60 = arith.constant 16 : i32
    %scan3A_61 = arith.addi %scan3A, %scan3A_60 : i32
    %scan3A_62 = arith.constant 1 : i32
    %scan3A_63:3 = scf.for %scan3A_240 = %scan3A to %scan3A_61 step %scan3A_62 iter_args(%scan3A_241 = %reduce_sum3A_18, %scan3A_242 = %add3A_58, %scan3A_243 = %add3A_59) -> (i32, i32, i32)  : i32 {
      %add3A_244 = arith.addi %mul3A_5, %scan3A_240 : i32
      %mul3A_245 = arith.constant 16 : i32
      %mul3A_246 = arith.muli %add3A_244, %mul3A_245 : i32
      %get3A_247 = arith.index_cast %mul3A_246 : i32 to index
      %get3A_248 = tpu.vector_load %arg7[%get3A_247] {strides = array<i32>} : memref<8192xi32, #tpu.memory_space<vmem>>, vector<16xi32>,
      %eq3A_249 = arith.constant 0 : i32
      %eq3A_250 = vector.broadcast %eq3A_249 : i32 to vector<16xi32>
      %eq3A_251 = arith.cmpi eq, %get3A_248, %eq3A_250 : vector<16xi32>
      %eq3A_252 = arith.constant 1 : i32
      %eq3A_253 = vector.broadcast %eq3A_252 : i32 to vector<16xi32>
      %eq3A_254 = arith.cmpi eq, %get3A_248, %eq3A_253 : vector<16xi32>
      %convert_element_type3A_255 = arith.extui %eq3A_251 : vector<16xi1> to vector<16xi32>
      %cumsum3A = arith.constant true
      %cumsum3A_256 = vector.broadcast %cumsum3A : i1 to vector<16xi1>
      %cumsum3A_257 = tpu.scan <sum>, %convert_element_type3A_255 masked %cumsum3A_256 : vector<16xi32>, vector<16xi1> -> vector<16xi32>
      %convert_element_type3A_258 = arith.extui %eq3A_254 : vector<16xi1> to vector<16xi32>
      %cumsum3A_259 = arith.constant true
      %cumsum3A_260 = vector.broadcast %cumsum3A_259 : i1 to vector<16xi1>
      %cumsum3A_261 = tpu.scan <sum>, %convert_element_type3A_258 masked %cumsum3A_260 : vector<16xi32>, vector<16xi1> -> vector<16xi32>
      %convert_element_type3A_262 = arith.extui %eq3A_251 : vector<16xi1> to vector<16xi32>
      %sub3A_263 = arith.constant 1 : i32
      %sub3A_264 = vector.broadcast %sub3A_263 : i32 to vector<16xi32>
      %sub3A_265 = arith.subi %sub3A_264, %convert_element_type3A_262 : vector<16xi32>
      %convert_element_type3A_266 = arith.extui %eq3A_254 : vector<16xi1> to vector<16xi32>
      %sub3A_267 = arith.subi %sub3A_265, %convert_element_type3A_266 : vector<16xi32>
      %cumsum3A_268 = arith.constant true
      %cumsum3A_269 = vector.broadcast %cumsum3A_268 : i1 to vector<16xi1>
      %cumsum3A_270 = tpu.scan <sum>, %sub3A_267 masked %cumsum3A_269 : vector<16xi32>, vector<16xi1> -> vector<16xi32>
      %add3A_271 = vector.broadcast %scan3A_241 : i32 to vector<16xi32>
      %add3A_272 = arith.addi %add3A_271, %cumsum3A_257 : vector<16xi32>
      %add3A_273 = vector.broadcast %scan3A_242 : i32 to vector<16xi32>
      %add3A_274 = arith.addi %add3A_273, %cumsum3A_261 : vector<16xi32>
      %add3A_275 = vector.broadcast %scan3A_243 : i32 to vector<16xi32>
      %add3A_276 = arith.addi %add3A_275, %cumsum3A_270 : vector<16xi32>
      %select_n3A = arith.select %eq3A_254, %add3A_274, %add3A_276 : vector<16xi1>, vector<16xi32>
      %select_n3A_277 = arith.select %eq3A_251, %add3A_272, %select_n3A : vector<16xi1>, vector<16xi32>
      %sub3A_278 = arith.constant 1 : i32
      %sub3A_279 = vector.broadcast %sub3A_278 : i32 to vector<16xi32>
      %sub3A_280 = arith.subi %select_n3A_277, %sub3A_279 : vector<16xi32>
      %swap3A_281 = arith.index_cast %scan3A_240 : i32 to index
      %swap3A_282 = arith.constant 0 : index
      %swap3A_283 = tpu.vector_load %arg8[%swap3A_281, %swap3A_282] {strides = array<i32>} : memref<16x16xi32, #tpu.memory_space<vmem>>, vector<16xi32>,
      tpu.vector_store %arg8[%swap3A_281, %swap3A_282], %sub3A_280 {strides = array<i32>} : memref<16x16xi32, #tpu.memory_space<vmem>>, vector<16xi32>,
      %slice3A = vector.extract_strided_slice %cumsum3A_257 {offsets = [15], sizes = [1], strides = [1]} : vector<16xi32> to vector<1xi32>
      %squeeze3A = vector.extract %slice3A[0] : i32 from vector<1xi32>
      %add3A_284 = arith.addi %scan3A_241, %squeeze3A : i32
      %slice3A_285 = vector.extract_strided_slice %cumsum3A_261 {offsets = [15], sizes = [1], strides = [1]} : vector<16xi32> to vector<1xi32>
      %squeeze3A_286 = vector.extract %slice3A_285[0] : i32 from vector<1xi32>
      %add3A_287 = arith.addi %scan3A_242, %squeeze3A_286 : i32
      %slice3A_288 = vector.extract_strided_slice %cumsum3A_270 {offsets = [15], sizes = [1], strides = [1]} : vector<16xi32> to vector<1xi32>
      %squeeze3A_289 = vector.extract %slice3A_288[0] : i32 from vector<1xi32>
      %add3A_290 = arith.addi %scan3A_243, %squeeze3A_289 : i32
      scf.yield %add3A_284, %add3A_287, %add3A_290 : i32, i32, i32
    }
    %scan3A_64 = arith.constant 16 : i32
    %get3A = arith.constant 0 : i32
    %get3A_65 = arith.index_cast %get3A : i32 to index
    %get3A_66 = arith.constant 0 : index
    %get3A_67 = tpu.vector_load %arg8[%get3A_65, %get3A_66] {strides = array<i32>} : memref<16x16xi32, #tpu.memory_space<vmem>>, vector<16xi32>,
    %swap3A = arith.constant 0 : i32
    %swap3A_68 = arith.index_cast %swap3A : i32 to index
    %swap3A_69 = arith.constant 0 : index
    %swap3A_70 = tpu.vector_load %arg9[%swap3A_68, %swap3A_69] {strides = array<i32>} : memref<2x128xi32, #tpu.memory_space<vmem>>, vector<16xi32>,
    tpu.vector_store %arg9[%swap3A_68, %swap3A_69], %get3A_67 {strides = array<i32>} : memref<2x128xi32, #tpu.memory_space<vmem>>, vector<16xi32>,
    %get3A_71 = arith.constant 1 : i32
    %get3A_72 = arith.index_cast %get3A_71 : i32 to index
    %get3A_73 = arith.constant 0 : index
    %get3A_74 = tpu.vector_load %arg8[%get3A_72, %get3A_73] {strides = array<i32>} : memref<16x16xi32, #tpu.memory_space<vmem>>, vector<16xi32>,
    %swap3A_75 = arith.constant 0 : i32
    %swap3A_76 = arith.index_cast %swap3A_75 : i32 to index
    %swap3A_77 = arith.constant 16 : index
    %swap3A_78 = tpu.vector_load %arg9[%swap3A_76, %swap3A_77] {strides = array<i32>} : memref<2x128xi32, #tpu.memory_space<vmem>>, vector<16xi32>,
    tpu.vector_store %arg9[%swap3A_76, %swap3A_77], %get3A_74 {strides = array<i32>} : memref<2x128xi32, #tpu.memory_space<vmem>>, vector<16xi32>,
    %get3A_79 = arith.constant 2 : i32
    %get3A_80 = arith.index_cast %get3A_79 : i32 to index
    %get3A_81 = arith.constant 0 : index
    %get3A_82 = tpu.vector_load %arg8[%get3A_80, %get3A_81] {strides = array<i32>} : memref<16x16xi32, #tpu.memory_space<vmem>>, vector<16xi32>,
    %swap3A_83 = arith.constant 0 : i32
    %swap3A_84 = arith.index_cast %swap3A_83 : i32 to index
    %swap3A_85 = arith.constant 32 : index
    %swap3A_86 = tpu.vector_load %arg9[%swap3A_84, %swap3A_85] {strides = array<i32>} : memref<2x128xi32, #tpu.memory_space<vmem>>, vector<16xi32>,
    tpu.vector_store %arg9[%swap3A_84, %swap3A_85], %get3A_82 {strides = array<i32>} : memref<2x128xi32, #tpu.memory_space<vmem>>, vector<16xi32>,
    %get3A_87 = arith.constant 3 : i32
    %get3A_88 = arith.index_cast %get3A_87 : i32 to index
    %get3A_89 = arith.constant 0 : index
    %get3A_90 = tpu.vector_load %arg8[%get3A_88, %get3A_89] {strides = array<i32>} : memref<16x16xi32, #tpu.memory_space<vmem>>, vector<16xi32>,
    %swap3A_91 = arith.constant 0 : i32
    %swap3A_92 = arith.index_cast %swap3A_91 : i32 to index
    %swap3A_93 = arith.constant 48 : index
    %swap3A_94 = tpu.vector_load %arg9[%swap3A_92, %swap3A_93] {strides = array<i32>} : memref<2x128xi32, #tpu.memory_space<vmem>>, vector<16xi32>,
    tpu.vector_store %arg9[%swap3A_92, %swap3A_93], %get3A_90 {strides = array<i32>} : memref<2x128xi32, #tpu.memory_space<vmem>>, vector<16xi32>,
    %get3A_95 = arith.constant 4 : i32
    %get3A_96 = arith.index_cast %get3A_95 : i32 to index
    %get3A_97 = arith.constant 0 : index
    %get3A_98 = tpu.vector_load %arg8[%get3A_96, %get3A_97] {strides = array<i32>} : memref<16x16xi32, #tpu.memory_space<vmem>>, vector<16xi32>,
    %swap3A_99 = arith.constant 0 : i32
    %swap3A_100 = arith.index_cast %swap3A_99 : i32 to index
    %swap3A_101 = arith.constant 64 : index
    %swap3A_102 = tpu.vector_load %arg9[%swap3A_100, %swap3A_101] {strides = array<i32>} : memref<2x128xi32, #tpu.memory_space<vmem>>, vector<16xi32>,
    tpu.vector_store %arg9[%swap3A_100, %swap3A_101], %get3A_98 {strides = array<i32>} : memref<2x128xi32, #tpu.memory_space<vmem>>, vector<16xi32>,
    %get3A_103 = arith.constant 5 : i32
    %get3A_104 = arith.index_cast %get3A_103 : i32 to index
    %get3A_105 = arith.constant 0 : index
    %get3A_106 = tpu.vector_load %arg8[%get3A_104, %get3A_105] {strides = array<i32>} : memref<16x16xi32, #tpu.memory_space<vmem>>, vector<16xi32>,
    %swap3A_107 = arith.constant 0 : i32
    %swap3A_108 = arith.index_cast %swap3A_107 : i32 to index
    %swap3A_109 = arith.constant 80 : index
    %swap3A_110 = tpu.vector_load %arg9[%swap3A_108, %swap3A_109] {strides = array<i32>} : memref<2x128xi32, #tpu.memory_space<vmem>>, vector<16xi32>,
    tpu.vector_store %arg9[%swap3A_108, %swap3A_109], %get3A_106 {strides = array<i32>} : memref<2x128xi32, #tpu.memory_space<vmem>>, vector<16xi32>,
    %get3A_111 = arith.constant 6 : i32
    %get3A_112 = arith.index_cast %get3A_111 : i32 to index
    %get3A_113 = arith.constant 0 : index
    %get3A_114 = tpu.vector_load %arg8[%get3A_112, %get3A_113] {strides = array<i32>} : memref<16x16xi32, #tpu.memory_space<vmem>>, vector<16xi32>,
    %swap3A_115 = arith.constant 0 : i32
    %swap3A_116 = arith.index_cast %swap3A_115 : i32 to index
    %swap3A_117 = arith.constant 96 : index
    %swap3A_118 = tpu.vector_load %arg9[%swap3A_116, %swap3A_117] {strides = array<i32>} : memref<2x128xi32, #tpu.memory_space<vmem>>, vector<16xi32>,
    tpu.vector_store %arg9[%swap3A_116, %swap3A_117], %get3A_114 {strides = array<i32>} : memref<2x128xi32, #tpu.memory_space<vmem>>, vector<16xi32>,
    %get3A_119 = arith.constant 7 : i32
    %get3A_120 = arith.index_cast %get3A_119 : i32 to index
    %get3A_121 = arith.constant 0 : index
    %get3A_122 = tpu.vector_load %arg8[%get3A_120, %get3A_121] {strides = array<i32>} : memref<16x16xi32, #tpu.memory_space<vmem>>, vector<16xi32>,
    %swap3A_123 = arith.constant 0 : i32
    %swap3A_124 = arith.index_cast %swap3A_123 : i32 to index
    %swap3A_125 = arith.constant 112 : index
    %swap3A_126 = tpu.vector_load %arg9[%swap3A_124, %swap3A_125] {strides = array<i32>} : memref<2x128xi32, #tpu.memory_space<vmem>>, vector<16xi32>,
    tpu.vector_store %arg9[%swap3A_124, %swap3A_125], %get3A_122 {strides = array<i32>} : memref<2x128xi32, #tpu.memory_space<vmem>>, vector<16xi32>,
    %get3A_127 = arith.constant 8 : i32
    %get3A_128 = arith.index_cast %get3A_127 : i32 to index
    %get3A_129 = arith.constant 0 : index
    %get3A_130 = tpu.vector_load %arg8[%get3A_128, %get3A_129] {strides = array<i32>} : memref<16x16xi32, #tpu.memory_space<vmem>>, vector<16xi32>,
    %swap3A_131 = arith.constant 1 : i32
    %swap3A_132 = arith.index_cast %swap3A_131 : i32 to index
    %swap3A_133 = arith.constant 0 : index
    %swap3A_134 = tpu.vector_load %arg9[%swap3A_132, %swap3A_133] {strides = array<i32>} : memref<2x128xi32, #tpu.memory_space<vmem>>, vector<16xi32>,
    tpu.vector_store %arg9[%swap3A_132, %swap3A_133], %get3A_130 {strides = array<i32>} : memref<2x128xi32, #tpu.memory_space<vmem>>, vector<16xi32>,
    %get3A_135 = arith.constant 9 : i32
    %get3A_136 = arith.index_cast %get3A_135 : i32 to index
    %get3A_137 = arith.constant 0 : index
    %get3A_138 = tpu.vector_load %arg8[%get3A_136, %get3A_137] {strides = array<i32>} : memref<16x16xi32, #tpu.memory_space<vmem>>, vector<16xi32>,
    %swap3A_139 = arith.constant 1 : i32
    %swap3A_140 = arith.index_cast %swap3A_139 : i32 to index
    %swap3A_141 = arith.constant 16 : index
    %swap3A_142 = tpu.vector_load %arg9[%swap3A_140, %swap3A_141] {strides = array<i32>} : memref<2x128xi32, #tpu.memory_space<vmem>>, vector<16xi32>,
    tpu.vector_store %arg9[%swap3A_140, %swap3A_141], %get3A_138 {strides = array<i32>} : memref<2x128xi32, #tpu.memory_space<vmem>>, vector<16xi32>,
    %get3A_143 = arith.constant 10 : i32
    %get3A_144 = arith.index_cast %get3A_143 : i32 to index
    %get3A_145 = arith.constant 0 : index
    %get3A_146 = tpu.vector_load %arg8[%get3A_144, %get3A_145] {strides = array<i32>} : memref<16x16xi32, #tpu.memory_space<vmem>>, vector<16xi32>,
    %swap3A_147 = arith.constant 1 : i32
    %swap3A_148 = arith.index_cast %swap3A_147 : i32 to index
    %swap3A_149 = arith.constant 32 : index
    %swap3A_150 = tpu.vector_load %arg9[%swap3A_148, %swap3A_149] {strides = array<i32>} : memref<2x128xi32, #tpu.memory_space<vmem>>, vector<16xi32>,
    tpu.vector_store %arg9[%swap3A_148, %swap3A_149], %get3A_146 {strides = array<i32>} : memref<2x128xi32, #tpu.memory_space<vmem>>, vector<16xi32>,
    %get3A_151 = arith.constant 11 : i32
    %get3A_152 = arith.index_cast %get3A_151 : i32 to index
    %get3A_153 = arith.constant 0 : index
    %get3A_154 = tpu.vector_load %arg8[%get3A_152, %get3A_153] {strides = array<i32>} : memref<16x16xi32, #tpu.memory_space<vmem>>, vector<16xi32>,
    %swap3A_155 = arith.constant 1 : i32
    %swap3A_156 = arith.index_cast %swap3A_155 : i32 to index
    %swap3A_157 = arith.constant 48 : index
    %swap3A_158 = tpu.vector_load %arg9[%swap3A_156, %swap3A_157] {strides = array<i32>} : memref<2x128xi32, #tpu.memory_space<vmem>>, vector<16xi32>,
    tpu.vector_store %arg9[%swap3A_156, %swap3A_157], %get3A_154 {strides = array<i32>} : memref<2x128xi32, #tpu.memory_space<vmem>>, vector<16xi32>,
    %get3A_159 = arith.constant 12 : i32
    %get3A_160 = arith.index_cast %get3A_159 : i32 to index
    %get3A_161 = arith.constant 0 : index
    %get3A_162 = tpu.vector_load %arg8[%get3A_160, %get3A_161] {strides = array<i32>} : memref<16x16xi32, #tpu.memory_space<vmem>>, vector<16xi32>,
    %swap3A_163 = arith.constant 1 : i32
    %swap3A_164 = arith.index_cast %swap3A_163 : i32 to index
    %swap3A_165 = arith.constant 64 : index
    %swap3A_166 = tpu.vector_load %arg9[%swap3A_164, %swap3A_165] {strides = array<i32>} : memref<2x128xi32, #tpu.memory_space<vmem>>, vector<16xi32>,
    tpu.vector_store %arg9[%swap3A_164, %swap3A_165], %get3A_162 {strides = array<i32>} : memref<2x128xi32, #tpu.memory_space<vmem>>, vector<16xi32>,
    %get3A_167 = arith.constant 13 : i32
    %get3A_168 = arith.index_cast %get3A_167 : i32 to index
    %get3A_169 = arith.constant 0 : index
    %get3A_170 = tpu.vector_load %arg8[%get3A_168, %get3A_169] {strides = array<i32>} : memref<16x16xi32, #tpu.memory_space<vmem>>, vector<16xi32>,
    %swap3A_171 = arith.constant 1 : i32
    %swap3A_172 = arith.index_cast %swap3A_171 : i32 to index
    %swap3A_173 = arith.constant 80 : index
    %swap3A_174 = tpu.vector_load %arg9[%swap3A_172, %swap3A_173] {strides = array<i32>} : memref<2x128xi32, #tpu.memory_space<vmem>>, vector<16xi32>,
    tpu.vector_store %arg9[%swap3A_172, %swap3A_173], %get3A_170 {strides = array<i32>} : memref<2x128xi32, #tpu.memory_space<vmem>>, vector<16xi32>,
    %get3A_175 = arith.constant 14 : i32
    %get3A_176 = arith.index_cast %get3A_175 : i32 to index
    %get3A_177 = arith.constant 0 : index
    %get3A_178 = tpu.vector_load %arg8[%get3A_176, %get3A_177] {strides = array<i32>} : memref<16x16xi32, #tpu.memory_space<vmem>>, vector<16xi32>,
    %swap3A_179 = arith.constant 1 : i32
    %swap3A_180 = arith.index_cast %swap3A_179 : i32 to index
    %swap3A_181 = arith.constant 96 : index
    %swap3A_182 = tpu.vector_load %arg9[%swap3A_180, %swap3A_181] {strides = array<i32>} : memref<2x128xi32, #tpu.memory_space<vmem>>, vector<16xi32>,
    tpu.vector_store %arg9[%swap3A_180, %swap3A_181], %get3A_178 {strides = array<i32>} : memref<2x128xi32, #tpu.memory_space<vmem>>, vector<16xi32>,
    %get3A_183 = arith.constant 15 : i32
    %get3A_184 = arith.index_cast %get3A_183 : i32 to index
    %get3A_185 = arith.constant 0 : index
    %get3A_186 = tpu.vector_load %arg8[%get3A_184, %get3A_185] {strides = array<i32>} : memref<16x16xi32, #tpu.memory_space<vmem>>, vector<16xi32>,
    %swap3A_187 = arith.constant 1 : i32
    %swap3A_188 = arith.index_cast %swap3A_187 : i32 to index
    %swap3A_189 = arith.constant 112 : index
    %swap3A_190 = tpu.vector_load %arg9[%swap3A_188, %swap3A_189] {strides = array<i32>} : memref<2x128xi32, #tpu.memory_space<vmem>>, vector<16xi32>,
    tpu.vector_store %arg9[%swap3A_188, %swap3A_189], %get3A_186 {strides = array<i32>} : memref<2x128xi32, #tpu.memory_space<vmem>>, vector<16xi32>,
    "tpu.region"() ({
      %run_scoped3A = tpu.sem_alloc : memref<!tpu.dma_semaphore, #tpu.memory_space<semaphore_mem>>
      %dma_start3A_240 = arith.constant 0 : i32
      %dma_start3A_241 = arith.constant 0 : i32
      %dma_start3A_242 = tpu.memref_slice %arg4[%add3A, %dma_start3A_240, %dma_start3A_241] : memref<32x2x128xi32, #tpu.memory_space<hbm>> -> memref<1x2x128xi32, #tpu.memory_space<hbm>>
      %dma_start3A_243 = tpu.memref_squeeze %dma_start3A_242 : memref<1x2x128xi32, #tpu.memory_space<hbm>> -> memref<2x128xi32, #tpu.memory_space<hbm>>
      %dma_start3A_244 = arith.constant 0 : i32
      %dma_start3A_245 = arith.constant 0 : i32
      %dma_start3A_246 = tpu.memref_slice %arg4[%add3A, %dma_start3A_244, %dma_start3A_245] : memref<32x2x128xi32, #tpu.memory_space<hbm>> -> memref<1x2x128xi32, #tpu.memory_space<hbm>>
      %dma_start3A_247 = tpu.memref_squeeze %dma_start3A_246 : memref<1x2x128xi32, #tpu.memory_space<hbm>> -> memref<2x128xi32, #tpu.memory_space<hbm>>
      tpu.enqueue_dma source(%arg9 : memref<2x128xi32, #tpu.memory_space<vmem>>) target(%dma_start3A_247 : memref<2x128xi32, #tpu.memory_space<hbm>>) target_semaphore(%run_scoped3A : memref<!tpu.dma_semaphore, #tpu.memory_space<semaphore_mem>>)
      %dma_wait3A_248 = arith.constant 0 : i32
      %dma_wait3A_249 = arith.constant 0 : i32
      %dma_wait3A_250 = tpu.memref_slice %arg4[%add3A, %dma_wait3A_248, %dma_wait3A_249] : memref<32x2x128xi32, #tpu.memory_space<hbm>> -> memref<1x2x128xi32, #tpu.memory_space<hbm>>
      %dma_wait3A_251 = tpu.memref_squeeze %dma_wait3A_250 : memref<1x2x128xi32, #tpu.memory_space<hbm>> -> memref<2x128xi32, #tpu.memory_space<hbm>>
      %dma_wait3A_252 = arith.constant 0 : i32
      %dma_wait3A_253 = arith.constant 0 : i32
      %dma_wait3A_254 = tpu.memref_slice %arg4[%add3A, %dma_wait3A_252, %dma_wait3A_253] : memref<32x2x128xi32, #tpu.memory_space<hbm>> -> memref<1x2x128xi32, #tpu.memory_space<hbm>>
      %dma_wait3A_255 = tpu.memref_squeeze %dma_wait3A_254 : memref<1x2x128xi32, #tpu.memory_space<hbm>> -> memref<2x128xi32, #tpu.memory_space<hbm>>
      tpu.wait_dma2 semaphore(%run_scoped3A : memref<!tpu.dma_semaphore, #tpu.memory_space<semaphore_mem>>) src(%arg9 : memref<2x128xi32, #tpu.memory_space<vmem>>) dst(%dma_wait3A_255 : memref<2x128xi32, #tpu.memory_space<hbm>>)
      tpu.yield
    }) : () -> ()
    %add3A_191 = arith.constant 0 : i32
    %add3A_192 = arith.addi %add3A_191, %mul3A_2 : i32
    %add3A_193 = arith.constant 0 : i32
    %add3A_194 = arith.addi %add3A_192, %add3A_193 : i32
    %dma_start3A = arith.constant 0 : i32
    %dma_start3A_195 = tpu.memref_slice %arg3[%add3A_194, %dma_start3A] : memref<16384x2048xf32, #tpu.memory_space<hbm>> -> memref<16x2048xf32, #tpu.memory_space<hbm>>
    %dma_start3A_196 = arith.constant 0 : i32
    %dma_start3A_197 = tpu.memref_slice %arg3[%add3A_194, %dma_start3A_196] : memref<16384x2048xf32, #tpu.memory_space<hbm>> -> memref<16x2048xf32, #tpu.memory_space<hbm>>
    tpu.enqueue_dma source(%dma_start3A_197 : memref<16x2048xf32, #tpu.memory_space<hbm>>) target(%arg10 : memref<16x2048xf32, #tpu.memory_space<vmem>>) target_semaphore(%arg14 : memref<!tpu.dma_semaphore, #tpu.memory_space<semaphore_mem>>)
    %scan3A_198 = arith.constant 0 : i32
    %scan3A_199 = arith.constant 0 : i32
    %scan3A_200 = arith.constant 5 : i32
    %scan3A_201 = arith.addi %scan3A_199, %scan3A_200 : i32
    %scan3A_202 = arith.constant 1 : i32
    %scan3A_203 = scf.for %scan3A_240 = %scan3A_199 to %scan3A_201 step %scan3A_202 iter_args(%scan3A_241 = %scan3A_198) -> (i32)  : i32 {
      %mul3A_242 = arith.constant 3 : i32
      %mul3A_243 = arith.muli %mul3A_242, %scan3A_240 : i32
      %add3A_244 = arith.constant 0 : i32
      %add3A_245 = arith.addi %mul3A_243, %add3A_244 : i32
      %ge3A = arith.constant 1 : i32
      %ge3A_246 = arith.cmpi sge, %scan3A_240, %ge3A : i32
      %convert_element_type3A_247 = arith.extui %ge3A_246 : i1 to i32
      %cond3A_248 = arith.constant 0 : i32
      %cond3A_249 = arith.cmpi ne, %convert_element_type3A_247, %cond3A_248 : i32
      scf.if %cond3A_249 {
        %sub3A_350 = arith.constant 2 : i32
        %sub3A_351 = arith.subi %add3A_245, %sub3A_350 : i32
        %dma_wait3A_352 = arith.constant 0 : i32
        %dma_wait3A_353 = tpu.memref_slice %arg8[%sub3A_351, %dma_wait3A_352] : memref<16x16xi32, #tpu.memory_space<vmem>> -> memref<1x16xi32, #tpu.memory_space<vmem>>
        %dma_wait3A_354 = tpu.memref_squeeze %dma_wait3A_353 : memref<1x16xi32, #tpu.memory_space<vmem>> -> memref<16xi32, #tpu.memory_space<vmem>>
        %dma_wait3A_355 = arith.constant 0 : i32
        %dma_wait3A_356 = arith.constant 0 : i32
        %dma_wait3A_357 = tpu.memref_slice %arg6[%dma_wait3A_355, %dma_wait3A_356] : memref<9216x2048xf32, #tpu.memory_space<hbm>> -> memref<9216x2048xf32, #tpu.memory_space<hbm>>
        tpu.wait_indirect_dma semaphore(%arg18 : memref<!tpu.dma_semaphore, #tpu.memory_space<semaphore_mem>>) src(%arg11 : memref<16x2048xf32, #tpu.memory_space<vmem>>) dst(%dma_wait3A_357 : memref<9216x2048xf32, #tpu.memory_space<hbm>>)
      } else {
      }
      %add3A_250 = arith.constant 1 : i32
      %add3A_251 = arith.addi %add3A_245, %add3A_250 : i32
      %add3A_252 = arith.constant 0 : i32
      %add3A_253 = arith.addi %add3A_252, %mul3A_2 : i32
      %mul3A_254 = arith.constant 16 : i32
      %mul3A_255 = arith.muli %add3A_251, %mul3A_254 : i32
      %add3A_256 = arith.addi %add3A_253, %mul3A_255 : i32
      %dma_start3A_257 = arith.constant 0 : i32
      %dma_start3A_258 = tpu.memref_slice %arg3[%add3A_256, %dma_start3A_257] : memref<16384x2048xf32, #tpu.memory_space<hbm>> -> memref<16x2048xf32, #tpu.memory_space<hbm>>
      %dma_start3A_259 = arith.constant 0 : i32
      %dma_start3A_260 = tpu.memref_slice %arg3[%add3A_256, %dma_start3A_259] : memref<16384x2048xf32, #tpu.memory_space<hbm>> -> memref<16x2048xf32, #tpu.memory_space<hbm>>
      tpu.enqueue_dma source(%dma_start3A_260 : memref<16x2048xf32, #tpu.memory_space<hbm>>) target(%arg11 : memref<16x2048xf32, #tpu.memory_space<vmem>>) target_semaphore(%arg15 : memref<!tpu.dma_semaphore, #tpu.memory_space<semaphore_mem>>)
      %add3A_261 = arith.constant 0 : i32
      %add3A_262 = arith.addi %add3A_261, %mul3A_2 : i32
      %mul3A_263 = arith.constant 16 : i32
      %mul3A_264 = arith.muli %add3A_245, %mul3A_263 : i32
      %add3A_265 = arith.addi %add3A_262, %mul3A_264 : i32
      %dma_wait3A_266 = arith.constant 0 : i32
      %dma_wait3A_267 = tpu.memref_slice %arg3[%add3A_265, %dma_wait3A_266] : memref<16384x2048xf32, #tpu.memory_space<hbm>> -> memref<16x2048xf32, #tpu.memory_space<hbm>>
      %dma_wait3A_268 = arith.constant 0 : i32
      %dma_wait3A_269 = tpu.memref_slice %arg3[%add3A_265, %dma_wait3A_268] : memref<16384x2048xf32, #tpu.memory_space<hbm>> -> memref<16x2048xf32, #tpu.memory_space<hbm>>
      tpu.wait_dma2 semaphore(%arg14 : memref<!tpu.dma_semaphore, #tpu.memory_space<semaphore_mem>>) src(%dma_wait3A_269 : memref<16x2048xf32, #tpu.memory_space<hbm>>) dst(%arg10 : memref<16x2048xf32, #tpu.memory_space<vmem>>)
      %dma_start3A_270 = arith.constant 0 : i32
      %dma_start3A_271 = tpu.memref_slice %arg8[%add3A_245, %dma_start3A_270] : memref<16x16xi32, #tpu.memory_space<vmem>> -> memref<1x16xi32, #tpu.memory_space<vmem>>
      %dma_start3A_272 = tpu.memref_squeeze %dma_start3A_271 : memref<1x16xi32, #tpu.memory_space<vmem>> -> memref<16xi32, #tpu.memory_space<vmem>>
      %dma_start3A_273 = arith.constant 0 : i32
      %dma_start3A_274 = arith.constant 0 : i32
      %dma_start3A_275 = tpu.memref_slice %arg6[%dma_start3A_273, %dma_start3A_274] : memref<9216x2048xf32, #tpu.memory_space<hbm>> -> memref<9216x2048xf32, #tpu.memory_space<hbm>>
      tpu.enqueue_indirect_dma source(%arg10 : memref<16x2048xf32, #tpu.memory_space<vmem>>) target(%dma_start3A_275 : memref<9216x2048xf32, #tpu.memory_space<hbm>>) offsets(%dma_start3A_272 : memref<16xi32, #tpu.memory_space<vmem>>) semaphore(%arg17 : memref<!tpu.dma_semaphore, #tpu.memory_space<semaphore_mem>>)
      %mul3A_276 = arith.constant 3 : i32
      %mul3A_277 = arith.muli %mul3A_276, %scan3A_240 : i32
      %add3A_278 = arith.constant 1 : i32
      %add3A_279 = arith.addi %mul3A_277, %add3A_278 : i32
      %ge3A_280 = arith.constant 1 : i32
      %ge3A_281 = arith.cmpi sge, %scan3A_240, %ge3A_280 : i32
      %convert_element_type3A_282 = arith.extui %ge3A_281 : i1 to i32
      %cond3A_283 = arith.constant 0 : i32
      %cond3A_284 = arith.cmpi ne, %convert_element_type3A_282, %cond3A_283 : i32
      scf.if %cond3A_284 {
        %sub3A_350 = arith.constant 2 : i32
        %sub3A_351 = arith.subi %add3A_279, %sub3A_350 : i32
        %dma_wait3A_352 = arith.constant 0 : i32
        %dma_wait3A_353 = tpu.memref_slice %arg8[%sub3A_351, %dma_wait3A_352] : memref<16x16xi32, #tpu.memory_space<vmem>> -> memref<1x16xi32, #tpu.memory_space<vmem>>
        %dma_wait3A_354 = tpu.memref_squeeze %dma_wait3A_353 : memref<1x16xi32, #tpu.memory_space<vmem>> -> memref<16xi32, #tpu.memory_space<vmem>>
        %dma_wait3A_355 = arith.constant 0 : i32
        %dma_wait3A_356 = arith.constant 0 : i32
        %dma_wait3A_357 = tpu.memref_slice %arg6[%dma_wait3A_355, %dma_wait3A_356] : memref<9216x2048xf32, #tpu.memory_space<hbm>> -> memref<9216x2048xf32, #tpu.memory_space<hbm>>
        tpu.wait_indirect_dma semaphore(%arg19 : memref<!tpu.dma_semaphore, #tpu.memory_space<semaphore_mem>>) src(%arg12 : memref<16x2048xf32, #tpu.memory_space<vmem>>) dst(%dma_wait3A_357 : memref<9216x2048xf32, #tpu.memory_space<hbm>>)
      } else {
      }
      %add3A_285 = arith.constant 1 : i32
      %add3A_286 = arith.addi %add3A_279, %add3A_285 : i32
      %add3A_287 = arith.constant 0 : i32
      %add3A_288 = arith.addi %add3A_287, %mul3A_2 : i32
      %mul3A_289 = arith.constant 16 : i32
      %mul3A_290 = arith.muli %add3A_286, %mul3A_289 : i32
      %add3A_291 = arith.addi %add3A_288, %mul3A_290 : i32
      %dma_start3A_292 = arith.constant 0 : i32
      %dma_start3A_293 = tpu.memref_slice %arg3[%add3A_291, %dma_start3A_292] : memref<16384x2048xf32, #tpu.memory_space<hbm>> -> memref<16x2048xf32, #tpu.memory_space<hbm>>
      %dma_start3A_294 = arith.constant 0 : i32
      %dma_start3A_295 = tpu.memref_slice %arg3[%add3A_291, %dma_start3A_294] : memref<16384x2048xf32, #tpu.memory_space<hbm>> -> memref<16x2048xf32, #tpu.memory_space<hbm>>
      tpu.enqueue_dma source(%dma_start3A_295 : memref<16x2048xf32, #tpu.memory_space<hbm>>) target(%arg12 : memref<16x2048xf32, #tpu.memory_space<vmem>>) target_semaphore(%arg16 : memref<!tpu.dma_semaphore, #tpu.memory_space<semaphore_mem>>)
      %add3A_296 = arith.constant 0 : i32
      %add3A_297 = arith.addi %add3A_296, %mul3A_2 : i32
      %mul3A_298 = arith.constant 16 : i32
      %mul3A_299 = arith.muli %add3A_279, %mul3A_298 : i32
      %add3A_300 = arith.addi %add3A_297, %mul3A_299 : i32
      %dma_wait3A_301 = arith.constant 0 : i32
      %dma_wait3A_302 = tpu.memref_slice %arg3[%add3A_300, %dma_wait3A_301] : memref<16384x2048xf32, #tpu.memory_space<hbm>> -> memref<16x2048xf32, #tpu.memory_space<hbm>>
      %dma_wait3A_303 = arith.constant 0 : i32
      %dma_wait3A_304 = tpu.memref_slice %arg3[%add3A_300, %dma_wait3A_303] : memref<16384x2048xf32, #tpu.memory_space<hbm>> -> memref<16x2048xf32, #tpu.memory_space<hbm>>
      tpu.wait_dma2 semaphore(%arg15 : memref<!tpu.dma_semaphore, #tpu.memory_space<semaphore_mem>>) src(%dma_wait3A_304 : memref<16x2048xf32, #tpu.memory_space<hbm>>) dst(%arg11 : memref<16x2048xf32, #tpu.memory_space<vmem>>)
      %dma_start3A_305 = arith.constant 0 : i32
      %dma_start3A_306 = tpu.memref_slice %arg8[%add3A_279, %dma_start3A_305] : memref<16x16xi32, #tpu.memory_space<vmem>> -> memref<1x16xi32, #tpu.memory_space<vmem>>
      %dma_start3A_307 = tpu.memref_squeeze %dma_start3A_306 : memref<1x16xi32, #tpu.memory_space<vmem>> -> memref<16xi32, #tpu.memory_space<vmem>>
      %dma_start3A_308 = arith.constant 0 : i32
      %dma_start3A_309 = arith.constant 0 : i32
      %dma_start3A_310 = tpu.memref_slice %arg6[%dma_start3A_308, %dma_start3A_309] : memref<9216x2048xf32, #tpu.memory_space<hbm>> -> memref<9216x2048xf32, #tpu.memory_space<hbm>>
      tpu.enqueue_indirect_dma source(%arg11 : memref<16x2048xf32, #tpu.memory_space<vmem>>) target(%dma_start3A_310 : memref<9216x2048xf32, #tpu.memory_space<hbm>>) offsets(%dma_start3A_307 : memref<16xi32, #tpu.memory_space<vmem>>) semaphore(%arg18 : memref<!tpu.dma_semaphore, #tpu.memory_space<semaphore_mem>>)
      %mul3A_311 = arith.constant 3 : i32
      %mul3A_312 = arith.muli %mul3A_311, %scan3A_240 : i32
      %add3A_313 = arith.constant 2 : i32
      %add3A_314 = arith.addi %mul3A_312, %add3A_313 : i32
      %sub3A_315 = arith.constant 2 : i32
      %sub3A_316 = arith.subi %add3A_314, %sub3A_315 : i32
      %dma_wait3A_317 = arith.constant 0 : i32
      %dma_wait3A_318 = tpu.memref_slice %arg8[%sub3A_316, %dma_wait3A_317] : memref<16x16xi32, #tpu.memory_space<vmem>> -> memref<1x16xi32, #tpu.memory_space<vmem>>
      %dma_wait3A_319 = tpu.memref_squeeze %dma_wait3A_318 : memref<1x16xi32, #tpu.memory_space<vmem>> -> memref<16xi32, #tpu.memory_space<vmem>>
      %dma_wait3A_320 = arith.constant 0 : i32
      %dma_wait3A_321 = arith.constant 0 : i32
      %dma_wait3A_322 = tpu.memref_slice %arg6[%dma_wait3A_320, %dma_wait3A_321] : memref<9216x2048xf32, #tpu.memory_space<hbm>> -> memref<9216x2048xf32, #tpu.memory_space<hbm>>
      tpu.wait_indirect_dma semaphore(%arg17 : memref<!tpu.dma_semaphore, #tpu.memory_space<semaphore_mem>>) src(%arg10 : memref<16x2048xf32, #tpu.memory_space<vmem>>) dst(%dma_wait3A_322 : memref<9216x2048xf32, #tpu.memory_space<hbm>>)
      %add3A_323 = arith.constant 1 : i32
      %add3A_324 = arith.addi %add3A_314, %add3A_323 : i32
      %add3A_325 = arith.constant 0 : i32
      %add3A_326 = arith.addi %add3A_325, %mul3A_2 : i32
      %mul3A_327 = arith.constant 16 : i32
      %mul3A_328 = arith.muli %add3A_324, %mul3A_327 : i32
      %add3A_329 = arith.addi %add3A_326, %mul3A_328 : i32
      %dma_start3A_330 = arith.constant 0 : i32
      %dma_start3A_331 = tpu.memref_slice %arg3[%add3A_329, %dma_start3A_330] : memref<16384x2048xf32, #tpu.memory_space<hbm>> -> memref<16x2048xf32, #tpu.memory_space<hbm>>
      %dma_start3A_332 = arith.constant 0 : i32
      %dma_start3A_333 = tpu.memref_slice %arg3[%add3A_329, %dma_start3A_332] : memref<16384x2048xf32, #tpu.memory_space<hbm>> -> memref<16x2048xf32, #tpu.memory_space<hbm>>
      tpu.enqueue_dma source(%dma_start3A_333 : memref<16x2048xf32, #tpu.memory_space<hbm>>) target(%arg10 : memref<16x2048xf32, #tpu.memory_space<vmem>>) target_semaphore(%arg14 : memref<!tpu.dma_semaphore, #tpu.memory_space<semaphore_mem>>)
      %add3A_334 = arith.constant 0 : i32
      %add3A_335 = arith.addi %add3A_334, %mul3A_2 : i32
      %mul3A_336 = arith.constant 16 : i32
      %mul3A_337 = arith.muli %add3A_314, %mul3A_336 : i32
      %add3A_338 = arith.addi %add3A_335, %mul3A_337 : i32
      %dma_wait3A_339 = arith.constant 0 : i32
      %dma_wait3A_340 = tpu.memref_slice %arg3[%add3A_338, %dma_wait3A_339] : memref<16384x2048xf32, #tpu.memory_space<hbm>> -> memref<16x2048xf32, #tpu.memory_space<hbm>>
      %dma_wait3A_341 = arith.constant 0 : i32
      %dma_wait3A_342 = tpu.memref_slice %arg3[%add3A_338, %dma_wait3A_341] : memref<16384x2048xf32, #tpu.memory_space<hbm>> -> memref<16x2048xf32, #tpu.memory_space<hbm>>
      tpu.wait_dma2 semaphore(%arg16 : memref<!tpu.dma_semaphore, #tpu.memory_space<semaphore_mem>>) src(%dma_wait3A_342 : memref<16x2048xf32, #tpu.memory_space<hbm>>) dst(%arg12 : memref<16x2048xf32, #tpu.memory_space<vmem>>)
      %dma_start3A_343 = arith.constant 0 : i32
      %dma_start3A_344 = tpu.memref_slice %arg8[%add3A_314, %dma_start3A_343] : memref<16x16xi32, #tpu.memory_space<vmem>> -> memref<1x16xi32, #tpu.memory_space<vmem>>
      %dma_start3A_345 = tpu.memref_squeeze %dma_start3A_344 : memref<1x16xi32, #tpu.memory_space<vmem>> -> memref<16xi32, #tpu.memory_space<vmem>>
      %dma_start3A_346 = arith.constant 0 : i32
      %dma_start3A_347 = arith.constant 0 : i32
      %dma_start3A_348 = tpu.memref_slice %arg6[%dma_start3A_346, %dma_start3A_347] : memref<9216x2048xf32, #tpu.memory_space<hbm>> -> memref<9216x2048xf32, #tpu.memory_space<hbm>>
      tpu.enqueue_indirect_dma source(%arg12 : memref<16x2048xf32, #tpu.memory_space<vmem>>) target(%dma_start3A_348 : memref<9216x2048xf32, #tpu.memory_space<hbm>>) offsets(%dma_start3A_345 : memref<16xi32, #tpu.memory_space<vmem>>) semaphore(%arg19 : memref<!tpu.dma_semaphore, #tpu.memory_space<semaphore_mem>>)
      %scan3A_349 = arith.constant 0 : i32
      scf.yield %scan3A_349 : i32
    }
    %scan3A_204 = arith.constant 5 : i32
    %dma_wait3A = arith.constant 13 : i32
    %dma_wait3A_205 = arith.constant 0 : i32
    %dma_wait3A_206 = tpu.memref_slice %arg8[%dma_wait3A, %dma_wait3A_205] : memref<16x16xi32, #tpu.memory_space<vmem>> -> memref<1x16xi32, #tpu.memory_space<vmem>>
    %dma_wait3A_207 = tpu.memref_squeeze %dma_wait3A_206 : memref<1x16xi32, #tpu.memory_space<vmem>> -> memref<16xi32, #tpu.memory_space<vmem>>
    %dma_wait3A_208 = arith.constant 0 : i32
    %dma_wait3A_209 = arith.constant 0 : i32
    %dma_wait3A_210 = tpu.memref_slice %arg6[%dma_wait3A_208, %dma_wait3A_209] : memref<9216x2048xf32, #tpu.memory_space<hbm>> -> memref<9216x2048xf32, #tpu.memory_space<hbm>>
    tpu.wait_indirect_dma semaphore(%arg18 : memref<!tpu.dma_semaphore, #tpu.memory_space<semaphore_mem>>) src(%arg11 : memref<16x2048xf32, #tpu.memory_space<vmem>>) dst(%dma_wait3A_210 : memref<9216x2048xf32, #tpu.memory_space<hbm>>)
    %add3A_211 = arith.constant 0 : i32
    %add3A_212 = arith.addi %add3A_211, %mul3A_2 : i32
    %add3A_213 = arith.constant 240 : i32
    %add3A_214 = arith.addi %add3A_212, %add3A_213 : i32
    %dma_wait3A_215 = arith.constant 0 : i32
    %dma_wait3A_216 = tpu.memref_slice %arg3[%add3A_214, %dma_wait3A_215] : memref<16384x2048xf32, #tpu.memory_space<hbm>> -> memref<16x2048xf32, #tpu.memory_space<hbm>>
    %dma_wait3A_217 = arith.constant 0 : i32
    %dma_wait3A_218 = tpu.memref_slice %arg3[%add3A_214, %dma_wait3A_217] : memref<16384x2048xf32, #tpu.memory_space<hbm>> -> memref<16x2048xf32, #tpu.memory_space<hbm>>
    tpu.wait_dma2 semaphore(%arg14 : memref<!tpu.dma_semaphore, #tpu.memory_space<semaphore_mem>>) src(%dma_wait3A_218 : memref<16x2048xf32, #tpu.memory_space<hbm>>) dst(%arg10 : memref<16x2048xf32, #tpu.memory_space<vmem>>)
    %dma_start3A_219 = arith.constant 15 : i32
    %dma_start3A_220 = arith.constant 0 : i32
    %dma_start3A_221 = tpu.memref_slice %arg8[%dma_start3A_219, %dma_start3A_220] : memref<16x16xi32, #tpu.memory_space<vmem>> -> memref<1x16xi32, #tpu.memory_space<vmem>>
    %dma_start3A_222 = tpu.memref_squeeze %dma_start3A_221 : memref<1x16xi32, #tpu.memory_space<vmem>> -> memref<16xi32, #tpu.memory_space<vmem>>
    %dma_start3A_223 = arith.constant 0 : i32
    %dma_start3A_224 = arith.constant 0 : i32
    %dma_start3A_225 = tpu.memref_slice %arg6[%dma_start3A_223, %dma_start3A_224] : memref<9216x2048xf32, #tpu.memory_space<hbm>> -> memref<9216x2048xf32, #tpu.memory_space<hbm>>
    tpu.enqueue_indirect_dma source(%arg10 : memref<16x2048xf32, #tpu.memory_space<vmem>>) target(%dma_start3A_225 : memref<9216x2048xf32, #tpu.memory_space<hbm>>) offsets(%dma_start3A_222 : memref<16xi32, #tpu.memory_space<vmem>>) semaphore(%arg17 : memref<!tpu.dma_semaphore, #tpu.memory_space<semaphore_mem>>)
    %dma_wait3A_226 = arith.constant 14 : i32
    %dma_wait3A_227 = arith.constant 0 : i32
    %dma_wait3A_228 = tpu.memref_slice %arg8[%dma_wait3A_226, %dma_wait3A_227] : memref<16x16xi32, #tpu.memory_space<vmem>> -> memref<1x16xi32, #tpu.memory_space<vmem>>
    %dma_wait3A_229 = tpu.memref_squeeze %dma_wait3A_228 : memref<1x16xi32, #tpu.memory_space<vmem>> -> memref<16xi32, #tpu.memory_space<vmem>>
    %dma_wait3A_230 = arith.constant 0 : i32
    %dma_wait3A_231 = arith.constant 0 : i32
    %dma_wait3A_232 = tpu.memref_slice %arg6[%dma_wait3A_230, %dma_wait3A_231] : memref<9216x2048xf32, #tpu.memory_space<hbm>> -> memref<9216x2048xf32, #tpu.memory_space<hbm>>
    tpu.wait_indirect_dma semaphore(%arg19 : memref<!tpu.dma_semaphore, #tpu.memory_space<semaphore_mem>>) src(%arg12 : memref<16x2048xf32, #tpu.memory_space<vmem>>) dst(%dma_wait3A_232 : memref<9216x2048xf32, #tpu.memory_space<hbm>>)
    %dma_wait3A_233 = arith.constant 15 : i32
    %dma_wait3A_234 = arith.constant 0 : i32
    %dma_wait3A_235 = tpu.memref_slice %arg8[%dma_wait3A_233, %dma_wait3A_234] : memref<16x16xi32, #tpu.memory_space<vmem>> -> memref<1x16xi32, #tpu.memory_space<vmem>>
    %dma_wait3A_236 = tpu.memref_squeeze %dma_wait3A_235 : memref<1x16xi32, #tpu.memory_space<vmem>> -> memref<16xi32, #tpu.memory_space<vmem>>
    %dma_wait3A_237 = arith.constant 0 : i32
    %dma_wait3A_238 = arith.constant 0 : i32
    %dma_wait3A_239 = tpu.memref_slice %arg6[%dma_wait3A_237, %dma_wait3A_238] : memref<9216x2048xf32, #tpu.memory_space<hbm>> -> memref<9216x2048xf32, #tpu.memory_space<hbm>>
    tpu.wait_indirect_dma semaphore(%arg17 : memref<!tpu.dma_semaphore, #tpu.memory_space<semaphore_mem>>) src(%arg10 : memref<16x2048xf32, #tpu.memory_space<vmem>>) dst(%dma_wait3A_239 : memref<9216x2048xf32, #tpu.memory_space<hbm>>)
    return
  }
}

#map = affine_map<(d0, d1) -> (0)>
#map1 = affine_map<(d0, d1) -> (0, 0)>
#map2 = affine_map<(d0, d1) -> (0, 0, 0)>
module attributes {stable_mosaic.version = 14 : i64} {
  func.func @body(%arg0: i32, %arg1: i32, %arg2: memref<8192xi32, #tpu.memory_space<hbm>>, %arg3: memref<16384x2048xf32, #tpu.memory_space<hbm>>, %arg4: memref<32x2x128xi32, #tpu.memory_space<hbm>>, %arg5: memref<48xi32, #tpu.memory_space<hbm>>, %arg6: memref<9216x2048xf32, #tpu.memory_space<hbm>>, %arg7: memref<8192xi32, #tpu.memory_space<vmem>>, %arg8: memref<16x16xi32, #tpu.memory_space<vmem>>, %arg9: memref<2x128xi32, #tpu.memory_space<vmem>>, %arg10: memref<16x2048xf32, #tpu.memory_space<vmem>>, %arg11: memref<16x2048xf32, #tpu.memory_space<vmem>>, %arg12: memref<16x2048xf32, #tpu.memory_space<vmem>>, %arg13: memref<48xi32, #tpu.memory_space<vmem>>, %arg14: memref<!tpu.dma_semaphore, #tpu.memory_space<semaphore_mem>>, %arg15: memref<!tpu.dma_semaphore, #tpu.memory_space<semaphore_mem>>, %arg16: memref<!tpu.dma_semaphore, #tpu.memory_space<semaphore_mem>>, %arg17: memref<!tpu.dma_semaphore, #tpu.memory_space<semaphore_mem>>, %arg18: memref<!tpu.dma_semaphore, #tpu.memory_space<semaphore_mem>>, %arg19: memref<!tpu.dma_semaphore, #tpu.memory_space<semaphore_mem>>) attributes {dimension_semantics = [#tpu.dimension_semantics<core_parallel>, #tpu.dimension_semantics<subcore_parallel>], iteration_bounds = array<i64: 2, 16>, scalar_prefetch = 0 : i64, scratch_operands = 13 : i64, tpu.core_type = #tpu.core_type<sc_vector_subcore>, window_params = [{transform_indices = #map}, {transform_indices = #map1}, {transform_indices = #map2}, {transform_indices = #map}, {transform_indices = #map1}]} {
    %mul3A = arith.constant 2 : i32
    %mul3A_0 = arith.muli %arg1, %mul3A : i32
    %add3A = arith.addi %mul3A_0, %arg0 : i32
    %mul3A_1 = arith.constant 256 : i32
    %mul3A_2 = arith.muli %add3A, %mul3A_1 : i32
    "tpu.region"() ({
      %run_scoped3A = tpu.sem_alloc : memref<!tpu.dma_semaphore, #tpu.memory_space<semaphore_mem>>
      tpu.enqueue_dma source(%arg2 : memref<8192xi32, #tpu.memory_space<hbm>>) target(%arg7 : memref<8192xi32, #tpu.memory_space<vmem>>) target_semaphore(%run_scoped3A : memref<!tpu.dma_semaphore, #tpu.memory_space<semaphore_mem>>)
      tpu.wait_dma2 semaphore(%run_scoped3A : memref<!tpu.dma_semaphore, #tpu.memory_space<semaphore_mem>>) src(%arg2 : memref<8192xi32, #tpu.memory_space<hbm>>) dst(%arg7 : memref<8192xi32, #tpu.memory_space<vmem>>)
      tpu.yield
    }) : () -> ()
    %broadcast_in_dim3A = arith.constant 0 : i32
    %broadcast_in_dim3A_3 = vector.broadcast %broadcast_in_dim3A : i32 to vector<16xi32>
    %mul3A_4 = arith.constant 16 : i32
    %mul3A_5 = arith.muli %add3A, %mul3A_4 : i32
    %while3A = arith.constant 0 : i32
    %while3A_6 = arith.subi %mul3A_5, %while3A : i32
    %while3A_7 = arith.addi %while3A, %while3A_6 : i32
    %while3A_8 = arith.constant 1 : i32
    %while3A_9 = arith.divsi %while3A_6, %while3A_8 : i32
    %while3A_10 = arith.muli %while3A_9, %while3A_8 : i32
    %while3A_11 = arith.addi %while3A, %while3A_10 : i32
    %while3A_12 = arith.constant 1 : i32
    %while3A_13:2 = scf.for %while3A_240 = %while3A to %while3A_11 step %while3A_12 iter_args(%while3A_241 = %broadcast_in_dim3A_3, %while3A_242 = %broadcast_in_dim3A_3) -> (vector<16xi32>, vector<16xi32>)  : i32 {
      %mul3A_243 = arith.constant 16 : i32
      %mul3A_244 = arith.muli %while3A_240, %mul3A_243 : i32
      %get3A_245 = arith.index_cast %mul3A_244 : i32 to index
      %get3A_246 = tpu.vector_load %arg7[%get3A_245] {strides = array<i32>} : memref<8192xi32, #tpu.memory_space<vmem>>, vector<16xi32>,
      %eq3A_247 = arith.constant 0 : i32
      %eq3A_248 = vector.broadcast %eq3A_247 : i32 to vector<16xi32>
      %eq3A_249 = arith.cmpi eq, %get3A_246, %eq3A_248 : vector<16xi32>
      %convert_element_type3A_250 = arith.extui %eq3A_249 : vector<16xi1> to vector<16xi32>
      %add3A_251 = arith.addi %while3A_241, %convert_element_type3A_250 : vector<16xi32>
      %eq3A_252 = arith.constant 1 : i32
      %eq3A_253 = vector.broadcast %eq3A_252 : i32 to vector<16xi32>
      %eq3A_254 = arith.cmpi eq, %get3A_246, %eq3A_253 : vector<16xi32>
      %convert_element_type3A_255 = arith.extui %eq3A_254 : vector<16xi1> to vector<16xi32>
      %add3A_256 = arith.addi %while3A_242, %convert_element_type3A_255 : vector<16xi32>
      scf.yield %add3A_251, %add3A_256 : vector<16xi32>, vector<16xi32>
    }
    %while3A_14 = arith.constant 1 : i32
    %while3A_15:2 = scf.for %while3A_240 = %while3A_11 to %while3A_7 step %while3A_14 iter_args(%while3A_241 = %while3A_13#0, %while3A_242 = %while3A_13#1) -> (vector<16xi32>, vector<16xi32>)  : i32 {
      %mul3A_243 = arith.constant 16 : i32
      %mul3A_244 = arith.muli %while3A_240, %mul3A_243 : i32
      %get3A_245 = arith.index_cast %mul3A_244 : i32 to index
      %get3A_246 = tpu.vector_load %arg7[%get3A_245] {strides = array<i32>} : memref<8192xi32, #tpu.memory_space<vmem>>, vector<16xi32>,
      %eq3A_247 = arith.constant 0 : i32
      %eq3A_248 = vector.broadcast %eq3A_247 : i32 to vector<16xi32>
      %eq3A_249 = arith.cmpi eq, %get3A_246, %eq3A_248 : vector<16xi32>
      %convert_element_type3A_250 = arith.extui %eq3A_249 : vector<16xi1> to vector<16xi32>
      %add3A_251 = arith.addi %while3A_241, %convert_element_type3A_250 : vector<16xi32>
      %eq3A_252 = arith.constant 1 : i32
      %eq3A_253 = vector.broadcast %eq3A_252 : i32 to vector<16xi32>
      %eq3A_254 = arith.cmpi eq, %get3A_246, %eq3A_253 : vector<16xi32>
      %convert_element_type3A_255 = arith.extui %eq3A_254 : vector<16xi1> to vector<16xi32>
      %add3A_256 = arith.addi %while3A_242, %convert_element_type3A_255 : vector<16xi32>
      scf.yield %add3A_251, %add3A_256 : vector<16xi32>, vector<16xi32>
    }
    %reduce_sum3A = arith.constant true
    %reduce_sum3A_16 = vector.broadcast %reduce_sum3A : i1 to vector<16xi1>
    %reduce_sum3A_17 = tpu.scan <sum>, %while3A_15#0 masked %reduce_sum3A_16 : vector<16xi32>, vector<16xi1> -> vector<16xi32>
    %reduce_sum3A_18 = vector.extract %reduce_sum3A_17[15] : i32 from vector<16xi32>
    %reduce_sum3A_19 = arith.constant true
    %reduce_sum3A_20 = vector.broadcast %reduce_sum3A_19 : i1 to vector<16xi1>
    %reduce_sum3A_21 = tpu.scan <sum>, %while3A_15#1 masked %reduce_sum3A_20 : vector<16xi32>, vector<16xi1> -> vector<16xi32>
    %reduce_sum3A_22 = vector.extract %reduce_sum3A_21[15] : i32 from vector<16xi32>
    %while3A_23 = arith.constant 512 : i32
    %while3A_24 = arith.subi %while3A_23, %mul3A_5 : i32
    %while3A_25 = arith.addi %mul3A_5, %while3A_24 : i32
    %while3A_26 = arith.constant 1 : i32
    %while3A_27 = arith.divsi %while3A_24, %while3A_26 : i32
    %while3A_28 = arith.muli %while3A_27, %while3A_26 : i32
    %while3A_29 = arith.addi %mul3A_5, %while3A_28 : i32
    %while3A_30 = arith.constant 1 : i32
    %while3A_31:2 = scf.for %while3A_240 = %mul3A_5 to %while3A_29 step %while3A_30 iter_args(%while3A_241 = %while3A_15#0, %while3A_242 = %while3A_15#1) -> (vector<16xi32>, vector<16xi32>)  : i32 {
      %mul3A_243 = arith.constant 16 : i32
      %mul3A_244 = arith.muli %while3A_240, %mul3A_243 : i32
      %get3A_245 = arith.index_cast %mul3A_244 : i32 to index
      %get3A_246 = tpu.vector_load %arg7[%get3A_245] {strides = array<i32>} : memref<8192xi32, #tpu.memory_space<vmem>>, vector<16xi32>,
      %eq3A_247 = arith.constant 0 : i32
      %eq3A_248 = vector.broadcast %eq3A_247 : i32 to vector<16xi32>
      %eq3A_249 = arith.cmpi eq, %get3A_246, %eq3A_248 : vector<16xi32>
      %convert_element_type3A_250 = arith.extui %eq3A_249 : vector<16xi1> to vector<16xi32>
      %add3A_251 = arith.addi %while3A_241, %convert_element_type3A_250 : vector<16xi32>
      %eq3A_252 = arith.constant 1 : i32
      %eq3A_253 = vector.broadcast %eq3A_252 : i32 to vector<16xi32>
      %eq3A_254 = arith.cmpi eq, %get3A_246, %eq3A_253 : vector<16xi32>
      %convert_element_type3A_255 = arith.extui %eq3A_254 : vector<16xi1> to vector<16xi32>
      %add3A_256 = arith.addi %while3A_242, %convert_element_type3A_255 : vector<16xi32>
      scf.yield %add3A_251, %add3A_256 : vector<16xi32>, vector<16xi32>
    }
    %while3A_32 = arith.constant 1 : i32
    %while3A_33:2 = scf.for %while3A_240 = %while3A_29 to %while3A_25 step %while3A_32 iter_args(%while3A_241 = %while3A_31#0, %while3A_242 = %while3A_31#1) -> (vector<16xi32>, vector<16xi32>)  : i32 {
      %mul3A_243 = arith.constant 16 : i32
      %mul3A_244 = arith.muli %while3A_240, %mul3A_243 : i32
      %get3A_245 = arith.index_cast %mul3A_244 : i32 to index
      %get3A_246 = tpu.vector_load %arg7[%get3A_245] {strides = array<i32>} : memref<8192xi32, #tpu.memory_space<vmem>>, vector<16xi32>,
      %eq3A_247 = arith.constant 0 : i32
      %eq3A_248 = vector.broadcast %eq3A_247 : i32 to vector<16xi32>
      %eq3A_249 = arith.cmpi eq, %get3A_246, %eq3A_248 : vector<16xi32>
      %convert_element_type3A_250 = arith.extui %eq3A_249 : vector<16xi1> to vector<16xi32>
      %add3A_251 = arith.addi %while3A_241, %convert_element_type3A_250 : vector<16xi32>
      %eq3A_252 = arith.constant 1 : i32
      %eq3A_253 = vector.broadcast %eq3A_252 : i32 to vector<16xi32>
      %eq3A_254 = arith.cmpi eq, %get3A_246, %eq3A_253 : vector<16xi32>
      %convert_element_type3A_255 = arith.extui %eq3A_254 : vector<16xi1> to vector<16xi32>
      %add3A_256 = arith.addi %while3A_242, %convert_element_type3A_255 : vector<16xi32>
      scf.yield %add3A_251, %add3A_256 : vector<16xi32>, vector<16xi32>
    }
    %reduce_sum3A_34 = arith.constant true
    %reduce_sum3A_35 = vector.broadcast %reduce_sum3A_34 : i1 to vector<16xi1>
    %reduce_sum3A_36 = tpu.scan <sum>, %while3A_33#0 masked %reduce_sum3A_35 : vector<16xi32>, vector<16xi1> -> vector<16xi32>
    %reduce_sum3A_37 = vector.extract %reduce_sum3A_36[15] : i32 from vector<16xi32>
    %reduce_sum3A_38 = arith.constant true
    %reduce_sum3A_39 = vector.broadcast %reduce_sum3A_38 : i1 to vector<16xi1>
    %reduce_sum3A_40 = tpu.scan <sum>, %while3A_33#1 masked %reduce_sum3A_39 : vector<16xi32>, vector<16xi1> -> vector<16xi32>
    %reduce_sum3A_41 = vector.extract %reduce_sum3A_40[15] : i32 from vector<16xi32>
    %mul3A_42 = arith.constant 16 : i32
    %mul3A_43 = arith.muli %mul3A_5, %mul3A_42 : i32
    %sub3A = arith.subi %mul3A_43, %reduce_sum3A_18 : i32
    %sub3A_44 = arith.subi %sub3A, %reduce_sum3A_22 : i32
    %add3A_45 = arith.constant 255 : i32
    %add3A_46 = arith.addi %reduce_sum3A_37, %add3A_45 : i32
    %shift_right_arithmetic3A = arith.constant 8 : i32
    %shift_right_arithmetic3A_47 = arith.shrsi %add3A_46, %shift_right_arithmetic3A : i32
    %shift_left3A = arith.constant 8 : i32
    %shift_left3A_48 = arith.shli %shift_right_arithmetic3A_47, %shift_left3A : i32
    %add3A_49 = arith.constant 255 : i32
    %add3A_50 = arith.addi %reduce_sum3A_41, %add3A_49 : i32
    %shift_right_arithmetic3A_51 = arith.constant 8 : i32
    %shift_right_arithmetic3A_52 = arith.shrsi %add3A_50, %shift_right_arithmetic3A_51 : i32
    %shift_left3A_53 = arith.constant 8 : i32
    %shift_left3A_54 = arith.shli %shift_right_arithmetic3A_52, %shift_left3A_53 : i32
    %add3A_55 = arith.addi %shift_left3A_48, %shift_left3A_54 : i32
    %eq3A = arith.constant 0 : i32
    %eq3A_56 = arith.cmpi eq, %add3A, %eq3A : i32
    %convert_element_type3A = arith.extui %eq3A_56 : i1 to i32
    %cond3A = arith.constant 0 : i32
    %cond3A_57 = arith.cmpi ne, %convert_element_type3A, %cond3A : i32
    scf.if %cond3A_57 {
      %iota3A = tpu.iota {dimensions = array<i32: 0>} : vector<16xi32>
      %add3A_240 = arith.constant 0 : i32
      %add3A_241 = vector.broadcast %add3A_240 : i32 to vector<16xi32>
      %add3A_242 = arith.addi %iota3A, %add3A_241 : vector<16xi32>
      %mul3A_243 = arith.constant 256 : i32
      %mul3A_244 = vector.broadcast %mul3A_243 : i32 to vector<16xi32>
      %mul3A_245 = arith.muli %add3A_242, %mul3A_244 : vector<16xi32>
      %ge3A = vector.broadcast %shift_left3A_48 : i32 to vector<16xi32>
      %ge3A_246 = arith.cmpi sge, %mul3A_245, %ge3A : vector<16xi32>
      %convert_element_type3A_247 = arith.extui %ge3A_246 : vector<16xi1> to vector<16xi32>
      %ge3A_248 = vector.broadcast %add3A_55 : i32 to vector<16xi32>
      %ge3A_249 = arith.cmpi sge, %mul3A_245, %ge3A_248 : vector<16xi32>
      %convert_element_type3A_250 = arith.extui %ge3A_249 : vector<16xi1> to vector<16xi32>
      %add3A_251 = arith.addi %convert_element_type3A_247, %convert_element_type3A_250 : vector<16xi32>
      %swap3A_252 = arith.constant 0 : index
      %swap3A_253 = tpu.vector_load %arg13[%swap3A_252] {strides = array<i32>} : memref<48xi32, #tpu.memory_space<vmem>>, vector<16xi32>,
      tpu.vector_store %arg13[%swap3A_252], %add3A_251 {strides = array<i32>} : memref<48xi32, #tpu.memory_space<vmem>>, vector<16xi32>,
      %iota3A_254 = tpu.iota {dimensions = array<i32: 0>} : vector<16xi32>
      %add3A_255 = arith.constant 16 : i32
      %add3A_256 = vector.broadcast %add3A_255 : i32 to vector<16xi32>
      %add3A_257 = arith.addi %iota3A_254, %add3A_256 : vector<16xi32>
      %mul3A_258 = arith.constant 256 : i32
      %mul3A_259 = vector.broadcast %mul3A_258 : i32 to vector<16xi32>
      %mul3A_260 = arith.muli %add3A_257, %mul3A_259 : vector<16xi32>
      %ge3A_261 = vector.broadcast %shift_left3A_48 : i32 to vector<16xi32>
      %ge3A_262 = arith.cmpi sge, %mul3A_260, %ge3A_261 : vector<16xi32>
      %convert_element_type3A_263 = arith.extui %ge3A_262 : vector<16xi1> to vector<16xi32>
      %ge3A_264 = vector.broadcast %add3A_55 : i32 to vector<16xi32>
      %ge3A_265 = arith.cmpi sge, %mul3A_260, %ge3A_264 : vector<16xi32>
      %convert_element_type3A_266 = arith.extui %ge3A_265 : vector<16xi1> to vector<16xi32>
      %add3A_267 = arith.addi %convert_element_type3A_263, %convert_element_type3A_266 : vector<16xi32>
      %swap3A_268 = arith.constant 16 : index
      %swap3A_269 = tpu.vector_load %arg13[%swap3A_268] {strides = array<i32>} : memref<48xi32, #tpu.memory_space<vmem>>, vector<16xi32>,
      tpu.vector_store %arg13[%swap3A_268], %add3A_267 {strides = array<i32>} : memref<48xi32, #tpu.memory_space<vmem>>, vector<16xi32>,
      %iota3A_270 = tpu.iota {dimensions = array<i32: 0>} : vector<16xi32>
      %add3A_271 = arith.constant 32 : i32
      %add3A_272 = vector.broadcast %add3A_271 : i32 to vector<16xi32>
      %add3A_273 = arith.addi %iota3A_270, %add3A_272 : vector<16xi32>
      %mul3A_274 = arith.constant 256 : i32
      %mul3A_275 = vector.broadcast %mul3A_274 : i32 to vector<16xi32>
      %mul3A_276 = arith.muli %add3A_273, %mul3A_275 : vector<16xi32>
      %ge3A_277 = vector.broadcast %shift_left3A_48 : i32 to vector<16xi32>
      %ge3A_278 = arith.cmpi sge, %mul3A_276, %ge3A_277 : vector<16xi32>
      %convert_element_type3A_279 = arith.extui %ge3A_278 : vector<16xi1> to vector<16xi32>
      %ge3A_280 = vector.broadcast %add3A_55 : i32 to vector<16xi32>
      %ge3A_281 = arith.cmpi sge, %mul3A_276, %ge3A_280 : vector<16xi32>
      %convert_element_type3A_282 = arith.extui %ge3A_281 : vector<16xi1> to vector<16xi32>
      %add3A_283 = arith.addi %convert_element_type3A_279, %convert_element_type3A_282 : vector<16xi32>
      %swap3A_284 = arith.constant 32 : index
      %swap3A_285 = tpu.vector_load %arg13[%swap3A_284] {strides = array<i32>} : memref<48xi32, #tpu.memory_space<vmem>>, vector<16xi32>,
      tpu.vector_store %arg13[%swap3A_284], %add3A_283 {strides = array<i32>} : memref<48xi32, #tpu.memory_space<vmem>>, vector<16xi32>,
      "tpu.region"() ({
        %run_scoped3A = tpu.sem_alloc : memref<!tpu.dma_semaphore, #tpu.memory_space<semaphore_mem>>
        tpu.enqueue_dma source(%arg13 : memref<48xi32, #tpu.memory_space<vmem>>) target(%arg5 : memref<48xi32, #tpu.memory_space<hbm>>) target_semaphore(%run_scoped3A : memref<!tpu.dma_semaphore, #tpu.memory_space<semaphore_mem>>)
        tpu.wait_dma2 semaphore(%run_scoped3A : memref<!tpu.dma_semaphore, #tpu.memory_space<semaphore_mem>>) src(%arg13 : memref<48xi32, #tpu.memory_space<vmem>>) dst(%arg5 : memref<48xi32, #tpu.memory_space<hbm>>)
        tpu.yield
      }) : () -> ()
    } else {
    }
    %add3A_58 = arith.addi %shift_left3A_48, %reduce_sum3A_22 : i32
    %add3A_59 = arith.addi %add3A_55, %sub3A_44 : i32
    %scan3A = arith.constant 0 : i32
    %scan3A_60 = arith.constant 16 : i32
    %scan3A_61 = arith.addi %scan3A, %scan3A_60 : i32
    %scan3A_62 = arith.constant 1 : i32
    %scan3A_63:3 = scf.for %scan3A_240 = %scan3A to %scan3A_61 step %scan3A_62 iter_args(%scan3A_241 = %reduce_sum3A_18, %scan3A_242 = %add3A_58, %scan3A_243 = %add3A_59) -> (i32, i32, i32)  : i32 {
      %add3A_244 = arith.addi %mul3A_5, %scan3A_240 : i32
      %mul3A_245 = arith.constant 16 : i32
      %mul3A_246 = arith.muli %add3A_244, %mul3A_245 : i32
      %get3A_247 = arith.index_cast %mul3A_246 : i32 to index
      %get3A_248 = tpu.vector_load %arg7[%get3A_247] {strides = array<i32>} : memref<8192xi32, #tpu.memory_space<vmem>>, vector<16xi32>,
      %eq3A_249 = arith.constant 0 : i32
      %eq3A_250 = vector.broadcast %eq3A_249 : i32 to vector<16xi32>
      %eq3A_251 = arith.cmpi eq, %get3A_248, %eq3A_250 : vector<16xi32>
      %eq3A_252 = arith.constant 1 : i32
      %eq3A_253 = vector.broadcast %eq3A_252 : i32 to vector<16xi32>
      %eq3A_254 = arith.cmpi eq, %get3A_248, %eq3A_253 : vector<16xi32>
      %convert_element_type3A_255 = arith.extui %eq3A_251 : vector<16xi1> to vector<16xi32>
      %cumsum3A = arith.constant true
      %cumsum3A_256 = vector.broadcast %cumsum3A : i1 to vector<16xi1>
      %cumsum3A_257 = tpu.scan <sum>, %convert_element_type3A_255 masked %cumsum3A_256 : vector<16xi32>, vector<16xi1> -> vector<16xi32>
      %convert_element_type3A_258 = arith.extui %eq3A_254 : vector<16xi1> to vector<16xi32>
      %cumsum3A_259 = arith.constant true
      %cumsum3A_260 = vector.broadcast %cumsum3A_259 : i1 to vector<16xi1>
      %cumsum3A_261 = tpu.scan <sum>, %convert_element_type3A_258 masked %cumsum3A_260 : vector<16xi32>, vector<16xi1> -> vector<16xi32>
      %convert_element_type3A_262 = arith.extui %eq3A_251 : vector<16xi1> to vector<16xi32>
      %sub3A_263 = arith.constant 1 : i32
      %sub3A_264 = vector.broadcast %sub3A_263 : i32 to vector<16xi32>
      %sub3A_265 = arith.subi %sub3A_264, %convert_element_type3A_262 : vector<16xi32>
      %convert_element_type3A_266 = arith.extui %eq3A_254 : vector<16xi1> to vector<16xi32>
      %sub3A_267 = arith.subi %sub3A_265, %convert_element_type3A_266 : vector<16xi32>
      %cumsum3A_268 = arith.constant true
      %cumsum3A_269 = vector.broadcast %cumsum3A_268 : i1 to vector<16xi1>
      %cumsum3A_270 = tpu.scan <sum>, %sub3A_267 masked %cumsum3A_269 : vector<16xi32>, vector<16xi1> -> vector<16xi32>
      %add3A_271 = vector.broadcast %scan3A_241 : i32 to vector<16xi32>
      %add3A_272 = arith.addi %add3A_271, %cumsum3A_257 : vector<16xi32>
      %add3A_273 = vector.broadcast %scan3A_242 : i32 to vector<16xi32>
      %add3A_274 = arith.addi %add3A_273, %cumsum3A_261 : vector<16xi32>
      %add3A_275 = vector.broadcast %scan3A_243 : i32 to vector<16xi32>
      %add3A_276 = arith.addi %add3A_275, %cumsum3A_270 : vector<16xi32>
      %select_n3A = arith.select %eq3A_254, %add3A_274, %add3A_276 : vector<16xi1>, vector<16xi32>
      %select_n3A_277 = arith.select %eq3A_251, %add3A_272, %select_n3A : vector<16xi1>, vector<16xi32>
      %sub3A_278 = arith.constant 1 : i32
      %sub3A_279 = vector.broadcast %sub3A_278 : i32 to vector<16xi32>
      %sub3A_280 = arith.subi %select_n3A_277, %sub3A_279 : vector<16xi32>
      %swap3A_281 = arith.index_cast %scan3A_240 : i32 to index
      %swap3A_282 = arith.constant 0 : index
      %swap3A_283 = tpu.vector_load %arg8[%swap3A_281, %swap3A_282] {strides = array<i32>} : memref<16x16xi32, #tpu.memory_space<vmem>>, vector<16xi32>,
      tpu.vector_store %arg8[%swap3A_281, %swap3A_282], %sub3A_280 {strides = array<i32>} : memref<16x16xi32, #tpu.memory_space<vmem>>, vector<16xi32>,
      %slice3A = vector.extract_strided_slice %cumsum3A_257 {offsets = [15], sizes = [1], strides = [1]} : vector<16xi32> to vector<1xi32>
      %squeeze3A = vector.extract %slice3A[0] : i32 from vector<1xi32>
      %add3A_284 = arith.addi %scan3A_241, %squeeze3A : i32
      %slice3A_285 = vector.extract_strided_slice %cumsum3A_261 {offsets = [15], sizes = [1], strides = [1]} : vector<16xi32> to vector<1xi32>
      %squeeze3A_286 = vector.extract %slice3A_285[0] : i32 from vector<1xi32>
      %add3A_287 = arith.addi %scan3A_242, %squeeze3A_286 : i32
      %slice3A_288 = vector.extract_strided_slice %cumsum3A_270 {offsets = [15], sizes = [1], strides = [1]} : vector<16xi32> to vector<1xi32>
      %squeeze3A_289 = vector.extract %slice3A_288[0] : i32 from vector<1xi32>
      %add3A_290 = arith.addi %scan3A_243, %squeeze3A_289 : i32
      scf.yield %add3A_284, %add3A_287, %add3A_290 : i32, i32, i32
    }
    %scan3A_64 = arith.constant 16 : i32
    %get3A = arith.constant 0 : i32
    %get3A_65 = arith.index_cast %get3A : i32 to index
    %get3A_66 = arith.constant 0 : index
    %get3A_67 = tpu.vector_load %arg8[%get3A_65, %get3A_66] {strides = array<i32>} : memref<16x16xi32, #tpu.memory_space<vmem>>, vector<16xi32>,
    %swap3A = arith.constant 0 : i32
    %swap3A_68 = arith.index_cast %swap3A : i32 to index
    %swap3A_69 = arith.constant 0 : index
    %swap3A_70 = tpu.vector_load %arg9[%swap3A_68, %swap3A_69] {strides = array<i32>} : memref<2x128xi32, #tpu.memory_space<vmem>>, vector<16xi32>,
    tpu.vector_store %arg9[%swap3A_68, %swap3A_69], %get3A_67 {strides = array<i32>} : memref<2x128xi32, #tpu.memory_space<vmem>>, vector<16xi32>,
    %get3A_71 = arith.constant 1 : i32
    %get3A_72 = arith.index_cast %get3A_71 : i32 to index
    %get3A_73 = arith.constant 0 : index
    %get3A_74 = tpu.vector_load %arg8[%get3A_72, %get3A_73] {strides = array<i32>} : memref<16x16xi32, #tpu.memory_space<vmem>>, vector<16xi32>,
    %swap3A_75 = arith.constant 0 : i32
    %swap3A_76 = arith.index_cast %swap3A_75 : i32 to index
    %swap3A_77 = arith.constant 16 : index
    %swap3A_78 = tpu.vector_load %arg9[%swap3A_76, %swap3A_77] {strides = array<i32>} : memref<2x128xi32, #tpu.memory_space<vmem>>, vector<16xi32>,
    tpu.vector_store %arg9[%swap3A_76, %swap3A_77], %get3A_74 {strides = array<i32>} : memref<2x128xi32, #tpu.memory_space<vmem>>, vector<16xi32>,
    %get3A_79 = arith.constant 2 : i32
    %get3A_80 = arith.index_cast %get3A_79 : i32 to index
    %get3A_81 = arith.constant 0 : index
    %get3A_82 = tpu.vector_load %arg8[%get3A_80, %get3A_81] {strides = array<i32>} : memref<16x16xi32, #tpu.memory_space<vmem>>, vector<16xi32>,
    %swap3A_83 = arith.constant 0 : i32
    %swap3A_84 = arith.index_cast %swap3A_83 : i32 to index
    %swap3A_85 = arith.constant 32 : index
    %swap3A_86 = tpu.vector_load %arg9[%swap3A_84, %swap3A_85] {strides = array<i32>} : memref<2x128xi32, #tpu.memory_space<vmem>>, vector<16xi32>,
    tpu.vector_store %arg9[%swap3A_84, %swap3A_85], %get3A_82 {strides = array<i32>} : memref<2x128xi32, #tpu.memory_space<vmem>>, vector<16xi32>,
    %get3A_87 = arith.constant 3 : i32
    %get3A_88 = arith.index_cast %get3A_87 : i32 to index
    %get3A_89 = arith.constant 0 : index
    %get3A_90 = tpu.vector_load %arg8[%get3A_88, %get3A_89] {strides = array<i32>} : memref<16x16xi32, #tpu.memory_space<vmem>>, vector<16xi32>,
    %swap3A_91 = arith.constant 0 : i32
    %swap3A_92 = arith.index_cast %swap3A_91 : i32 to index
    %swap3A_93 = arith.constant 48 : index
    %swap3A_94 = tpu.vector_load %arg9[%swap3A_92, %swap3A_93] {strides = array<i32>} : memref<2x128xi32, #tpu.memory_space<vmem>>, vector<16xi32>,
    tpu.vector_store %arg9[%swap3A_92, %swap3A_93], %get3A_90 {strides = array<i32>} : memref<2x128xi32, #tpu.memory_space<vmem>>, vector<16xi32>,
    %get3A_95 = arith.constant 4 : i32
    %get3A_96 = arith.index_cast %get3A_95 : i32 to index
    %get3A_97 = arith.constant 0 : index
    %get3A_98 = tpu.vector_load %arg8[%get3A_96, %get3A_97] {strides = array<i32>} : memref<16x16xi32, #tpu.memory_space<vmem>>, vector<16xi32>,
    %swap3A_99 = arith.constant 0 : i32
    %swap3A_100 = arith.index_cast %swap3A_99 : i32 to index
    %swap3A_101 = arith.constant 64 : index
    %swap3A_102 = tpu.vector_load %arg9[%swap3A_100, %swap3A_101] {strides = array<i32>} : memref<2x128xi32, #tpu.memory_space<vmem>>, vector<16xi32>,
    tpu.vector_store %arg9[%swap3A_100, %swap3A_101], %get3A_98 {strides = array<i32>} : memref<2x128xi32, #tpu.memory_space<vmem>>, vector<16xi32>,
    %get3A_103 = arith.constant 5 : i32
    %get3A_104 = arith.index_cast %get3A_103 : i32 to index
    %get3A_105 = arith.constant 0 : index
    %get3A_106 = tpu.vector_load %arg8[%get3A_104, %get3A_105] {strides = array<i32>} : memref<16x16xi32, #tpu.memory_space<vmem>>, vector<16xi32>,
    %swap3A_107 = arith.constant 0 : i32
    %swap3A_108 = arith.index_cast %swap3A_107 : i32 to index
    %swap3A_109 = arith.constant 80 : index
    %swap3A_110 = tpu.vector_load %arg9[%swap3A_108, %swap3A_109] {strides = array<i32>} : memref<2x128xi32, #tpu.memory_space<vmem>>, vector<16xi32>,
    tpu.vector_store %arg9[%swap3A_108, %swap3A_109], %get3A_106 {strides = array<i32>} : memref<2x128xi32, #tpu.memory_space<vmem>>, vector<16xi32>,
    %get3A_111 = arith.constant 6 : i32
    %get3A_112 = arith.index_cast %get3A_111 : i32 to index
    %get3A_113 = arith.constant 0 : index
    %get3A_114 = tpu.vector_load %arg8[%get3A_112, %get3A_113] {strides = array<i32>} : memref<16x16xi32, #tpu.memory_space<vmem>>, vector<16xi32>,
    %swap3A_115 = arith.constant 0 : i32
    %swap3A_116 = arith.index_cast %swap3A_115 : i32 to index
    %swap3A_117 = arith.constant 96 : index
    %swap3A_118 = tpu.vector_load %arg9[%swap3A_116, %swap3A_117] {strides = array<i32>} : memref<2x128xi32, #tpu.memory_space<vmem>>, vector<16xi32>,
    tpu.vector_store %arg9[%swap3A_116, %swap3A_117], %get3A_114 {strides = array<i32>} : memref<2x128xi32, #tpu.memory_space<vmem>>, vector<16xi32>,
    %get3A_119 = arith.constant 7 : i32
    %get3A_120 = arith.index_cast %get3A_119 : i32 to index
    %get3A_121 = arith.constant 0 : index
    %get3A_122 = tpu.vector_load %arg8[%get3A_120, %get3A_121] {strides = array<i32>} : memref<16x16xi32, #tpu.memory_space<vmem>>, vector<16xi32>,
    %swap3A_123 = arith.constant 0 : i32
    %swap3A_124 = arith.index_cast %swap3A_123 : i32 to index
    %swap3A_125 = arith.constant 112 : index
    %swap3A_126 = tpu.vector_load %arg9[%swap3A_124, %swap3A_125] {strides = array<i32>} : memref<2x128xi32, #tpu.memory_space<vmem>>, vector<16xi32>,
    tpu.vector_store %arg9[%swap3A_124, %swap3A_125], %get3A_122 {strides = array<i32>} : memref<2x128xi32, #tpu.memory_space<vmem>>, vector<16xi32>,
    %get3A_127 = arith.constant 8 : i32
    %get3A_128 = arith.index_cast %get3A_127 : i32 to index
    %get3A_129 = arith.constant 0 : index
    %get3A_130 = tpu.vector_load %arg8[%get3A_128, %get3A_129] {strides = array<i32>} : memref<16x16xi32, #tpu.memory_space<vmem>>, vector<16xi32>,
    %swap3A_131 = arith.constant 1 : i32
    %swap3A_132 = arith.index_cast %swap3A_131 : i32 to index
    %swap3A_133 = arith.constant 0 : index
    %swap3A_134 = tpu.vector_load %arg9[%swap3A_132, %swap3A_133] {strides = array<i32>} : memref<2x128xi32, #tpu.memory_space<vmem>>, vector<16xi32>,
    tpu.vector_store %arg9[%swap3A_132, %swap3A_133], %get3A_130 {strides = array<i32>} : memref<2x128xi32, #tpu.memory_space<vmem>>, vector<16xi32>,
    %get3A_135 = arith.constant 9 : i32
    %get3A_136 = arith.index_cast %get3A_135 : i32 to index
    %get3A_137 = arith.constant 0 : index
    %get3A_138 = tpu.vector_load %arg8[%get3A_136, %get3A_137] {strides = array<i32>} : memref<16x16xi32, #tpu.memory_space<vmem>>, vector<16xi32>,
    %swap3A_139 = arith.constant 1 : i32
    %swap3A_140 = arith.index_cast %swap3A_139 : i32 to index
    %swap3A_141 = arith.constant 16 : index
    %swap3A_142 = tpu.vector_load %arg9[%swap3A_140, %swap3A_141] {strides = array<i32>} : memref<2x128xi32, #tpu.memory_space<vmem>>, vector<16xi32>,
    tpu.vector_store %arg9[%swap3A_140, %swap3A_141], %get3A_138 {strides = array<i32>} : memref<2x128xi32, #tpu.memory_space<vmem>>, vector<16xi32>,
    %get3A_143 = arith.constant 10 : i32
    %get3A_144 = arith.index_cast %get3A_143 : i32 to index
    %get3A_145 = arith.constant 0 : index
    %get3A_146 = tpu.vector_load %arg8[%get3A_144, %get3A_145] {strides = array<i32>} : memref<16x16xi32, #tpu.memory_space<vmem>>, vector<16xi32>,
    %swap3A_147 = arith.constant 1 : i32
    %swap3A_148 = arith.index_cast %swap3A_147 : i32 to index
    %swap3A_149 = arith.constant 32 : index
    %swap3A_150 = tpu.vector_load %arg9[%swap3A_148, %swap3A_149] {strides = array<i32>} : memref<2x128xi32, #tpu.memory_space<vmem>>, vector<16xi32>,
    tpu.vector_store %arg9[%swap3A_148, %swap3A_149], %get3A_146 {strides = array<i32>} : memref<2x128xi32, #tpu.memory_space<vmem>>, vector<16xi32>,
    %get3A_151 = arith.constant 11 : i32
    %get3A_152 = arith.index_cast %get3A_151 : i32 to index
    %get3A_153 = arith.constant 0 : index
    %get3A_154 = tpu.vector_load %arg8[%get3A_152, %get3A_153] {strides = array<i32>} : memref<16x16xi32, #tpu.memory_space<vmem>>, vector<16xi32>,
    %swap3A_155 = arith.constant 1 : i32
    %swap3A_156 = arith.index_cast %swap3A_155 : i32 to index
    %swap3A_157 = arith.constant 48 : index
    %swap3A_158 = tpu.vector_load %arg9[%swap3A_156, %swap3A_157] {strides = array<i32>} : memref<2x128xi32, #tpu.memory_space<vmem>>, vector<16xi32>,
    tpu.vector_store %arg9[%swap3A_156, %swap3A_157], %get3A_154 {strides = array<i32>} : memref<2x128xi32, #tpu.memory_space<vmem>>, vector<16xi32>,
    %get3A_159 = arith.constant 12 : i32
    %get3A_160 = arith.index_cast %get3A_159 : i32 to index
    %get3A_161 = arith.constant 0 : index
    %get3A_162 = tpu.vector_load %arg8[%get3A_160, %get3A_161] {strides = array<i32>} : memref<16x16xi32, #tpu.memory_space<vmem>>, vector<16xi32>,
    %swap3A_163 = arith.constant 1 : i32
    %swap3A_164 = arith.index_cast %swap3A_163 : i32 to index
    %swap3A_165 = arith.constant 64 : index
    %swap3A_166 = tpu.vector_load %arg9[%swap3A_164, %swap3A_165] {strides = array<i32>} : memref<2x128xi32, #tpu.memory_space<vmem>>, vector<16xi32>,
    tpu.vector_store %arg9[%swap3A_164, %swap3A_165], %get3A_162 {strides = array<i32>} : memref<2x128xi32, #tpu.memory_space<vmem>>, vector<16xi32>,
    %get3A_167 = arith.constant 13 : i32
    %get3A_168 = arith.index_cast %get3A_167 : i32 to index
    %get3A_169 = arith.constant 0 : index
    %get3A_170 = tpu.vector_load %arg8[%get3A_168, %get3A_169] {strides = array<i32>} : memref<16x16xi32, #tpu.memory_space<vmem>>, vector<16xi32>,
    %swap3A_171 = arith.constant 1 : i32
    %swap3A_172 = arith.index_cast %swap3A_171 : i32 to index
    %swap3A_173 = arith.constant 80 : index
    %swap3A_174 = tpu.vector_load %arg9[%swap3A_172, %swap3A_173] {strides = array<i32>} : memref<2x128xi32, #tpu.memory_space<vmem>>, vector<16xi32>,
    tpu.vector_store %arg9[%swap3A_172, %swap3A_173], %get3A_170 {strides = array<i32>} : memref<2x128xi32, #tpu.memory_space<vmem>>, vector<16xi32>,
    %get3A_175 = arith.constant 14 : i32
    %get3A_176 = arith.index_cast %get3A_175 : i32 to index
    %get3A_177 = arith.constant 0 : index
    %get3A_178 = tpu.vector_load %arg8[%get3A_176, %get3A_177] {strides = array<i32>} : memref<16x16xi32, #tpu.memory_space<vmem>>, vector<16xi32>,
    %swap3A_179 = arith.constant 1 : i32
    %swap3A_180 = arith.index_cast %swap3A_179 : i32 to index
    %swap3A_181 = arith.constant 96 : index
    %swap3A_182 = tpu.vector_load %arg9[%swap3A_180, %swap3A_181] {strides = array<i32>} : memref<2x128xi32, #tpu.memory_space<vmem>>, vector<16xi32>,
    tpu.vector_store %arg9[%swap3A_180, %swap3A_181], %get3A_178 {strides = array<i32>} : memref<2x128xi32, #tpu.memory_space<vmem>>, vector<16xi32>,
    %get3A_183 = arith.constant 15 : i32
    %get3A_184 = arith.index_cast %get3A_183 : i32 to index
    %get3A_185 = arith.constant 0 : index
    %get3A_186 = tpu.vector_load %arg8[%get3A_184, %get3A_185] {strides = array<i32>} : memref<16x16xi32, #tpu.memory_space<vmem>>, vector<16xi32>,
    %swap3A_187 = arith.constant 1 : i32
    %swap3A_188 = arith.index_cast %swap3A_187 : i32 to index
    %swap3A_189 = arith.constant 112 : index
    %swap3A_190 = tpu.vector_load %arg9[%swap3A_188, %swap3A_189] {strides = array<i32>} : memref<2x128xi32, #tpu.memory_space<vmem>>, vector<16xi32>,
    tpu.vector_store %arg9[%swap3A_188, %swap3A_189], %get3A_186 {strides = array<i32>} : memref<2x128xi32, #tpu.memory_space<vmem>>, vector<16xi32>,
    "tpu.region"() ({
      %run_scoped3A = tpu.sem_alloc : memref<!tpu.dma_semaphore, #tpu.memory_space<semaphore_mem>>
      %dma_start3A_240 = arith.constant 0 : i32
      %dma_start3A_241 = arith.constant 0 : i32
      %dma_start3A_242 = tpu.memref_slice %arg4[%add3A, %dma_start3A_240, %dma_start3A_241] : memref<32x2x128xi32, #tpu.memory_space<hbm>> -> memref<1x2x128xi32, #tpu.memory_space<hbm>>
      %dma_start3A_243 = tpu.memref_squeeze %dma_start3A_242 : memref<1x2x128xi32, #tpu.memory_space<hbm>> -> memref<2x128xi32, #tpu.memory_space<hbm>>
      %dma_start3A_244 = arith.constant 0 : i32
      %dma_start3A_245 = arith.constant 0 : i32
      %dma_start3A_246 = tpu.memref_slice %arg4[%add3A, %dma_start3A_244, %dma_start3A_245] : memref<32x2x128xi32, #tpu.memory_space<hbm>> -> memref<1x2x128xi32, #tpu.memory_space<hbm>>
      %dma_start3A_247 = tpu.memref_squeeze %dma_start3A_246 : memref<1x2x128xi32, #tpu.memory_space<hbm>> -> memref<2x128xi32, #tpu.memory_space<hbm>>
      tpu.enqueue_dma source(%arg9 : memref<2x128xi32, #tpu.memory_space<vmem>>) target(%dma_start3A_247 : memref<2x128xi32, #tpu.memory_space<hbm>>) target_semaphore(%run_scoped3A : memref<!tpu.dma_semaphore, #tpu.memory_space<semaphore_mem>>)
      %dma_wait3A_248 = arith.constant 0 : i32
      %dma_wait3A_249 = arith.constant 0 : i32
      %dma_wait3A_250 = tpu.memref_slice %arg4[%add3A, %dma_wait3A_248, %dma_wait3A_249] : memref<32x2x128xi32, #tpu.memory_space<hbm>> -> memref<1x2x128xi32, #tpu.memory_space<hbm>>
      %dma_wait3A_251 = tpu.memref_squeeze %dma_wait3A_250 : memref<1x2x128xi32, #tpu.memory_space<hbm>> -> memref<2x128xi32, #tpu.memory_space<hbm>>
      %dma_wait3A_252 = arith.constant 0 : i32
      %dma_wait3A_253 = arith.constant 0 : i32
      %dma_wait3A_254 = tpu.memref_slice %arg4[%add3A, %dma_wait3A_252, %dma_wait3A_253] : memref<32x2x128xi32, #tpu.memory_space<hbm>> -> memref<1x2x128xi32, #tpu.memory_space<hbm>>
      %dma_wait3A_255 = tpu.memref_squeeze %dma_wait3A_254 : memref<1x2x128xi32, #tpu.memory_space<hbm>> -> memref<2x128xi32, #tpu.memory_space<hbm>>
      tpu.wait_dma2 semaphore(%run_scoped3A : memref<!tpu.dma_semaphore, #tpu.memory_space<semaphore_mem>>) src(%arg9 : memref<2x128xi32, #tpu.memory_space<vmem>>) dst(%dma_wait3A_255 : memref<2x128xi32, #tpu.memory_space<hbm>>)
      tpu.yield
    }) : () -> ()
    %add3A_191 = arith.constant 8192 : i32
    %add3A_192 = arith.addi %add3A_191, %mul3A_2 : i32
    %add3A_193 = arith.constant 0 : i32
    %add3A_194 = arith.addi %add3A_192, %add3A_193 : i32
    %dma_start3A = arith.constant 0 : i32
    %dma_start3A_195 = tpu.memref_slice %arg3[%add3A_194, %dma_start3A] : memref<16384x2048xf32, #tpu.memory_space<hbm>> -> memref<16x2048xf32, #tpu.memory_space<hbm>>
    %dma_start3A_196 = arith.constant 0 : i32
    %dma_start3A_197 = tpu.memref_slice %arg3[%add3A_194, %dma_start3A_196] : memref<16384x2048xf32, #tpu.memory_space<hbm>> -> memref<16x2048xf32, #tpu.memory_space<hbm>>
    tpu.enqueue_dma source(%dma_start3A_197 : memref<16x2048xf32, #tpu.memory_space<hbm>>) target(%arg10 : memref<16x2048xf32, #tpu.memory_space<vmem>>) target_semaphore(%arg14 : memref<!tpu.dma_semaphore, #tpu.memory_space<semaphore_mem>>)
    %scan3A_198 = arith.constant 0 : i32
    %scan3A_199 = arith.constant 0 : i32
    %scan3A_200 = arith.constant 5 : i32
    %scan3A_201 = arith.addi %scan3A_199, %scan3A_200 : i32
    %scan3A_202 = arith.constant 1 : i32
    %scan3A_203 = scf.for %scan3A_240 = %scan3A_199 to %scan3A_201 step %scan3A_202 iter_args(%scan3A_241 = %scan3A_198) -> (i32)  : i32 {
      %mul3A_242 = arith.constant 3 : i32
      %mul3A_243 = arith.muli %mul3A_242, %scan3A_240 : i32
      %add3A_244 = arith.constant 0 : i32
      %add3A_245 = arith.addi %mul3A_243, %add3A_244 : i32
      %ge3A = arith.constant 1 : i32
      %ge3A_246 = arith.cmpi sge, %scan3A_240, %ge3A : i32
      %convert_element_type3A_247 = arith.extui %ge3A_246 : i1 to i32
      %cond3A_248 = arith.constant 0 : i32
      %cond3A_249 = arith.cmpi ne, %convert_element_type3A_247, %cond3A_248 : i32
      scf.if %cond3A_249 {
        %sub3A_350 = arith.constant 2 : i32
        %sub3A_351 = arith.subi %add3A_245, %sub3A_350 : i32
        %dma_wait3A_352 = arith.constant 0 : i32
        %dma_wait3A_353 = tpu.memref_slice %arg8[%sub3A_351, %dma_wait3A_352] : memref<16x16xi32, #tpu.memory_space<vmem>> -> memref<1x16xi32, #tpu.memory_space<vmem>>
        %dma_wait3A_354 = tpu.memref_squeeze %dma_wait3A_353 : memref<1x16xi32, #tpu.memory_space<vmem>> -> memref<16xi32, #tpu.memory_space<vmem>>
        %dma_wait3A_355 = arith.constant 0 : i32
        %dma_wait3A_356 = arith.constant 0 : i32
        %dma_wait3A_357 = tpu.memref_slice %arg6[%dma_wait3A_355, %dma_wait3A_356] : memref<9216x2048xf32, #tpu.memory_space<hbm>> -> memref<9216x2048xf32, #tpu.memory_space<hbm>>
        tpu.wait_indirect_dma semaphore(%arg18 : memref<!tpu.dma_semaphore, #tpu.memory_space<semaphore_mem>>) src(%arg11 : memref<16x2048xf32, #tpu.memory_space<vmem>>) dst(%dma_wait3A_357 : memref<9216x2048xf32, #tpu.memory_space<hbm>>)
      } else {
      }
      %add3A_250 = arith.constant 1 : i32
      %add3A_251 = arith.addi %add3A_245, %add3A_250 : i32
      %add3A_252 = arith.constant 8192 : i32
      %add3A_253 = arith.addi %add3A_252, %mul3A_2 : i32
      %mul3A_254 = arith.constant 16 : i32
      %mul3A_255 = arith.muli %add3A_251, %mul3A_254 : i32
      %add3A_256 = arith.addi %add3A_253, %mul3A_255 : i32
      %dma_start3A_257 = arith.constant 0 : i32
      %dma_start3A_258 = tpu.memref_slice %arg3[%add3A_256, %dma_start3A_257] : memref<16384x2048xf32, #tpu.memory_space<hbm>> -> memref<16x2048xf32, #tpu.memory_space<hbm>>
      %dma_start3A_259 = arith.constant 0 : i32
      %dma_start3A_260 = tpu.memref_slice %arg3[%add3A_256, %dma_start3A_259] : memref<16384x2048xf32, #tpu.memory_space<hbm>> -> memref<16x2048xf32, #tpu.memory_space<hbm>>
      tpu.enqueue_dma source(%dma_start3A_260 : memref<16x2048xf32, #tpu.memory_space<hbm>>) target(%arg11 : memref<16x2048xf32, #tpu.memory_space<vmem>>) target_semaphore(%arg15 : memref<!tpu.dma_semaphore, #tpu.memory_space<semaphore_mem>>)
      %add3A_261 = arith.constant 8192 : i32
      %add3A_262 = arith.addi %add3A_261, %mul3A_2 : i32
      %mul3A_263 = arith.constant 16 : i32
      %mul3A_264 = arith.muli %add3A_245, %mul3A_263 : i32
      %add3A_265 = arith.addi %add3A_262, %mul3A_264 : i32
      %dma_wait3A_266 = arith.constant 0 : i32
      %dma_wait3A_267 = tpu.memref_slice %arg3[%add3A_265, %dma_wait3A_266] : memref<16384x2048xf32, #tpu.memory_space<hbm>> -> memref<16x2048xf32, #tpu.memory_space<hbm>>
      %dma_wait3A_268 = arith.constant 0 : i32
      %dma_wait3A_269 = tpu.memref_slice %arg3[%add3A_265, %dma_wait3A_268] : memref<16384x2048xf32, #tpu.memory_space<hbm>> -> memref<16x2048xf32, #tpu.memory_space<hbm>>
      tpu.wait_dma2 semaphore(%arg14 : memref<!tpu.dma_semaphore, #tpu.memory_space<semaphore_mem>>) src(%dma_wait3A_269 : memref<16x2048xf32, #tpu.memory_space<hbm>>) dst(%arg10 : memref<16x2048xf32, #tpu.memory_space<vmem>>)
      %dma_start3A_270 = arith.constant 0 : i32
      %dma_start3A_271 = tpu.memref_slice %arg8[%add3A_245, %dma_start3A_270] : memref<16x16xi32, #tpu.memory_space<vmem>> -> memref<1x16xi32, #tpu.memory_space<vmem>>
      %dma_start3A_272 = tpu.memref_squeeze %dma_start3A_271 : memref<1x16xi32, #tpu.memory_space<vmem>> -> memref<16xi32, #tpu.memory_space<vmem>>
      %dma_start3A_273 = arith.constant 0 : i32
      %dma_start3A_274 = arith.constant 0 : i32
      %dma_start3A_275 = tpu.memref_slice %arg6[%dma_start3A_273, %dma_start3A_274] : memref<9216x2048xf32, #tpu.memory_space<hbm>> -> memref<9216x2048xf32, #tpu.memory_space<hbm>>
      tpu.enqueue_indirect_dma source(%arg10 : memref<16x2048xf32, #tpu.memory_space<vmem>>) target(%dma_start3A_275 : memref<9216x2048xf32, #tpu.memory_space<hbm>>) offsets(%dma_start3A_272 : memref<16xi32, #tpu.memory_space<vmem>>) semaphore(%arg17 : memref<!tpu.dma_semaphore, #tpu.memory_space<semaphore_mem>>)
      %mul3A_276 = arith.constant 3 : i32
      %mul3A_277 = arith.muli %mul3A_276, %scan3A_240 : i32
      %add3A_278 = arith.constant 1 : i32
      %add3A_279 = arith.addi %mul3A_277, %add3A_278 : i32
      %ge3A_280 = arith.constant 1 : i32
      %ge3A_281 = arith.cmpi sge, %scan3A_240, %ge3A_280 : i32
      %convert_element_type3A_282 = arith.extui %ge3A_281 : i1 to i32
      %cond3A_283 = arith.constant 0 : i32
      %cond3A_284 = arith.cmpi ne, %convert_element_type3A_282, %cond3A_283 : i32
      scf.if %cond3A_284 {
        %sub3A_350 = arith.constant 2 : i32
        %sub3A_351 = arith.subi %add3A_279, %sub3A_350 : i32
        %dma_wait3A_352 = arith.constant 0 : i32
        %dma_wait3A_353 = tpu.memref_slice %arg8[%sub3A_351, %dma_wait3A_352] : memref<16x16xi32, #tpu.memory_space<vmem>> -> memref<1x16xi32, #tpu.memory_space<vmem>>
        %dma_wait3A_354 = tpu.memref_squeeze %dma_wait3A_353 : memref<1x16xi32, #tpu.memory_space<vmem>> -> memref<16xi32, #tpu.memory_space<vmem>>
        %dma_wait3A_355 = arith.constant 0 : i32
        %dma_wait3A_356 = arith.constant 0 : i32
        %dma_wait3A_357 = tpu.memref_slice %arg6[%dma_wait3A_355, %dma_wait3A_356] : memref<9216x2048xf32, #tpu.memory_space<hbm>> -> memref<9216x2048xf32, #tpu.memory_space<hbm>>
        tpu.wait_indirect_dma semaphore(%arg19 : memref<!tpu.dma_semaphore, #tpu.memory_space<semaphore_mem>>) src(%arg12 : memref<16x2048xf32, #tpu.memory_space<vmem>>) dst(%dma_wait3A_357 : memref<9216x2048xf32, #tpu.memory_space<hbm>>)
      } else {
      }
      %add3A_285 = arith.constant 1 : i32
      %add3A_286 = arith.addi %add3A_279, %add3A_285 : i32
      %add3A_287 = arith.constant 8192 : i32
      %add3A_288 = arith.addi %add3A_287, %mul3A_2 : i32
      %mul3A_289 = arith.constant 16 : i32
      %mul3A_290 = arith.muli %add3A_286, %mul3A_289 : i32
      %add3A_291 = arith.addi %add3A_288, %mul3A_290 : i32
      %dma_start3A_292 = arith.constant 0 : i32
      %dma_start3A_293 = tpu.memref_slice %arg3[%add3A_291, %dma_start3A_292] : memref<16384x2048xf32, #tpu.memory_space<hbm>> -> memref<16x2048xf32, #tpu.memory_space<hbm>>
      %dma_start3A_294 = arith.constant 0 : i32
      %dma_start3A_295 = tpu.memref_slice %arg3[%add3A_291, %dma_start3A_294] : memref<16384x2048xf32, #tpu.memory_space<hbm>> -> memref<16x2048xf32, #tpu.memory_space<hbm>>
      tpu.enqueue_dma source(%dma_start3A_295 : memref<16x2048xf32, #tpu.memory_space<hbm>>) target(%arg12 : memref<16x2048xf32, #tpu.memory_space<vmem>>) target_semaphore(%arg16 : memref<!tpu.dma_semaphore, #tpu.memory_space<semaphore_mem>>)
      %add3A_296 = arith.constant 8192 : i32
      %add3A_297 = arith.addi %add3A_296, %mul3A_2 : i32
      %mul3A_298 = arith.constant 16 : i32
      %mul3A_299 = arith.muli %add3A_279, %mul3A_298 : i32
      %add3A_300 = arith.addi %add3A_297, %mul3A_299 : i32
      %dma_wait3A_301 = arith.constant 0 : i32
      %dma_wait3A_302 = tpu.memref_slice %arg3[%add3A_300, %dma_wait3A_301] : memref<16384x2048xf32, #tpu.memory_space<hbm>> -> memref<16x2048xf32, #tpu.memory_space<hbm>>
      %dma_wait3A_303 = arith.constant 0 : i32
      %dma_wait3A_304 = tpu.memref_slice %arg3[%add3A_300, %dma_wait3A_303] : memref<16384x2048xf32, #tpu.memory_space<hbm>> -> memref<16x2048xf32, #tpu.memory_space<hbm>>
      tpu.wait_dma2 semaphore(%arg15 : memref<!tpu.dma_semaphore, #tpu.memory_space<semaphore_mem>>) src(%dma_wait3A_304 : memref<16x2048xf32, #tpu.memory_space<hbm>>) dst(%arg11 : memref<16x2048xf32, #tpu.memory_space<vmem>>)
      %dma_start3A_305 = arith.constant 0 : i32
      %dma_start3A_306 = tpu.memref_slice %arg8[%add3A_279, %dma_start3A_305] : memref<16x16xi32, #tpu.memory_space<vmem>> -> memref<1x16xi32, #tpu.memory_space<vmem>>
      %dma_start3A_307 = tpu.memref_squeeze %dma_start3A_306 : memref<1x16xi32, #tpu.memory_space<vmem>> -> memref<16xi32, #tpu.memory_space<vmem>>
      %dma_start3A_308 = arith.constant 0 : i32
      %dma_start3A_309 = arith.constant 0 : i32
      %dma_start3A_310 = tpu.memref_slice %arg6[%dma_start3A_308, %dma_start3A_309] : memref<9216x2048xf32, #tpu.memory_space<hbm>> -> memref<9216x2048xf32, #tpu.memory_space<hbm>>
      tpu.enqueue_indirect_dma source(%arg11 : memref<16x2048xf32, #tpu.memory_space<vmem>>) target(%dma_start3A_310 : memref<9216x2048xf32, #tpu.memory_space<hbm>>) offsets(%dma_start3A_307 : memref<16xi32, #tpu.memory_space<vmem>>) semaphore(%arg18 : memref<!tpu.dma_semaphore, #tpu.memory_space<semaphore_mem>>)
      %mul3A_311 = arith.constant 3 : i32
      %mul3A_312 = arith.muli %mul3A_311, %scan3A_240 : i32
      %add3A_313 = arith.constant 2 : i32
      %add3A_314 = arith.addi %mul3A_312, %add3A_313 : i32
      %sub3A_315 = arith.constant 2 : i32
      %sub3A_316 = arith.subi %add3A_314, %sub3A_315 : i32
      %dma_wait3A_317 = arith.constant 0 : i32
      %dma_wait3A_318 = tpu.memref_slice %arg8[%sub3A_316, %dma_wait3A_317] : memref<16x16xi32, #tpu.memory_space<vmem>> -> memref<1x16xi32, #tpu.memory_space<vmem>>
      %dma_wait3A_319 = tpu.memref_squeeze %dma_wait3A_318 : memref<1x16xi32, #tpu.memory_space<vmem>> -> memref<16xi32, #tpu.memory_space<vmem>>
      %dma_wait3A_320 = arith.constant 0 : i32
      %dma_wait3A_321 = arith.constant 0 : i32
      %dma_wait3A_322 = tpu.memref_slice %arg6[%dma_wait3A_320, %dma_wait3A_321] : memref<9216x2048xf32, #tpu.memory_space<hbm>> -> memref<9216x2048xf32, #tpu.memory_space<hbm>>
      tpu.wait_indirect_dma semaphore(%arg17 : memref<!tpu.dma_semaphore, #tpu.memory_space<semaphore_mem>>) src(%arg10 : memref<16x2048xf32, #tpu.memory_space<vmem>>) dst(%dma_wait3A_322 : memref<9216x2048xf32, #tpu.memory_space<hbm>>)
      %add3A_323 = arith.constant 1 : i32
      %add3A_324 = arith.addi %add3A_314, %add3A_323 : i32
      %add3A_325 = arith.constant 8192 : i32
      %add3A_326 = arith.addi %add3A_325, %mul3A_2 : i32
      %mul3A_327 = arith.constant 16 : i32
      %mul3A_328 = arith.muli %add3A_324, %mul3A_327 : i32
      %add3A_329 = arith.addi %add3A_326, %mul3A_328 : i32
      %dma_start3A_330 = arith.constant 0 : i32
      %dma_start3A_331 = tpu.memref_slice %arg3[%add3A_329, %dma_start3A_330] : memref<16384x2048xf32, #tpu.memory_space<hbm>> -> memref<16x2048xf32, #tpu.memory_space<hbm>>
      %dma_start3A_332 = arith.constant 0 : i32
      %dma_start3A_333 = tpu.memref_slice %arg3[%add3A_329, %dma_start3A_332] : memref<16384x2048xf32, #tpu.memory_space<hbm>> -> memref<16x2048xf32, #tpu.memory_space<hbm>>
      tpu.enqueue_dma source(%dma_start3A_333 : memref<16x2048xf32, #tpu.memory_space<hbm>>) target(%arg10 : memref<16x2048xf32, #tpu.memory_space<vmem>>) target_semaphore(%arg14 : memref<!tpu.dma_semaphore, #tpu.memory_space<semaphore_mem>>)
      %add3A_334 = arith.constant 8192 : i32
      %add3A_335 = arith.addi %add3A_334, %mul3A_2 : i32
      %mul3A_336 = arith.constant 16 : i32
      %mul3A_337 = arith.muli %add3A_314, %mul3A_336 : i32
      %add3A_338 = arith.addi %add3A_335, %mul3A_337 : i32
      %dma_wait3A_339 = arith.constant 0 : i32
      %dma_wait3A_340 = tpu.memref_slice %arg3[%add3A_338, %dma_wait3A_339] : memref<16384x2048xf32, #tpu.memory_space<hbm>> -> memref<16x2048xf32, #tpu.memory_space<hbm>>
      %dma_wait3A_341 = arith.constant 0 : i32
      %dma_wait3A_342 = tpu.memref_slice %arg3[%add3A_338, %dma_wait3A_341] : memref<16384x2048xf32, #tpu.memory_space<hbm>> -> memref<16x2048xf32, #tpu.memory_space<hbm>>
      tpu.wait_dma2 semaphore(%arg16 : memref<!tpu.dma_semaphore, #tpu.memory_space<semaphore_mem>>) src(%dma_wait3A_342 : memref<16x2048xf32, #tpu.memory_space<hbm>>) dst(%arg12 : memref<16x2048xf32, #tpu.memory_space<vmem>>)
      %dma_start3A_343 = arith.constant 0 : i32
      %dma_start3A_344 = tpu.memref_slice %arg8[%add3A_314, %dma_start3A_343] : memref<16x16xi32, #tpu.memory_space<vmem>> -> memref<1x16xi32, #tpu.memory_space<vmem>>
      %dma_start3A_345 = tpu.memref_squeeze %dma_start3A_344 : memref<1x16xi32, #tpu.memory_space<vmem>> -> memref<16xi32, #tpu.memory_space<vmem>>
      %dma_start3A_346 = arith.constant 0 : i32
      %dma_start3A_347 = arith.constant 0 : i32
      %dma_start3A_348 = tpu.memref_slice %arg6[%dma_start3A_346, %dma_start3A_347] : memref<9216x2048xf32, #tpu.memory_space<hbm>> -> memref<9216x2048xf32, #tpu.memory_space<hbm>>
      tpu.enqueue_indirect_dma source(%arg12 : memref<16x2048xf32, #tpu.memory_space<vmem>>) target(%dma_start3A_348 : memref<9216x2048xf32, #tpu.memory_space<hbm>>) offsets(%dma_start3A_345 : memref<16xi32, #tpu.memory_space<vmem>>) semaphore(%arg19 : memref<!tpu.dma_semaphore, #tpu.memory_space<semaphore_mem>>)
      %scan3A_349 = arith.constant 0 : i32
      scf.yield %scan3A_349 : i32
    }
    %scan3A_204 = arith.constant 5 : i32
    %dma_wait3A = arith.constant 13 : i32
    %dma_wait3A_205 = arith.constant 0 : i32
    %dma_wait3A_206 = tpu.memref_slice %arg8[%dma_wait3A, %dma_wait3A_205] : memref<16x16xi32, #tpu.memory_space<vmem>> -> memref<1x16xi32, #tpu.memory_space<vmem>>
    %dma_wait3A_207 = tpu.memref_squeeze %dma_wait3A_206 : memref<1x16xi32, #tpu.memory_space<vmem>> -> memref<16xi32, #tpu.memory_space<vmem>>
    %dma_wait3A_208 = arith.constant 0 : i32
    %dma_wait3A_209 = arith.constant 0 : i32
    %dma_wait3A_210 = tpu.memref_slice %arg6[%dma_wait3A_208, %dma_wait3A_209] : memref<9216x2048xf32, #tpu.memory_space<hbm>> -> memref<9216x2048xf32, #tpu.memory_space<hbm>>
    tpu.wait_indirect_dma semaphore(%arg18 : memref<!tpu.dma_semaphore, #tpu.memory_space<semaphore_mem>>) src(%arg11 : memref<16x2048xf32, #tpu.memory_space<vmem>>) dst(%dma_wait3A_210 : memref<9216x2048xf32, #tpu.memory_space<hbm>>)
    %add3A_211 = arith.constant 8192 : i32
    %add3A_212 = arith.addi %add3A_211, %mul3A_2 : i32
    %add3A_213 = arith.constant 240 : i32
    %add3A_214 = arith.addi %add3A_212, %add3A_213 : i32
    %dma_wait3A_215 = arith.constant 0 : i32
    %dma_wait3A_216 = tpu.memref_slice %arg3[%add3A_214, %dma_wait3A_215] : memref<16384x2048xf32, #tpu.memory_space<hbm>> -> memref<16x2048xf32, #tpu.memory_space<hbm>>
    %dma_wait3A_217 = arith.constant 0 : i32
    %dma_wait3A_218 = tpu.memref_slice %arg3[%add3A_214, %dma_wait3A_217] : memref<16384x2048xf32, #tpu.memory_space<hbm>> -> memref<16x2048xf32, #tpu.memory_space<hbm>>
    tpu.wait_dma2 semaphore(%arg14 : memref<!tpu.dma_semaphore, #tpu.memory_space<semaphore_mem>>) src(%dma_wait3A_218 : memref<16x2048xf32, #tpu.memory_space<hbm>>) dst(%arg10 : memref<16x2048xf32, #tpu.memory_space<vmem>>)
    %dma_start3A_219 = arith.constant 15 : i32
    %dma_start3A_220 = arith.constant 0 : i32
    %dma_start3A_221 = tpu.memref_slice %arg8[%dma_start3A_219, %dma_start3A_220] : memref<16x16xi32, #tpu.memory_space<vmem>> -> memref<1x16xi32, #tpu.memory_space<vmem>>
    %dma_start3A_222 = tpu.memref_squeeze %dma_start3A_221 : memref<1x16xi32, #tpu.memory_space<vmem>> -> memref<16xi32, #tpu.memory_space<vmem>>
    %dma_start3A_223 = arith.constant 0 : i32
    %dma_start3A_224 = arith.constant 0 : i32
    %dma_start3A_225 = tpu.memref_slice %arg6[%dma_start3A_223, %dma_start3A_224] : memref<9216x2048xf32, #tpu.memory_space<hbm>> -> memref<9216x2048xf32, #tpu.memory_space<hbm>>
    tpu.enqueue_indirect_dma source(%arg10 : memref<16x2048xf32, #tpu.memory_space<vmem>>) target(%dma_start3A_225 : memref<9216x2048xf32, #tpu.memory_space<hbm>>) offsets(%dma_start3A_222 : memref<16xi32, #tpu.memory_space<vmem>>) semaphore(%arg17 : memref<!tpu.dma_semaphore, #tpu.memory_space<semaphore_mem>>)
    %dma_wait3A_226 = arith.constant 14 : i32
    %dma_wait3A_227 = arith.constant 0 : i32
    %dma_wait3A_228 = tpu.memref_slice %arg8[%dma_wait3A_226, %dma_wait3A_227] : memref<16x16xi32, #tpu.memory_space<vmem>> -> memref<1x16xi32, #tpu.memory_space<vmem>>
    %dma_wait3A_229 = tpu.memref_squeeze %dma_wait3A_228 : memref<1x16xi32, #tpu.memory_space<vmem>> -> memref<16xi32, #tpu.memory_space<vmem>>
    %dma_wait3A_230 = arith.constant 0 : i32
    %dma_wait3A_231 = arith.constant 0 : i32
    %dma_wait3A_232 = tpu.memref_slice %arg6[%dma_wait3A_230, %dma_wait3A_231] : memref<9216x2048xf32, #tpu.memory_space<hbm>> -> memref<9216x2048xf32, #tpu.memory_space<hbm>>
    tpu.wait_indirect_dma semaphore(%arg19 : memref<!tpu.dma_semaphore, #tpu.memory_space<semaphore_mem>>) src(%arg12 : memref<16x2048xf32, #tpu.memory_space<vmem>>) dst(%dma_wait3A_232 : memref<9216x2048xf32, #tpu.memory_space<hbm>>)
    %dma_wait3A_233 = arith.constant 15 : i32
    %dma_wait3A_234 = arith.constant 0 : i32
    %dma_wait3A_235 = tpu.memref_slice %arg8[%dma_wait3A_233, %dma_wait3A_234] : memref<16x16xi32, #tpu.memory_space<vmem>> -> memref<1x16xi32, #tpu.memory_space<vmem>>
    %dma_wait3A_236 = tpu.memref_squeeze %dma_wait3A_235 : memref<1x16xi32, #tpu.memory_space<vmem>> -> memref<16xi32, #tpu.memory_space<vmem>>
    %dma_wait3A_237 = arith.constant 0 : i32
    %dma_wait3A_238 = arith.constant 0 : i32
    %dma_wait3A_239 = tpu.memref_slice %arg6[%dma_wait3A_237, %dma_wait3A_238] : memref<9216x2048xf32, #tpu.memory_space<hbm>> -> memref<9216x2048xf32, #tpu.memory_space<hbm>>
    tpu.wait_indirect_dma semaphore(%arg17 : memref<!tpu.dma_semaphore, #tpu.memory_space<semaphore_mem>>) src(%arg10 : memref<16x2048xf32, #tpu.memory_space<vmem>>) dst(%dma_wait3A_239 : memref<9216x2048xf32, #tpu.memory_space<hbm>>)
    return
  }
}

#map = affine_map<(d0, d1) -> (0, 0)>
#map1 = affine_map<(d0, d1) -> (0, 0, 0)>
#map2 = affine_map<(d0, d1) -> (0, 0, 0, 0)>
module attributes {stable_mosaic.version = 14 : i64} {
  func.func @_unsort_body(%arg0: i32, %arg1: i32, %arg2: memref<9216x128xf32, #tpu.memory_space<hbm>>, %arg3: memref<9216x128xf32, #tpu.memory_space<hbm>>, %arg4: memref<32x2x128xi32, #tpu.memory_space<hbm>>, %arg5: memref<32x2x128xi32, #tpu.memory_space<hbm>>, %arg6: memref<2x32x16x16xf32, #tpu.memory_space<hbm>>, %arg7: memref<2x128xi32, #tpu.memory_space<vmem>>, %arg8: memref<256x128xf32, #tpu.memory_space<vmem>>, %arg9: memref<16x16xf32, #tpu.memory_space<vmem>>, %arg10: memref<!tpu.dma_semaphore, #tpu.memory_space<semaphore_mem>>) attributes {dimension_semantics = [#tpu.dimension_semantics<core_parallel>, #tpu.dimension_semantics<subcore_parallel>], iteration_bounds = array<i64: 2, 16>, scalar_prefetch = 0 : i64, scratch_operands = 4 : i64, tpu.core_type = #tpu.core_type<sc_vector_subcore>, window_params = [{transform_indices = #map}, {transform_indices = #map}, {transform_indices = #map1}, {transform_indices = #map1}, {transform_indices = #map2}]} {
    %mul3A = arith.constant 2 : i32
    %mul3A_0 = arith.muli %arg1, %mul3A : i32
    %add3A = arith.addi %mul3A_0, %arg0 : i32
    %broadcast_in_dim3A = arith.constant 0 : i32
    %broadcast_in_dim3A_1 = vector.broadcast %broadcast_in_dim3A : i32 to vector<16xi32>
    "tpu.region"() ({
      %run_scoped3A_94 = tpu.sem_alloc : memref<!tpu.dma_semaphore, #tpu.memory_space<semaphore_mem>>
      %dma_start3A_95 = arith.constant 0 : i32
      %dma_start3A_96 = arith.constant 0 : i32
      %dma_start3A_97 = tpu.memref_slice %arg4[%add3A, %dma_start3A_95, %dma_start3A_96] : memref<32x2x128xi32, #tpu.memory_space<hbm>> -> memref<1x2x128xi32, #tpu.memory_space<hbm>>
      %dma_start3A_98 = tpu.memref_squeeze %dma_start3A_97 : memref<1x2x128xi32, #tpu.memory_space<hbm>> -> memref<2x128xi32, #tpu.memory_space<hbm>>
      %dma_start3A_99 = arith.constant 0 : i32
      %dma_start3A_100 = arith.constant 0 : i32
      %dma_start3A_101 = tpu.memref_slice %arg4[%add3A, %dma_start3A_99, %dma_start3A_100] : memref<32x2x128xi32, #tpu.memory_space<hbm>> -> memref<1x2x128xi32, #tpu.memory_space<hbm>>
      %dma_start3A_102 = tpu.memref_squeeze %dma_start3A_101 : memref<1x2x128xi32, #tpu.memory_space<hbm>> -> memref<2x128xi32, #tpu.memory_space<hbm>>
      tpu.enqueue_dma source(%dma_start3A_102 : memref<2x128xi32, #tpu.memory_space<hbm>>) target(%arg7 : memref<2x128xi32, #tpu.memory_space<vmem>>) target_semaphore(%run_scoped3A_94 : memref<!tpu.dma_semaphore, #tpu.memory_space<semaphore_mem>>)
      %dma_wait3A_103 = arith.constant 0 : i32
      %dma_wait3A_104 = arith.constant 0 : i32
      %dma_wait3A_105 = tpu.memref_slice %arg4[%add3A, %dma_wait3A_103, %dma_wait3A_104] : memref<32x2x128xi32, #tpu.memory_space<hbm>> -> memref<1x2x128xi32, #tpu.memory_space<hbm>>
      %dma_wait3A_106 = tpu.memref_squeeze %dma_wait3A_105 : memref<1x2x128xi32, #tpu.memory_space<hbm>> -> memref<2x128xi32, #tpu.memory_space<hbm>>
      %dma_wait3A_107 = arith.constant 0 : i32
      %dma_wait3A_108 = arith.constant 0 : i32
      %dma_wait3A_109 = tpu.memref_slice %arg4[%add3A, %dma_wait3A_107, %dma_wait3A_108] : memref<32x2x128xi32, #tpu.memory_space<hbm>> -> memref<1x2x128xi32, #tpu.memory_space<hbm>>
      %dma_wait3A_110 = tpu.memref_squeeze %dma_wait3A_109 : memref<1x2x128xi32, #tpu.memory_space<hbm>> -> memref<2x128xi32, #tpu.memory_space<hbm>>
      tpu.wait_dma2 semaphore(%run_scoped3A_94 : memref<!tpu.dma_semaphore, #tpu.memory_space<semaphore_mem>>) src(%dma_wait3A_110 : memref<2x128xi32, #tpu.memory_space<hbm>>) dst(%arg7 : memref<2x128xi32, #tpu.memory_space<vmem>>)
      tpu.yield
    }) : () -> ()
    %dma_start3A = arith.constant 0 : i32
    %dma_start3A_2 = arith.constant 0 : i32
    %dma_start3A_3 = arith.constant 0 : i32
    %dma_start3A_4 = tpu.memref_slice %arg8[%dma_start3A_2, %dma_start3A_3] : memref<256x128xf32, #tpu.memory_space<vmem>> -> memref<128x128xf32, #tpu.memory_space<vmem>>
    %dma_start3A_5 = arith.constant 0 : i32
    %dma_start3A_6 = tpu.memref_slice %arg7[%dma_start3A, %dma_start3A_5] : memref<2x128xi32, #tpu.memory_space<vmem>> -> memref<1x128xi32, #tpu.memory_space<vmem>>
    %dma_start3A_7 = tpu.memref_squeeze %dma_start3A_6 : memref<1x128xi32, #tpu.memory_space<vmem>> -> memref<128xi32, #tpu.memory_space<vmem>>
    %dma_start3A_8 = arith.constant 0 : i32
    %dma_start3A_9 = arith.constant 0 : i32
    %dma_start3A_10 = tpu.memref_slice %arg2[%dma_start3A_8, %dma_start3A_9] : memref<9216x128xf32, #tpu.memory_space<hbm>> -> memref<9216x128xf32, #tpu.memory_space<hbm>>
    tpu.enqueue_indirect_dma source(%dma_start3A_10 : memref<9216x128xf32, #tpu.memory_space<hbm>>) target(%dma_start3A_4 : memref<128x128xf32, #tpu.memory_space<vmem>>) offsets(%dma_start3A_7 : memref<128xi32, #tpu.memory_space<vmem>>) semaphore(%arg10 : memref<!tpu.dma_semaphore, #tpu.memory_space<semaphore_mem>>)
    %dma_start3A_11 = arith.constant 1 : i32
    %dma_start3A_12 = arith.constant 128 : i32
    %dma_start3A_13 = arith.constant 0 : i32
    %dma_start3A_14 = tpu.memref_slice %arg8[%dma_start3A_12, %dma_start3A_13] : memref<256x128xf32, #tpu.memory_space<vmem>> -> memref<128x128xf32, #tpu.memory_space<vmem>>
    %dma_start3A_15 = arith.constant 0 : i32
    %dma_start3A_16 = tpu.memref_slice %arg7[%dma_start3A_11, %dma_start3A_15] : memref<2x128xi32, #tpu.memory_space<vmem>> -> memref<1x128xi32, #tpu.memory_space<vmem>>
    %dma_start3A_17 = tpu.memref_squeeze %dma_start3A_16 : memref<1x128xi32, #tpu.memory_space<vmem>> -> memref<128xi32, #tpu.memory_space<vmem>>
    %dma_start3A_18 = arith.constant 0 : i32
    %dma_start3A_19 = arith.constant 0 : i32
    %dma_start3A_20 = tpu.memref_slice %arg2[%dma_start3A_18, %dma_start3A_19] : memref<9216x128xf32, #tpu.memory_space<hbm>> -> memref<9216x128xf32, #tpu.memory_space<hbm>>
    tpu.enqueue_indirect_dma source(%dma_start3A_20 : memref<9216x128xf32, #tpu.memory_space<hbm>>) target(%dma_start3A_14 : memref<128x128xf32, #tpu.memory_space<vmem>>) offsets(%dma_start3A_17 : memref<128xi32, #tpu.memory_space<vmem>>) semaphore(%arg10 : memref<!tpu.dma_semaphore, #tpu.memory_space<semaphore_mem>>)
    %dma_wait3A = arith.constant 0 : i32
    %dma_wait3A_21 = arith.constant 0 : i32
    %dma_wait3A_22 = arith.constant 0 : i32
    %dma_wait3A_23 = tpu.memref_slice %arg8[%dma_wait3A_21, %dma_wait3A_22] : memref<256x128xf32, #tpu.memory_space<vmem>> -> memref<128x128xf32, #tpu.memory_space<vmem>>
    %dma_wait3A_24 = arith.constant 0 : i32
    %dma_wait3A_25 = tpu.memref_slice %arg7[%dma_wait3A, %dma_wait3A_24] : memref<2x128xi32, #tpu.memory_space<vmem>> -> memref<1x128xi32, #tpu.memory_space<vmem>>
    %dma_wait3A_26 = tpu.memref_squeeze %dma_wait3A_25 : memref<1x128xi32, #tpu.memory_space<vmem>> -> memref<128xi32, #tpu.memory_space<vmem>>
    %dma_wait3A_27 = arith.constant 0 : i32
    %dma_wait3A_28 = arith.constant 0 : i32
    %dma_wait3A_29 = tpu.memref_slice %arg2[%dma_wait3A_27, %dma_wait3A_28] : memref<9216x128xf32, #tpu.memory_space<hbm>> -> memref<9216x128xf32, #tpu.memory_space<hbm>>
    tpu.wait_indirect_dma semaphore(%arg10 : memref<!tpu.dma_semaphore, #tpu.memory_space<semaphore_mem>>) src(%dma_wait3A_29 : memref<9216x128xf32, #tpu.memory_space<hbm>>) dst(%dma_wait3A_23 : memref<128x128xf32, #tpu.memory_space<vmem>>)
    %dma_wait3A_30 = arith.constant 1 : i32
    %dma_wait3A_31 = arith.constant 128 : i32
    %dma_wait3A_32 = arith.constant 0 : i32
    %dma_wait3A_33 = tpu.memref_slice %arg8[%dma_wait3A_31, %dma_wait3A_32] : memref<256x128xf32, #tpu.memory_space<vmem>> -> memref<128x128xf32, #tpu.memory_space<vmem>>
    %dma_wait3A_34 = arith.constant 0 : i32
    %dma_wait3A_35 = tpu.memref_slice %arg7[%dma_wait3A_30, %dma_wait3A_34] : memref<2x128xi32, #tpu.memory_space<vmem>> -> memref<1x128xi32, #tpu.memory_space<vmem>>
    %dma_wait3A_36 = tpu.memref_squeeze %dma_wait3A_35 : memref<1x128xi32, #tpu.memory_space<vmem>> -> memref<128xi32, #tpu.memory_space<vmem>>
    %dma_wait3A_37 = arith.constant 0 : i32
    %dma_wait3A_38 = arith.constant 0 : i32
    %dma_wait3A_39 = tpu.memref_slice %arg2[%dma_wait3A_37, %dma_wait3A_38] : memref<9216x128xf32, #tpu.memory_space<hbm>> -> memref<9216x128xf32, #tpu.memory_space<hbm>>
    tpu.wait_indirect_dma semaphore(%arg10 : memref<!tpu.dma_semaphore, #tpu.memory_space<semaphore_mem>>) src(%dma_wait3A_39 : memref<9216x128xf32, #tpu.memory_space<hbm>>) dst(%dma_wait3A_33 : memref<128x128xf32, #tpu.memory_space<vmem>>)
    %scan3A = arith.constant 0 : i32
    %scan3A_40 = arith.constant 0 : i32
    %scan3A_41 = arith.constant 16 : i32
    %scan3A_42 = arith.addi %scan3A_40, %scan3A_41 : i32
    %scan3A_43 = arith.constant 1 : i32
    %scan3A_44 = scf.for %scan3A_94 = %scan3A_40 to %scan3A_42 step %scan3A_43 iter_args(%scan3A_95 = %scan3A) -> (i32)  : i32 {
      %iota3A = tpu.iota {dimensions = array<i32: 0>} : vector<16xi32>
      %mul3A_96 = arith.constant 16 : i32
      %mul3A_97 = arith.muli %scan3A_94, %mul3A_96 : i32
      %add3A_98 = vector.broadcast %mul3A_97 : i32 to vector<16xi32>
      %add3A_99 = arith.addi %iota3A, %add3A_98 : vector<16xi32>
      %gather3A = tpu.vector_load_idx %arg8[%add3A_99, %broadcast_in_dim3A_1] : memref<256x128xf32, #tpu.memory_space<vmem>>[vector<16xi32>, vector<16xi32>], vector<16xf32>,
      %swap3A = arith.index_cast %scan3A_94 : i32 to index
      %swap3A_100 = arith.constant 0 : index
      %swap3A_101 = tpu.vector_load %arg9[%swap3A, %swap3A_100] {strides = array<i32>} : memref<16x16xf32, #tpu.memory_space<vmem>>, vector<16xf32>,
      tpu.vector_store %arg9[%swap3A, %swap3A_100], %gather3A {strides = array<i32>} : memref<16x16xf32, #tpu.memory_space<vmem>>, vector<16xf32>,
      %scan3A_102 = arith.constant 0 : i32
      scf.yield %scan3A_102 : i32
    }
    %scan3A_45 = arith.constant 16 : i32
    %run_scoped3A = arith.constant 0 : i32
    "tpu.region"() ({
      %run_scoped3A_94 = tpu.sem_alloc : memref<!tpu.dma_semaphore, #tpu.memory_space<semaphore_mem>>
      %dma_start3A_95 = arith.constant 0 : i32
      %dma_start3A_96 = arith.constant 0 : i32
      %dma_start3A_97 = tpu.memref_slice %arg6[%run_scoped3A, %add3A, %dma_start3A_95, %dma_start3A_96] : memref<2x32x16x16xf32, #tpu.memory_space<hbm>> -> memref<1x1x16x16xf32, #tpu.memory_space<hbm>>
      %dma_start3A_98 = tpu.memref_squeeze %dma_start3A_97 : memref<1x1x16x16xf32, #tpu.memory_space<hbm>> -> memref<16x16xf32, #tpu.memory_space<hbm>>
      %dma_start3A_99 = arith.constant 0 : i32
      %dma_start3A_100 = arith.constant 0 : i32
      %dma_start3A_101 = tpu.memref_slice %arg6[%run_scoped3A, %add3A, %dma_start3A_99, %dma_start3A_100] : memref<2x32x16x16xf32, #tpu.memory_space<hbm>> -> memref<1x1x16x16xf32, #tpu.memory_space<hbm>>
      %dma_start3A_102 = tpu.memref_squeeze %dma_start3A_101 : memref<1x1x16x16xf32, #tpu.memory_space<hbm>> -> memref<16x16xf32, #tpu.memory_space<hbm>>
      tpu.enqueue_dma source(%arg9 : memref<16x16xf32, #tpu.memory_space<vmem>>) target(%dma_start3A_102 : memref<16x16xf32, #tpu.memory_space<hbm>>) target_semaphore(%run_scoped3A_94 : memref<!tpu.dma_semaphore, #tpu.memory_space<semaphore_mem>>)
      %dma_wait3A_103 = arith.constant 0 : i32
      %dma_wait3A_104 = arith.constant 0 : i32
      %dma_wait3A_105 = tpu.memref_slice %arg6[%run_scoped3A, %add3A, %dma_wait3A_103, %dma_wait3A_104] : memref<2x32x16x16xf32, #tpu.memory_space<hbm>> -> memref<1x1x16x16xf32, #tpu.memory_space<hbm>>
      %dma_wait3A_106 = tpu.memref_squeeze %dma_wait3A_105 : memref<1x1x16x16xf32, #tpu.memory_space<hbm>> -> memref<16x16xf32, #tpu.memory_space<hbm>>
      %dma_wait3A_107 = arith.constant 0 : i32
      %dma_wait3A_108 = arith.constant 0 : i32
      %dma_wait3A_109 = tpu.memref_slice %arg6[%run_scoped3A, %add3A, %dma_wait3A_107, %dma_wait3A_108] : memref<2x32x16x16xf32, #tpu.memory_space<hbm>> -> memref<1x1x16x16xf32, #tpu.memory_space<hbm>>
      %dma_wait3A_110 = tpu.memref_squeeze %dma_wait3A_109 : memref<1x1x16x16xf32, #tpu.memory_space<hbm>> -> memref<16x16xf32, #tpu.memory_space<hbm>>
      tpu.wait_dma2 semaphore(%run_scoped3A_94 : memref<!tpu.dma_semaphore, #tpu.memory_space<semaphore_mem>>) src(%arg9 : memref<16x16xf32, #tpu.memory_space<vmem>>) dst(%dma_wait3A_110 : memref<16x16xf32, #tpu.memory_space<hbm>>)
      tpu.yield
    }) : () -> ()
    "tpu.region"() ({
      %run_scoped3A_94 = tpu.sem_alloc : memref<!tpu.dma_semaphore, #tpu.memory_space<semaphore_mem>>
      %dma_start3A_95 = arith.constant 0 : i32
      %dma_start3A_96 = arith.constant 0 : i32
      %dma_start3A_97 = tpu.memref_slice %arg5[%add3A, %dma_start3A_95, %dma_start3A_96] : memref<32x2x128xi32, #tpu.memory_space<hbm>> -> memref<1x2x128xi32, #tpu.memory_space<hbm>>
      %dma_start3A_98 = tpu.memref_squeeze %dma_start3A_97 : memref<1x2x128xi32, #tpu.memory_space<hbm>> -> memref<2x128xi32, #tpu.memory_space<hbm>>
      %dma_start3A_99 = arith.constant 0 : i32
      %dma_start3A_100 = arith.constant 0 : i32
      %dma_start3A_101 = tpu.memref_slice %arg5[%add3A, %dma_start3A_99, %dma_start3A_100] : memref<32x2x128xi32, #tpu.memory_space<hbm>> -> memref<1x2x128xi32, #tpu.memory_space<hbm>>
      %dma_start3A_102 = tpu.memref_squeeze %dma_start3A_101 : memref<1x2x128xi32, #tpu.memory_space<hbm>> -> memref<2x128xi32, #tpu.memory_space<hbm>>
      tpu.enqueue_dma source(%dma_start3A_102 : memref<2x128xi32, #tpu.memory_space<hbm>>) target(%arg7 : memref<2x128xi32, #tpu.memory_space<vmem>>) target_semaphore(%run_scoped3A_94 : memref<!tpu.dma_semaphore, #tpu.memory_space<semaphore_mem>>)
      %dma_wait3A_103 = arith.constant 0 : i32
      %dma_wait3A_104 = arith.constant 0 : i32
      %dma_wait3A_105 = tpu.memref_slice %arg5[%add3A, %dma_wait3A_103, %dma_wait3A_104] : memref<32x2x128xi32, #tpu.memory_space<hbm>> -> memref<1x2x128xi32, #tpu.memory_space<hbm>>
      %dma_wait3A_106 = tpu.memref_squeeze %dma_wait3A_105 : memref<1x2x128xi32, #tpu.memory_space<hbm>> -> memref<2x128xi32, #tpu.memory_space<hbm>>
      %dma_wait3A_107 = arith.constant 0 : i32
      %dma_wait3A_108 = arith.constant 0 : i32
      %dma_wait3A_109 = tpu.memref_slice %arg5[%add3A, %dma_wait3A_107, %dma_wait3A_108] : memref<32x2x128xi32, #tpu.memory_space<hbm>> -> memref<1x2x128xi32, #tpu.memory_space<hbm>>
      %dma_wait3A_110 = tpu.memref_squeeze %dma_wait3A_109 : memref<1x2x128xi32, #tpu.memory_space<hbm>> -> memref<2x128xi32, #tpu.memory_space<hbm>>
      tpu.wait_dma2 semaphore(%run_scoped3A_94 : memref<!tpu.dma_semaphore, #tpu.memory_space<semaphore_mem>>) src(%dma_wait3A_110 : memref<2x128xi32, #tpu.memory_space<hbm>>) dst(%arg7 : memref<2x128xi32, #tpu.memory_space<vmem>>)
      tpu.yield
    }) : () -> ()
    %dma_start3A_46 = arith.constant 0 : i32
    %dma_start3A_47 = arith.constant 0 : i32
    %dma_start3A_48 = arith.constant 0 : i32
    %dma_start3A_49 = tpu.memref_slice %arg8[%dma_start3A_47, %dma_start3A_48] : memref<256x128xf32, #tpu.memory_space<vmem>> -> memref<128x128xf32, #tpu.memory_space<vmem>>
    %dma_start3A_50 = arith.constant 0 : i32
    %dma_start3A_51 = tpu.memref_slice %arg7[%dma_start3A_46, %dma_start3A_50] : memref<2x128xi32, #tpu.memory_space<vmem>> -> memref<1x128xi32, #tpu.memory_space<vmem>>
    %dma_start3A_52 = tpu.memref_squeeze %dma_start3A_51 : memref<1x128xi32, #tpu.memory_space<vmem>> -> memref<128xi32, #tpu.memory_space<vmem>>
    %dma_start3A_53 = arith.constant 0 : i32
    %dma_start3A_54 = arith.constant 0 : i32
    %dma_start3A_55 = tpu.memref_slice %arg3[%dma_start3A_53, %dma_start3A_54] : memref<9216x128xf32, #tpu.memory_space<hbm>> -> memref<9216x128xf32, #tpu.memory_space<hbm>>
    tpu.enqueue_indirect_dma source(%dma_start3A_55 : memref<9216x128xf32, #tpu.memory_space<hbm>>) target(%dma_start3A_49 : memref<128x128xf32, #tpu.memory_space<vmem>>) offsets(%dma_start3A_52 : memref<128xi32, #tpu.memory_space<vmem>>) semaphore(%arg10 : memref<!tpu.dma_semaphore, #tpu.memory_space<semaphore_mem>>)
    %dma_start3A_56 = arith.constant 1 : i32
    %dma_start3A_57 = arith.constant 128 : i32
    %dma_start3A_58 = arith.constant 0 : i32
    %dma_start3A_59 = tpu.memref_slice %arg8[%dma_start3A_57, %dma_start3A_58] : memref<256x128xf32, #tpu.memory_space<vmem>> -> memref<128x128xf32, #tpu.memory_space<vmem>>
    %dma_start3A_60 = arith.constant 0 : i32
    %dma_start3A_61 = tpu.memref_slice %arg7[%dma_start3A_56, %dma_start3A_60] : memref<2x128xi32, #tpu.memory_space<vmem>> -> memref<1x128xi32, #tpu.memory_space<vmem>>
    %dma_start3A_62 = tpu.memref_squeeze %dma_start3A_61 : memref<1x128xi32, #tpu.memory_space<vmem>> -> memref<128xi32, #tpu.memory_space<vmem>>
    %dma_start3A_63 = arith.constant 0 : i32
    %dma_start3A_64 = arith.constant 0 : i32
    %dma_start3A_65 = tpu.memref_slice %arg3[%dma_start3A_63, %dma_start3A_64] : memref<9216x128xf32, #tpu.memory_space<hbm>> -> memref<9216x128xf32, #tpu.memory_space<hbm>>
    tpu.enqueue_indirect_dma source(%dma_start3A_65 : memref<9216x128xf32, #tpu.memory_space<hbm>>) target(%dma_start3A_59 : memref<128x128xf32, #tpu.memory_space<vmem>>) offsets(%dma_start3A_62 : memref<128xi32, #tpu.memory_space<vmem>>) semaphore(%arg10 : memref<!tpu.dma_semaphore, #tpu.memory_space<semaphore_mem>>)
    %dma_wait3A_66 = arith.constant 0 : i32
    %dma_wait3A_67 = arith.constant 0 : i32
    %dma_wait3A_68 = arith.constant 0 : i32
    %dma_wait3A_69 = tpu.memref_slice %arg8[%dma_wait3A_67, %dma_wait3A_68] : memref<256x128xf32, #tpu.memory_space<vmem>> -> memref<128x128xf32, #tpu.memory_space<vmem>>
    %dma_wait3A_70 = arith.constant 0 : i32
    %dma_wait3A_71 = tpu.memref_slice %arg7[%dma_wait3A_66, %dma_wait3A_70] : memref<2x128xi32, #tpu.memory_space<vmem>> -> memref<1x128xi32, #tpu.memory_space<vmem>>
    %dma_wait3A_72 = tpu.memref_squeeze %dma_wait3A_71 : memref<1x128xi32, #tpu.memory_space<vmem>> -> memref<128xi32, #tpu.memory_space<vmem>>
    %dma_wait3A_73 = arith.constant 0 : i32
    %dma_wait3A_74 = arith.constant 0 : i32
    %dma_wait3A_75 = tpu.memref_slice %arg3[%dma_wait3A_73, %dma_wait3A_74] : memref<9216x128xf32, #tpu.memory_space<hbm>> -> memref<9216x128xf32, #tpu.memory_space<hbm>>
    tpu.wait_indirect_dma semaphore(%arg10 : memref<!tpu.dma_semaphore, #tpu.memory_space<semaphore_mem>>) src(%dma_wait3A_75 : memref<9216x128xf32, #tpu.memory_space<hbm>>) dst(%dma_wait3A_69 : memref<128x128xf32, #tpu.memory_space<vmem>>)
    %dma_wait3A_76 = arith.constant 1 : i32
    %dma_wait3A_77 = arith.constant 128 : i32
    %dma_wait3A_78 = arith.constant 0 : i32
    %dma_wait3A_79 = tpu.memref_slice %arg8[%dma_wait3A_77, %dma_wait3A_78] : memref<256x128xf32, #tpu.memory_space<vmem>> -> memref<128x128xf32, #tpu.memory_space<vmem>>
    %dma_wait3A_80 = arith.constant 0 : i32
    %dma_wait3A_81 = tpu.memref_slice %arg7[%dma_wait3A_76, %dma_wait3A_80] : memref<2x128xi32, #tpu.memory_space<vmem>> -> memref<1x128xi32, #tpu.memory_space<vmem>>
    %dma_wait3A_82 = tpu.memref_squeeze %dma_wait3A_81 : memref<1x128xi32, #tpu.memory_space<vmem>> -> memref<128xi32, #tpu.memory_space<vmem>>
    %dma_wait3A_83 = arith.constant 0 : i32
    %dma_wait3A_84 = arith.constant 0 : i32
    %dma_wait3A_85 = tpu.memref_slice %arg3[%dma_wait3A_83, %dma_wait3A_84] : memref<9216x128xf32, #tpu.memory_space<hbm>> -> memref<9216x128xf32, #tpu.memory_space<hbm>>
    tpu.wait_indirect_dma semaphore(%arg10 : memref<!tpu.dma_semaphore, #tpu.memory_space<semaphore_mem>>) src(%dma_wait3A_85 : memref<9216x128xf32, #tpu.memory_space<hbm>>) dst(%dma_wait3A_79 : memref<128x128xf32, #tpu.memory_space<vmem>>)
    %scan3A_86 = arith.constant 0 : i32
    %scan3A_87 = arith.constant 0 : i32
    %scan3A_88 = arith.constant 16 : i32
    %scan3A_89 = arith.addi %scan3A_87, %scan3A_88 : i32
    %scan3A_90 = arith.constant 1 : i32
    %scan3A_91 = scf.for %scan3A_94 = %scan3A_87 to %scan3A_89 step %scan3A_90 iter_args(%scan3A_95 = %scan3A_86) -> (i32)  : i32 {
      %iota3A = tpu.iota {dimensions = array<i32: 0>} : vector<16xi32>
      %mul3A_96 = arith.constant 16 : i32
      %mul3A_97 = arith.muli %scan3A_94, %mul3A_96 : i32
      %add3A_98 = vector.broadcast %mul3A_97 : i32 to vector<16xi32>
      %add3A_99 = arith.addi %iota3A, %add3A_98 : vector<16xi32>
      %gather3A = tpu.vector_load_idx %arg8[%add3A_99, %broadcast_in_dim3A_1] : memref<256x128xf32, #tpu.memory_space<vmem>>[vector<16xi32>, vector<16xi32>], vector<16xf32>,
      %swap3A = arith.index_cast %scan3A_94 : i32 to index
      %swap3A_100 = arith.constant 0 : index
      %swap3A_101 = tpu.vector_load %arg9[%swap3A, %swap3A_100] {strides = array<i32>} : memref<16x16xf32, #tpu.memory_space<vmem>>, vector<16xf32>,
      tpu.vector_store %arg9[%swap3A, %swap3A_100], %gather3A {strides = array<i32>} : memref<16x16xf32, #tpu.memory_space<vmem>>, vector<16xf32>,
      %scan3A_102 = arith.constant 0 : i32
      scf.yield %scan3A_102 : i32
    }
    %scan3A_92 = arith.constant 16 : i32
    %run_scoped3A_93 = arith.constant 1 : i32
    "tpu.region"() ({
      %run_scoped3A_94 = tpu.sem_alloc : memref<!tpu.dma_semaphore, #tpu.memory_space<semaphore_mem>>
      %dma_start3A_95 = arith.constant 0 : i32
      %dma_start3A_96 = arith.constant 0 : i32
      %dma_start3A_97 = tpu.memref_slice %arg6[%run_scoped3A_93, %add3A, %dma_start3A_95, %dma_start3A_96] : memref<2x32x16x16xf32, #tpu.memory_space<hbm>> -> memref<1x1x16x16xf32, #tpu.memory_space<hbm>>
      %dma_start3A_98 = tpu.memref_squeeze %dma_start3A_97 : memref<1x1x16x16xf32, #tpu.memory_space<hbm>> -> memref<16x16xf32, #tpu.memory_space<hbm>>
      %dma_start3A_99 = arith.constant 0 : i32
      %dma_start3A_100 = arith.constant 0 : i32
      %dma_start3A_101 = tpu.memref_slice %arg6[%run_scoped3A_93, %add3A, %dma_start3A_99, %dma_start3A_100] : memref<2x32x16x16xf32, #tpu.memory_space<hbm>> -> memref<1x1x16x16xf32, #tpu.memory_space<hbm>>
      %dma_start3A_102 = tpu.memref_squeeze %dma_start3A_101 : memref<1x1x16x16xf32, #tpu.memory_space<hbm>> -> memref<16x16xf32, #tpu.memory_space<hbm>>
      tpu.enqueue_dma source(%arg9 : memref<16x16xf32, #tpu.memory_space<vmem>>) target(%dma_start3A_102 : memref<16x16xf32, #tpu.memory_space<hbm>>) target_semaphore(%run_scoped3A_94 : memref<!tpu.dma_semaphore, #tpu.memory_space<semaphore_mem>>)
      %dma_wait3A_103 = arith.constant 0 : i32
      %dma_wait3A_104 = arith.constant 0 : i32
      %dma_wait3A_105 = tpu.memref_slice %arg6[%run_scoped3A_93, %add3A, %dma_wait3A_103, %dma_wait3A_104] : memref<2x32x16x16xf32, #tpu.memory_space<hbm>> -> memref<1x1x16x16xf32, #tpu.memory_space<hbm>>
      %dma_wait3A_106 = tpu.memref_squeeze %dma_wait3A_105 : memref<1x1x16x16xf32, #tpu.memory_space<hbm>> -> memref<16x16xf32, #tpu.memory_space<hbm>>
      %dma_wait3A_107 = arith.constant 0 : i32
      %dma_wait3A_108 = arith.constant 0 : i32
      %dma_wait3A_109 = tpu.memref_slice %arg6[%run_scoped3A_93, %add3A, %dma_wait3A_107, %dma_wait3A_108] : memref<2x32x16x16xf32, #tpu.memory_space<hbm>> -> memref<1x1x16x16xf32, #tpu.memory_space<hbm>>
      %dma_wait3A_110 = tpu.memref_squeeze %dma_wait3A_109 : memref<1x1x16x16xf32, #tpu.memory_space<hbm>> -> memref<16x16xf32, #tpu.memory_space<hbm>>
      tpu.wait_dma2 semaphore(%run_scoped3A_94 : memref<!tpu.dma_semaphore, #tpu.memory_space<semaphore_mem>>) src(%arg9 : memref<16x16xf32, #tpu.memory_space<vmem>>) dst(%dma_wait3A_110 : memref<16x16xf32, #tpu.memory_space<hbm>>)
      tpu.yield
    }) : () -> ()
    return
  }
}

module attributes {stable_mosaic.version = 14 : i64} {
  func.func @_mlp_body(%arg0: i32, %arg1: memref<48xi32, #tpu.memory_space<smem>>, %arg2: memref<256x2048xf32, #tpu.memory_space<vmem>>, %arg3: memref<1x2048x384xbf16, #tpu.memory_space<vmem>>, %arg4: memref<1x1x384xf32, #tpu.memory_space<vmem>>, %arg5: memref<1x384x384xf32, #tpu.memory_space<vmem>>, %arg6: memref<1x1x384xf32, #tpu.memory_space<vmem>>, %arg7: memref<1x384x384xf32, #tpu.memory_space<vmem>>, %arg8: memref<1x1x384xf32, #tpu.memory_space<vmem>>, %arg9: memref<1x384x128xf32, #tpu.memory_space<vmem>>, %arg10: memref<1x1x128xf32, #tpu.memory_space<vmem>>, %arg11: memref<256x128xf32, #tpu.memory_space<vmem>>) attributes {dimension_semantics = [#tpu.dimension_semantics<arbitrary>], iteration_bounds = array<i64: 36>, scalar_prefetch = 1 : i64, scratch_operands = 0 : i64, tpu.core_type = #tpu.core_type<tc>, window_params = [{transform_indices = @transform_0, window_bounds = array<i64: 256, 2048>}, {transform_indices = @transform_1, window_bounds = array<i64: 1, 2048, 384>}, {transform_indices = @transform_2, window_bounds = array<i64: 1, 1, 384>}, {transform_indices = @transform_3, window_bounds = array<i64: 1, 384, 384>}, {transform_indices = @transform_4, window_bounds = array<i64: 1, 1, 384>}, {transform_indices = @transform_5, window_bounds = array<i64: 1, 384, 384>}, {transform_indices = @transform_6, window_bounds = array<i64: 1, 1, 384>}, {transform_indices = @transform_7, window_bounds = array<i64: 1, 384, 128>}, {transform_indices = @transform_8, window_bounds = array<i64: 1, 1, 128>}, {transform_indices = @transform_9, window_bounds = array<i64: 256, 128>}]} {
    %get3A = arith.constant 0 : index
    %get3A_0 = arith.constant 0 : index
    %get3A_1 = vector.load %arg2[%get3A, %get3A_0] : memref<256x2048xf32, #tpu.memory_space<vmem>>, vector<256x2048xf32>
    %convert_element_type3A = arith.truncf %get3A_1 : vector<256x2048xf32> to vector<256x2048xbf16>
    %get3A_2 = arith.constant 0 : index
    %get3A_3 = arith.constant 0 : index
    %get3A_4 = arith.constant 0 : index
    %get3A_5 = vector.load %arg3[%get3A_2, %get3A_3, %get3A_4] : memref<1x2048x384xbf16, #tpu.memory_space<vmem>>, vector<1x2048x384xbf16>
    %get3A_6 = vector.shape_cast %get3A_5 : vector<1x2048x384xbf16> to vector<2048x384xbf16>
    %dot_general3A = arith.constant dense<0.000000e+00> : vector<256x384xf32>
    %dot_general3A_7 = tpu.matmul %convert_element_type3A, %get3A_6, %dot_general3A {dimension_numbers = #tpu.dot_dimension_numbers<[1], [0], [0], [1], [0, 0, 1, 1], [], []>, transpose_lhs_hint = false} : vector<256x2048xbf16>, vector<2048x384xbf16>, vector<256x384xf32> -> vector<256x384xf32>
    %get3A_8 = arith.constant 0 : index
    %get3A_9 = arith.constant 0 : index
    %get3A_10 = arith.constant 0 : index
    %get3A_11 = vector.load %arg4[%get3A_8, %get3A_9, %get3A_10] : memref<1x1x384xf32, #tpu.memory_space<vmem>>, vector<1x1x384xf32>
    %get3A_12 = vector.shape_cast %get3A_11 : vector<1x1x384xf32> to vector<1x384xf32>
    %add3A = vector.broadcast %get3A_12 : vector<1x384xf32> to vector<256x384xf32>
    %add3A_13 = arith.addf %dot_general3A_7, %add3A : vector<256x384xf32>
    %max3A = arith.constant 0.000000e+00 : f32
    %max3A_14 = vector.broadcast %max3A : f32 to vector<256x384xf32>
    %max3A_15 = arith.maximumf %add3A_13, %max3A_14 : vector<256x384xf32>
    %get3A_16 = arith.constant 0 : index
    %get3A_17 = arith.constant 0 : index
    %get3A_18 = arith.constant 0 : index
    %get3A_19 = vector.load %arg5[%get3A_16, %get3A_17, %get3A_18] : memref<1x384x384xf32, #tpu.memory_space<vmem>>, vector<1x384x384xf32>
    %get3A_20 = vector.shape_cast %get3A_19 : vector<1x384x384xf32> to vector<384x384xf32>
    %dot_general3A_21 = arith.constant dense<0.000000e+00> : vector<256x384xf32>
    %dot_general3A_22 = tpu.matmul %max3A_15, %get3A_20, %dot_general3A_21 {dimension_numbers = #tpu.dot_dimension_numbers<[1], [0], [0], [1], [0, 0, 1, 1], [], []>, transpose_lhs_hint = false} : vector<256x384xf32>, vector<384x384xf32>, vector<256x384xf32> -> vector<256x384xf32>
    %get3A_23 = arith.constant 0 : index
    %get3A_24 = arith.constant 0 : index
    %get3A_25 = arith.constant 0 : index
    %get3A_26 = vector.load %arg6[%get3A_23, %get3A_24, %get3A_25] : memref<1x1x384xf32, #tpu.memory_space<vmem>>, vector<1x1x384xf32>
    %get3A_27 = vector.shape_cast %get3A_26 : vector<1x1x384xf32> to vector<1x384xf32>
    %add3A_28 = vector.broadcast %get3A_27 : vector<1x384xf32> to vector<256x384xf32>
    %add3A_29 = arith.addf %dot_general3A_22, %add3A_28 : vector<256x384xf32>
    %max3A_30 = arith.constant 0.000000e+00 : f32
    %max3A_31 = vector.broadcast %max3A_30 : f32 to vector<256x384xf32>
    %max3A_32 = arith.maximumf %add3A_29, %max3A_31 : vector<256x384xf32>
    %get3A_33 = arith.constant 0 : index
    %get3A_34 = arith.constant 0 : index
    %get3A_35 = arith.constant 0 : index
    %get3A_36 = vector.load %arg7[%get3A_33, %get3A_34, %get3A_35] : memref<1x384x384xf32, #tpu.memory_space<vmem>>, vector<1x384x384xf32>
    %get3A_37 = vector.shape_cast %get3A_36 : vector<1x384x384xf32> to vector<384x384xf32>
    %dot_general3A_38 = arith.constant dense<0.000000e+00> : vector<256x384xf32>
    %dot_general3A_39 = tpu.matmul %max3A_32, %get3A_37, %dot_general3A_38 {dimension_numbers = #tpu.dot_dimension_numbers<[1], [0], [0], [1], [0, 0, 1, 1], [], []>, transpose_lhs_hint = false} : vector<256x384xf32>, vector<384x384xf32>, vector<256x384xf32> -> vector<256x384xf32>
    %get3A_40 = arith.constant 0 : index
    %get3A_41 = arith.constant 0 : index
    %get3A_42 = arith.constant 0 : index
    %get3A_43 = vector.load %arg8[%get3A_40, %get3A_41, %get3A_42] : memref<1x1x384xf32, #tpu.memory_space<vmem>>, vector<1x1x384xf32>
    %get3A_44 = vector.shape_cast %get3A_43 : vector<1x1x384xf32> to vector<1x384xf32>
    %add3A_45 = vector.broadcast %get3A_44 : vector<1x384xf32> to vector<256x384xf32>
    %add3A_46 = arith.addf %dot_general3A_39, %add3A_45 : vector<256x384xf32>
    %max3A_47 = arith.constant 0.000000e+00 : f32
    %max3A_48 = vector.broadcast %max3A_47 : f32 to vector<256x384xf32>
    %max3A_49 = arith.maximumf %add3A_46, %max3A_48 : vector<256x384xf32>
    %get3A_50 = arith.constant 0 : index
    %get3A_51 = arith.constant 0 : index
    %get3A_52 = arith.constant 0 : index
    %get3A_53 = vector.load %arg9[%get3A_50, %get3A_51, %get3A_52] : memref<1x384x128xf32, #tpu.memory_space<vmem>>, vector<1x384x128xf32>
    %get3A_54 = vector.shape_cast %get3A_53 : vector<1x384x128xf32> to vector<384x128xf32>
    %dot_general3A_55 = arith.constant dense<0.000000e+00> : vector<256x128xf32>
    %dot_general3A_56 = tpu.matmul %max3A_49, %get3A_54, %dot_general3A_55 {dimension_numbers = #tpu.dot_dimension_numbers<[1], [0], [0], [1], [0, 0, 1, 1], [], []>, transpose_lhs_hint = false} : vector<256x384xf32>, vector<384x128xf32>, vector<256x128xf32> -> vector<256x128xf32>
    %get3A_57 = arith.constant 0 : index
    %get3A_58 = arith.constant 0 : index
    %get3A_59 = arith.constant 0 : index
    %get3A_60 = vector.load %arg10[%get3A_57, %get3A_58, %get3A_59] : memref<1x1x128xf32, #tpu.memory_space<vmem>>, vector<1x1x128xf32>
    %get3A_61 = vector.shape_cast %get3A_60 : vector<1x1x128xf32> to vector<1x128xf32>
    %add3A_62 = vector.broadcast %get3A_61 : vector<1x128xf32> to vector<256x128xf32>
    %add3A_63 = arith.addf %dot_general3A_56, %add3A_62 : vector<256x128xf32>
    %swap3A = arith.constant 0 : index
    %swap3A_64 = arith.constant 0 : index
    %swap3A_65 = vector.load %arg11[%swap3A, %swap3A_64] : memref<256x128xf32, #tpu.memory_space<vmem>>, vector<256x128xf32>
    tpu.vector_store %arg11[%swap3A, %swap3A_64], %add3A_63 {strides = array<i32>} : memref<256x128xf32, #tpu.memory_space<vmem>>, vector<256x128xf32>,
    return
  }
  func.func @transform_0(%arg0: i32, %arg1: memref<48xi32, #tpu.memory_space<smem>>) -> (i32, i32) {
    %c0_i32 = arith.constant 0 : i32
    %c0_i32_0 = arith.constant 0 : i32
    return %arg0, %c0_i32 : i32, i32
  }
  func.func @transform_1(%arg0: i32, %arg1: memref<48xi32, #tpu.memory_space<smem>>) -> (i32, i32, i32) {
    %get3A = arith.index_cast %arg0 : i32 to index
    %get3A_0 = memref.load %arg1[%get3A] : memref<48xi32, #tpu.memory_space<smem>>
    %c0_i32 = arith.constant 0 : i32
    %c0_i32_1 = arith.constant 0 : i32
    %c0_i32_2 = arith.constant 0 : i32
    return %get3A_0, %c0_i32, %c0_i32_1 : i32, i32, i32
  }
  func.func @transform_2(%arg0: i32, %arg1: memref<48xi32, #tpu.memory_space<smem>>) -> (i32, i32, i32) {
    %get3A = arith.index_cast %arg0 : i32 to index
    %get3A_0 = memref.load %arg1[%get3A] : memref<48xi32, #tpu.memory_space<smem>>
    %c0_i32 = arith.constant 0 : i32
    %c0_i32_1 = arith.constant 0 : i32
    %c0_i32_2 = arith.constant 0 : i32
    return %get3A_0, %c0_i32, %c0_i32_1 : i32, i32, i32
  }
  func.func @transform_3(%arg0: i32, %arg1: memref<48xi32, #tpu.memory_space<smem>>) -> (i32, i32, i32) {
    %get3A = arith.index_cast %arg0 : i32 to index
    %get3A_0 = memref.load %arg1[%get3A] : memref<48xi32, #tpu.memory_space<smem>>
    %c0_i32 = arith.constant 0 : i32
    %c0_i32_1 = arith.constant 0 : i32
    %c0_i32_2 = arith.constant 0 : i32
    return %get3A_0, %c0_i32, %c0_i32_1 : i32, i32, i32
  }
  func.func @transform_4(%arg0: i32, %arg1: memref<48xi32, #tpu.memory_space<smem>>) -> (i32, i32, i32) {
    %get3A = arith.index_cast %arg0 : i32 to index
    %get3A_0 = memref.load %arg1[%get3A] : memref<48xi32, #tpu.memory_space<smem>>
    %c0_i32 = arith.constant 0 : i32
    %c0_i32_1 = arith.constant 0 : i32
    %c0_i32_2 = arith.constant 0 : i32
    return %get3A_0, %c0_i32, %c0_i32_1 : i32, i32, i32
  }
  func.func @transform_5(%arg0: i32, %arg1: memref<48xi32, #tpu.memory_space<smem>>) -> (i32, i32, i32) {
    %get3A = arith.index_cast %arg0 : i32 to index
    %get3A_0 = memref.load %arg1[%get3A] : memref<48xi32, #tpu.memory_space<smem>>
    %c0_i32 = arith.constant 0 : i32
    %c0_i32_1 = arith.constant 0 : i32
    %c0_i32_2 = arith.constant 0 : i32
    return %get3A_0, %c0_i32, %c0_i32_1 : i32, i32, i32
  }
  func.func @transform_6(%arg0: i32, %arg1: memref<48xi32, #tpu.memory_space<smem>>) -> (i32, i32, i32) {
    %get3A = arith.index_cast %arg0 : i32 to index
    %get3A_0 = memref.load %arg1[%get3A] : memref<48xi32, #tpu.memory_space<smem>>
    %c0_i32 = arith.constant 0 : i32
    %c0_i32_1 = arith.constant 0 : i32
    %c0_i32_2 = arith.constant 0 : i32
    return %get3A_0, %c0_i32, %c0_i32_1 : i32, i32, i32
  }
  func.func @transform_7(%arg0: i32, %arg1: memref<48xi32, #tpu.memory_space<smem>>) -> (i32, i32, i32) {
    %get3A = arith.index_cast %arg0 : i32 to index
    %get3A_0 = memref.load %arg1[%get3A] : memref<48xi32, #tpu.memory_space<smem>>
    %c0_i32 = arith.constant 0 : i32
    %c0_i32_1 = arith.constant 0 : i32
    %c0_i32_2 = arith.constant 0 : i32
    return %get3A_0, %c0_i32, %c0_i32_1 : i32, i32, i32
  }
  func.func @transform_8(%arg0: i32, %arg1: memref<48xi32, #tpu.memory_space<smem>>) -> (i32, i32, i32) {
    %get3A = arith.index_cast %arg0 : i32 to index
    %get3A_0 = memref.load %arg1[%get3A] : memref<48xi32, #tpu.memory_space<smem>>
    %c0_i32 = arith.constant 0 : i32
    %c0_i32_1 = arith.constant 0 : i32
    %c0_i32_2 = arith.constant 0 : i32
    return %get3A_0, %c0_i32, %c0_i32_1 : i32, i32, i32
  }
  func.func @transform_9(%arg0: i32, %arg1: memref<48xi32, #tpu.memory_space<smem>>) -> (i32, i32) {
    %c0_i32 = arith.constant 0 : i32
    %c0_i32_0 = arith.constant 0 : i32
    return %arg0, %c0_i32 : i32, i32
  }
}

</mosaic_0001>

<sc_bundles>
// kernel: kernel.10.cloned.1.call-start
scs
__scs_entry_jumppad:
0x0: {  	(pc) =	sbr.rel $0x88, $3  }
0x1: {  	(tag) =	ssettag $0x0;
	lr =	simm.s32 $0x1  }
0x2: {  	[smem:$0x3F87] =	sst lr;
	_ =	strace $0xD0000000  }
0x3: {  	_ = 	snop  }
0x4: {  	_ = 	snop  }
0x5: {  	_ = 	snop  }
0x6: {  	_ = 	snop  }
0x7: {  	_ = 	snop  }
__scs_overlays_trampoline_lowered:
0x8: {  	[smem:$0x3F96] =	sst s0  }
0x9: {  	[smem:$0x3F97] =	sst s1  }
0xa: {  	[smem:$0x3F98] =	sst s2  }
0xb: {  	[smem:$0x3F99] =	sst s3  }
0xc: {  	[smem:$0x3F9A] =	sst s4  }
0xd: {  	[smem:$0x3F9B] =	sst s5  }
0xe: {  	[smem:$0x3F9C] =	sst s6  }
0xf: {  	[smem:$0x3F9D] =	sst s7  }
0x10: {  	[smem:$0x3F9E] =	sst s8  }
0x11: {  	[smem:$0x3F9F] =	sst s9;
	s0 =	simm.s32 @!p0 $0x0  }
0x12: {  	s1 =	sld [smem:$0x3F85];
	s0 =	simm.s32 @p0 $0x1  }
0x13: {  	[smem:$0x3FA0] =	sst s0;
	s0 =	simm.s32 @!p1 $0x0  }
0x14: {  	s2 =	sld [smem:$0x3F84];
	s0 =	simm.s32 @p1 $0x1  }
0x15: {  	[smem:$0x3FA1] =	sst s0;
	s0 =	simm.s32 @!p2 $0x0  }
0x16: {  	s3 =	sld [smem:$0x3FDB];
	s0 =	simm.s32 @p2 $0x1  }
0x17: {  	s4 =	simm.s32 $0x1BF5;
	[smem:$0x3FA3] =	sst s0  }
0x18: {  	s0 =	sld [smem:$0x3F86];
	_ =	swait.ge [sflag:s4], $0x0  }
0x19: {  	s7 =	sld [smem:$0x3F87]  }
0x1a: {  	s8 =	sadd.s32 $0xFFFFE003, lr  }
0x1b: {  	s9 =	sadd.s32 $0xFFFFFEF7, lr;
	s5 =	simm.s32 $0xFFFFFFFF;
	p2 =	slt.u32 s8, $0xFFFFF086  }
0x1c: {  	p1 =	slt.u32 s9, $0xF7A;
	s5 =	simm.s32 @!p2 $0x0  }
0x1d: {  	s5 =	simm.s32 @p1 $0x1;
	p0 =	seq.s32 s7, s2  }
0x1e: {  	s7 =	smul.u32 @!p0 $0xF7A, s2;
	p2 =	seq.s32 @!p0 s5, $0x0  }
0x1f: {  	s9 =	smul.u32 $0xF7A, s1;
	s8 =	simm.s32 @!p0 $0x1BF5;
	p2 =	por !p2, p0  }
0x20: {  	[sflag:s8] =	ssyncset.s32 @!p0 $0xFFFFF086;
	s6 =	sadd.s32 @!p0 s3, s7;
	s7 =	simm.s32 @!p0 $0x108  }
0x21: {  	s3 =	sadd.s32 s3, s9;
	s6 =	sadd.s32 @!p0 $0x88, s6;
	s7 =	simm.s32 @p2 $0x1082  }
0x22: {  	[simem:s7], [sflag:s8] =	dma.local @!p0 [hbm:s6], $0xF7A  }
0x23: {  	s9 =	sor.u32 $0xD0000000, s2;
	s6 =	simm.s32 $0x108;
	_ =	swait.ge @!p0 [sflag:s8], $0x0  }
0x24: {  	s3 =	sadd.s32 $0x88, s3;
	s6 =	simm.s32 @!p1 $0x1082;
	[sflag:s4] =	ssyncset.s32 $0xFFFFF086  }
0x25: {  	[simem:s6], [sflag:s4] =	dma.local [hbm:s3], $0xF7A  }
0x26: {  	[smem:$0x3F87] =	sst s1;
	(tag) =	ssettag s2;
	_ =	strace s9  }
0x27: {  	s1 =	sld [smem:$0x3F97]  }
0x28: {  	s2 =	sld [smem:$0x3F98]  }
0x29: {  	s4 =	sld [smem:$0x3F9A]  }
0x2a: {  	p0 =	seq.s32 s5, $0x0;
	s5 =	sld [smem:$0x3F9B]  }
0x2b: {  	s6 =	sld [smem:$0x3F9C]  }
0x2c: {  	s7 =	sld [smem:$0x3F9D]  }
0x2d: {  	s3 =	simm.s32 $0x108;
	s8 =	sld [smem:$0x3F9E]  }
0x2e: {  	s3 =	simm.s32 @!p0 $0x1082;
	s9 =	sld [smem:$0x3F9F]  }
0x2f: {  	lr =	sadd.s32 s0, s3;
	s0 =	sld [smem:$0x3F96]  }
0x30: {  	s3 =	sld [smem:$0x3F99]  }
0x31: {  	[smem:$0x3FA2] =	sst s10  }
0x32: {  	s10 =	sld [smem:$0x3FA0];
	_ =	sdelay $0x3  }
0x33: {  	p0 =	seq.s32 s10, $0x1;
	s10 =	sld [smem:$0x3FA2];
	_ =	sdelay $0x3  }
0x34: {  	[smem:$0x3FA2] =	sst s10  }
0x35: {  	s10 =	sld [smem:$0x3FA1];
	_ =	sdelay $0x3  }
0x36: {  	p1 =	seq.s32 s10, $0x1;
	s10 =	sld [smem:$0x3FA2];
	_ =	sdelay $0x3  }
0x37: {  	[smem:$0x3FA2] =	sst s10  }
0x38: {  	s10 =	sld [smem:$0x3FA3]  }
0x39: {  	_ = 	snop;
	(pc) =	sbr.ind lr, $3  }
0x3a: {  	_ = 	snop  }
0x3b: {  	_ = 	snop  }
0x3c: {  	p2 =	seq.s32 s10, $0x1;
	s10 =	sld [smem:$0x3FA2]  }
0x3d: {  	_ =	shalt  }
0x3e: {  	_ =	shalt  }
0x3f: {  	_ =	shalt  }
0x40: {  	_ =	shalt  }
0x41: {  	_ =	shalt  }
0x42: {  	_ =	shalt  }
0x43: {  	_ =	shalt  }
0x44: {  	_ =	shalt  }
0x45: {  	_ =	shalt  }
0x46: {  	_ =	shalt  }
0x47: {  	_ =	shalt  }
0x48: {  	_ =	shalt  }
0x49: {  	_ =	shalt  }
0x4a: {  	_ =	shalt  }
0x4b: {  	_ =	shalt  }
0x4c: {  	_ =	shalt  }
0x4d: {  	_ =	shalt  }
0x4e: {  	_ =	shalt  }
0x4f: {  	_ =	shalt  }
0x50: {  	_ =	shalt  }
0x51: {  	_ =	shalt  }
0x52: {  	_ =	shalt  }
0x53: {  	_ =	shalt  }
0x54: {  	_ =	shalt  }
0x55: {  	_ =	shalt  }
0x56: {  	_ =	shalt  }
0x57: {  	_ =	shalt  }
0x58: {  	_ =	shalt  }
0x59: {  	_ =	shalt  }
0x5a: {  	_ =	shalt  }
0x5b: {  	_ =	shalt  }
0x5c: {  	_ =	shalt  }
0x5d: {  	_ =	shalt  }
0x5e: {  	_ =	shalt  }
0x5f: {  	_ =	shalt  }
0x60: {  	_ =	shalt  }
0x61: {  	_ =	shalt  }
0x62: {  	_ =	shalt  }
0x63: {  	_ =	shalt  }
0x64: {  	_ =	shalt  }
0x65: {  	_ =	shalt  }
0x66: {  	_ =	shalt  }
0x67: {  	_ =	shalt  }
0x68: {  	_ =	shalt  }
0x69: {  	_ =	shalt  }
0x6a: {  	_ =	shalt  }
0x6b: {  	_ =	shalt  }
0x6c: {  	_ =	shalt  }
0x6d: {  	_ =	shalt  }
0x6e: {  	_ =	shalt  }
0x6f: {  	_ =	shalt  }
0x70: {  	_ =	shalt  }
0x71: {  	_ =	shalt  }
0x72: {  	_ =	shalt  }
0x73: {  	_ =	shalt  }
0x74: {  	_ =	shalt  }
0x75: {  	_ =	shalt  }
0x76: {  	_ =	shalt  }
0x77: {  	_ =	shalt  }
0x78: {  	_ =	shalt  }
0x79: {  	_ =	shalt  }
0x7a: {  	_ =	shalt  }
0x7b: {  	_ =	shalt  }
0x7c: {  	_ =	shalt  }
0x7d: {  	_ =	shalt  }
0x7e: {  	_ =	shalt  }
0x7f: {  	_ =	shalt  }
0x80: {  	_ =	shalt  }
0x81: {  	_ =	shalt  }
0x82: {  	_ =	shalt  }
0x83: {  	_ =	shalt  }
0x84: {  	_ =	shalt  }
0x85: {  	_ =	shalt  }
0x86: {  	_ =	shalt  }
0x87: {  	_ =	shalt  }
.Lfunc_end0:
.L_simem_size_0:
called_computation.1_lowered:
.L_overlay_start_0:
0x88: {  	s2 =	sld [smem:$0x3FD9]  }
0x89: {  	s3 =	sld [smem:$0x3FFE];
	_ =	sdelay $0x1  }
0x8a: {  	s1 =	srdreg.scid  }
0x8b: {  	s0 =	sand.u32 $0x1, s1  }
0x8c: {  	s17 =	sshll.u32 s0, $0xA;
	s2 =	sadd.s32 s3, s2  }
0x8d: {  	s2 =	sadd.s32 s2, s17  }
0x8e: {  	[smem:$0x3FAE] =	sst s2  }
0x8f: {  	_ = 	snop  }
0x90: {  	s2 =	sld [smem:$0x3FC9]  }
0x91: {  	s18 =	sld [smem:$0x3FD0];
	(tm) =	ssettm $0x1  }
0x92: {  	s4 =	sld [smem:$0x3FFB];
	_ =	sdelay $0x3  }
0x93: {  	_ =	strace s4  }
0x94: {  	s4 =	sld [smem:$0x3FFC];
	_ =	sdelay $0x3  }
0x95: {  	_ =	strace s4  }
0x96: {  	s4 =	sld [smem:$0x3FFD];
	_ =	sdelay $0x3  }
0x97: {  	_ =	strace s4  }
0x98: {  	_ =	strace $0x8FFFFFFF  }
0x99: {  	s19 =	sld [smem:$0x3FDB];
	_ =	sdelay $0x1  }
0x9a: {  	s5 =	simm.s32 $_scs_section_size  }
0x9b: {  	s6 =	simm.s32 $_size__tile_overlayer_lowered;
	s7 =	simm.s32 $_tile_overlayer_lowered  }
0x9c: {  	s22 =	simm.s32 $0x1BFF;
	s21 =	sshll.u32 s7, $0x1;
	s4 =	sadd.s32 s5, s19  }
0x9d: {  	s8 =	simm.s32 $0x0;
	s20 =	sshll.u32 s6, $0x1;
	s6 =	sadd.s32 s21, s4  }
0x9e: {  	[timem:s8], [sflag:s22] =	dma.local [hbm:s6], s20  }
0x9f: {  	_ =	swait.ge [sflag:s22], s20  }
0xa0: {  	s5 =	ssub.s32 $0x0, s20;
	[sflag:s22] =	ssyncset.done $0x0  }
0xa1: {  	[sflag:s22] =	ssyncadd.s32 s5;
	_ =	sdelay $0x1  }
0xa2: {  	s23 =	simm.s32 $0x1B8B  }
0xa3: {  	_ =	swait.ge [sflag:s23], $0x1  }
0xa4: {  	[sflag:s23] =	ssyncset.done $0x0  }
0xa5: {  	s25 =	simm.s32 $0x1B8E;
	s24 =	sld [smem:$0x3FFE];
	[sflag:s23] =	ssyncadd.s32 $0xFFFFFFFF  }
0xa6: {  	s26 =	simm.s32 $execute0_lowered;
	[smem:$0x3FD2] =	sst s25  }
0xa7: {  	s6 =	sshll.u32 s26, $0x1;
	_ =	strace $0x80000046;
	[dreg:$0x1] =	wrdreg $0xFFFFFFFF  }
0xa8: {  	s28 =	simm.s32 $_size_execute0_lowered;
	s4 =	sadd.s32 s4, s6;
	[dreg:$0x0] =	wrdreg $0x0  }
0xa9: {  	s6 =	sshll.u32 s28, $0x1;
	[dreg:$0x2] =	wrdreg s4  }
0xaa: {  	[dreg:$0x3] =	wrdreg s6  }
0xab: {  	[dreg:$0x4] =	wrdreg $0xC0  }
0xac: {  	_ =	task [dreg:s8], $0x5FFFF  }
0xad: {  	[dreg:$0x1] =	wrdreg $0xFFFFFFFF  }
0xae: {  	[dreg:$0x0] =	wrdreg $0x60  }
0xaf: {  	[dreg:$0x2] =	wrdreg s18  }
0xb0: {  	[dreg:$0x3] =	wrdreg s2  }
0xb1: {  	[dreg:$0x4] =	wrdreg s24  }
0xb2: {  	[dreg:$0x5] =	wrdreg $0xA  }
0xb3: {  	_ =	task.clear_ibuf [dreg:s8], $0x6FFFF;
	_ =	strace $0x90000046  }
0xb4: {  	s29 =	simm.s32 $0xA;
	_ =	strace $0x80000048  }
0xb5: {  	_ =	swait.ge [sflag:s29], $0x1  }
0xb6: {  	[sflag:s29] =	ssyncadd.s32 $0xFFFFFFFF  }
0xb7: {  	_ =	strace $0x90000048  }
0xb8: {  	_ =	sfence  }
0xb9: {  	s30 =	sld [smem:$0x0];
	_ =	sdelay $0x2  }
0xba: {  	s31 =	sshll.u32 s1, $0xD;
	s1 =	sshrl.u32 s1, $0x2  }
0xbb: {  	s3 =	sand.u32 $0x4000, s31;
	s1 =	sadd.s32 s1, s30  }
0xbc: {  	s0 =	sor.u32 s3, s0;
	s1 =	sshll.u32 s1, $0x11  }
0xbd: {  	s0 =	sor.u32 s1, s0  }
0xbe: {  	s0 =	sadd.s32 $0x8F2B, s0  }
0xbf: {  	[sflag:s0] =	ssyncadd.remote.s32 $0x1  }
0xc0: {  	_ =	sfence.sel $0xFFFF  }
0xc1: {  	[dreg:$0x0] =	wrdreg $0xFFFFFFFF;
	(pc) =	sbr.abs _section_cstart, $3  }
0xc2: {  	[dreg:$0x1] =	wrdreg $0xFFFFFFFF  }
0xc3: {  	_ =	task.clear_ibuf [dreg:s8], $0x2FFFF;
	_ =	strace $0x9FFFFFFF  }
0xc4: {  	(tm) =	ssettm $0x7FFFFFFF  }
0xc5: {  	_ =	shalt  }
tec
execute0_lowered:
.L_overlay_start_1:
0x0: {  	(tag) =	ssettag $0x1  }
0x1: {  	s2 =	rddreg [dreg:$0x1]  }
0x2: {  	s4 =	rddreg [dreg:$0x2];
	s3 =	simm.s32 $0x0  }
0x3: {  	s0 =	srdreg.scid;
	[smem:$0x7FF] =	sst s3;
	s7 =	sadd.s32 $0x5800, s4  }
0x4: {  	s31 =	simm.s32 $0xB100;
	_ =	strace $0x80000047;
	[smem:$0x7F3] =	sst s7  }
0x5: {  	s16 =	stileid.u32;
	s10 =	simm.s32 $0xB900;
	[dreg:$0x5] =	wrdreg s31  }
0x6: {  	s12 =	simm.s32 $0xC100;
	s13 =	simm.s32 $0xC900;
	[dreg:$0x6] =	wrdreg s10  }
0x7: {  	s15 =	simm.s32 $0xD100;
	s17 =	simm.s32 $0xD900;
	[dreg:$0x7] =	wrdreg s12  }
0x8: {  	s18 =	simm.s32 $0xE100;
	s19 =	simm.s32 $0xE900;
	[dreg:$0x8] =	wrdreg s13  }
0x9: {  	s20 =	simm.s32 $0xF100;
	s21 =	simm.s32 $0xF900;
	[dreg:$0x9] =	wrdreg s15  }
0xa: {  	s22 =	simm.s32 $0x10100;
	s23 =	simm.s32 $0x10900;
	[dreg:$0xa] =	wrdreg s17  }
0xb: {  	s24 =	simm.s32 $0x11100;
	s25 =	simm.s32 $0x11900;
	[dreg:$0xb] =	wrdreg s18  }
0xc: {  	s1 =	sand.u32 $0x1, s0;
	s26 =	sshll.u32 s16, $0x1;
	[dreg:$0xc] =	wrdreg s19  }
0xd: {  	s28 =	sshll.u32 s16, $0x11;
	s0 =	sor.u32 s1, s26;
	[dreg:$0xd] =	wrdreg s20  }
0xe: {  	s29 =	sadd.s32 s28, s2;
	s8 =	sshll.u32 s1, $0x10;
	[dreg:$0xe] =	wrdreg s21  }
0xf: {  	s9 =	ssub.s32 $0x2, s1;
	s10 =	sadd.s32 $0x5C00, s4;
	[dreg:$0xf] =	wrdreg s22  }
0x10: {  	s12 =	sadd.s32 $0x5E00, s4;
	s13 =	sadd.s32 $0x5F00, s4;
	[dreg:$0x10] =	wrdreg s23  }
0x11: {  	s15 =	sadd.s32 $0x6100, s4;
	[dreg:$0x11] =	wrdreg s24;
	s26 =	sshll.u32 s16, $0x5  }
0x12: {  	[dreg:$0x12] =	wrdreg s25;
	s28 =	simm.s32 $0x12100;
	s17 =	simm.s32 $0x14900  }
0x13: {  	s18 =	simm.s32 $0x15100;
	s19 =	sshll.u32 s16, $0xB;
	[dreg:$0x13] =	wrdreg s28  }
0x14: {  	s20 =	simm.s32 $0x15900;
	s21 =	simm.s32 $0x16100;
	[dreg:$0x17] =	wrdreg s17  }
0x15: {  	s22 =	simm.s32 $0x16900;
	s23 =	simm.s32 $0x17100;
	[dreg:$0x18] =	wrdreg s18  }
0x16: {  	s24 =	simm.s32 $0x17900;
	s16 =	simm.s32 $0x7900;
	[dreg:$0x19] =	wrdreg s20  }
0x17: {  	s5 =	sshll.u32 s0, $0x5;
	s7 =	sadd.s32 s8, s29;
	[dreg:$0x1a] =	wrdreg s21  }
0x18: {  	s30 =	sshrl.u32 s9, $0x1;
	s11 =	sshll.u32 s0, $0x8;
	[dreg:$0x1b] =	wrdreg s22  }
0x19: {  	s14 =	sshll.u32 s0, $0x10;
	s29 =	sshll.u32 s1, $0x4;
	[dreg:$0x1c] =	wrdreg s23  }
0x1a: {  	s1 =	sshll.u32 s1, $0xA;
	p0 =	seq.s32 s0, $0x0;
	[dreg:$0x1d] =	wrdreg s24  }
0x1b: {  	p1 =	sne.s32 s0, $0x0;
	s28 =	simm.s32 $0x18900;
	s0 =	simm.s32 $0x0  }
0x1c: {  	s21 =	simm.s32 $0x5100;
	s17 =	simm.s32 $0x2900;
	s6 =	sadd.s32 s5, s4  }
0x1d: {  	s5 =	sadd.s32 $0x5A00, s4;
	[dreg:$0x4] =	wrdreg s7;
	s8 =	ssub.s32 s9, s30  }
0x1e: {  	[smem:$0x7F4] =	sst s11;
	s2 =	sadd.s32 s14, s2;
	s9 =	sadd.s32 $0x5B00, s4  }
0x1f: {  	s11 =	sadd.s32 $0x5D00, s4;
	s30 =	simm.s32 $0x13100;
	[dreg:$0x1f] =	wrdreg s28  }
0x20: {  	s14 =	sadd.s32 $0x6000, s4;
	s7 =	simm.s32 $0x13900;
	[dreg:$0x14] =	wrdreg s30  }
0x21: {  	s4 =	sor.u32 s26, s29;
	s26 =	simm.s32 $0x18100;
	[dreg:$0x15] =	wrdreg s7  }
0x22: {  	s22 =	simm.s32 $0xA900;
	s29 =	simm.s32 $0x19100;
	[dreg:$0x1e] =	wrdreg s26  }
0x23: {  	s18 =	simm.s32 $0x1;
	s6 =	sadd.s32 $0x245A00, s6;
	[smem:$0x7FA] =	sst s29  }
0x24: {  	s20 =	simm.s32 $0x12900;
	s2 =	sadd.s32 $0x200000, s2;
	[smem:$0x7F5] =	sst s6  }
0x25: {  	s23 =	simm.s32 $0x2;
	s31 =	smax.u32 s8, $0x1;
	[smem:$0x7F6] =	sst s2  }
0x26: {  	s24 =	simm.s32 $0x3;
	s8 =	simm.s32 $0x14100;
	[smem:$0x7F7] =	sst s31  }
0x27: {  	s1 =	sor.u32 s1, s19;
	s30 =	simm.s32 $0x19900;
	[dreg:$0x16] =	wrdreg s8  }
0x28: {  	s19 =	simm.s32 $0x4;
	s25 =	sshrl.u32 s1, $0x2;
	[smem:$0x7FB] =	sst s30  }
0x29: {  	s1 =	simm.s32 $0x2900;
	s6 =	smax.u32 s4, $0x1;
	[smem:$0x7FD] =	sst s25  }
0x2a: {  	v3 =	vlaneseq.u32;
	v0 =	vimm.s32 $0x0;
	s7 =	simm.s32 $0x6900;
	s4 =	ssub.s32 $0x200, s4;
	[smem:$0x7F8] =	sst s6  }
0x2b: {  	vm0 =	vmmov $0xffff;
	v2 =	vshrl.u32 v3, $0x3;
	v1 =	vand.u32 $0x7, v3;
	s31 =	simm.s32 $0x1A100;
	s8 =	simm.s32 $0x7100;
	[smem:$0x7F9] =	sst s4  }
0x2c: {  	v3 =	vor.u32 $0x8, v3;
	v2 =	vmul.u32 $0x8, v2;
	v4 =	vmov s25;
	s4 =	simm.s32 $0x7;
	[smem:$0x7FC] =	sst s31;
	s6 =	simm.s32 $0x6100  }
.LBB2_1:
.Ltmp0:
0x2d: {  	s2 =	rddreg [dreg:$0x0];
	(pc) =	sbr.rel @p0 .LBB2_5-.Ltmp0, $4  }
0x2e: {  	[tilespmem:s3], [sflag:$0x7] =	stream.linear.gather [hbm4b:s2+s3], $0x2000, $0x38;
	[tilespmem:$0x1A980] =	vst v63  }
0x2f: {  	_ =	swait.ge [sflag:s4], $0x2000  }
0x30: {  	[sflag:s4] =	ssyncset.done $0x0  }
0x31: {  	v5 =	vimm.s32 $0x0;
	v6 =	vimm.s32 $0x0;
	[sflag:s4] =	ssyncadd.s32 $0xFFFFE000  }
0x32: {  	s2 =	sld [smem:$0x7F8];
	_ =	sdelay $0x2  }
0x33: {  	v5 =	vld [tilespmem:s3+$0x0];
	p2 =	sne.s32 s2, $0x1  }
.Ltmp1:
0x34: {  	_ = 	snop;
	(pc) =	sbr.rel @!p2 .LBB2_4-.Ltmp1, $3  }
0x35: {  	_ =	sdelay $0x1  }
0x36: {  	v6 =	vimm.s32 $0x0  }
0x37: {  	s26 =	sadd.s32 $0x10, s3;
	s25 =	sadd.s32 $0xFFFFFFFF, s2;
	vm1 =	veq.s32 v5, $0x0;
	vm2 =	veq.s32 v5, $0x1;
	v5 =	vimm.s32 $0x0  }
.LBB2_3:
0x38: {  	v7 =	vld [tilespmem:s26+$0x0];
	p2 =	sne.s32 s25, $0x1;
	s25 =	sadd.s32 $0xFFFFFFFF, s25;
	v8 =	vsel vm1, $0x1, v0;
	v9 =	vsel vm2, $0x1, v0  }
.Ltmp2:
0x39: {  	v5 =	vadd.s32 v8, v5;
	v6 =	vadd.s32 v9, v6;
	(pc) =	sbr.rel @p2 .LBB2_3-.Ltmp2, $2  }
0x3a: {  	_ =	sdelay $0x2  }
0x3b: {  	s26 =	sadd.s32 $0x10, s26;
	vm1 =	veq.s32 v7, $0x0;
	vm2 =	veq.s32 v7, $0x1  }
.LBB2_4:
0x3c: {  	v7 =	vsel vm1, $0x1, v0;
	v8 =	vsel vm2, $0x1, v0  }
0x3d: {  	v5 =	vadd.s32 v7, v5;
	v6 =	vadd.s32 v8, v6  }
.LBB2_5:
0x3e: {  	(xrf0) =	vadd.scan.msk.s32 $0xffff, v5  }
0x3f: {  	(xrf0) =	vadd.scan.msk.s32 $0xffff, v6;
	_ =	sdelay $0x4  }
0x40: {  	v7, _, _ =	vpop (xrf0)  }
0x41: {  	(v2sf) =	vpush v7, $0xF;
	v7, _, _ =	vpop (xrf0)  }
0x42: {  	(v2sf) =	vpush v7, $0xF;
	_ =	sdelay $0x5  }
0x43: {  	s29 =	sld [smem:$0x7FD]  }
0x44: {  	s2 =	sld [smem:$0x7F9];
	_ =	sdelay $0x2  }
0x45: {  	p2 =	sne.s32 s2, $0x1;
	v7 =	vld [tilespmem:s29+$0x0]  }
.Ltmp3:
0x46: {  	_ = 	snop;
	(pc) =	sbr.rel @!p2 .LBB2_7-.Ltmp3, $3  }
0x47: {  	_ =	sdelay $0x1  }
0x48: {  	s25 =	spop (v2sf)  }
0x49: {  	s28 =	sadd.s32 $0xFFFFFFFF, s2;
	s29 =	sadd.s32 $0x10, s29;
	vm1 =	veq.s32 v7, $0x0;
	vm2 =	veq.s32 v7, $0x1;
	s26 =	spop (v2sf)  }
.LBB2_6:
0x4a: {  	v7 =	vld [tilespmem:s29+$0x0];
	p2 =	sne.s32 s28, $0x1;
	s28 =	sadd.s32 $0xFFFFFFFF, s28;
	v8 =	vsel vm1, $0x1, v0;
	v9 =	vsel vm2, $0x1, v0  }
.Ltmp4:
0x4b: {  	v5 =	vadd.s32 v8, v5;
	v6 =	vadd.s32 v9, v6;
	(pc) =	sbr.rel @p2 .LBB2_6-.Ltmp4, $2  }
0x4c: {  	_ =	sdelay $0x2  }
0x4d: {  	s29 =	sadd.s32 $0x10, s29;
	vm1 =	veq.s32 v7, $0x0;
	vm2 =	veq.s32 v7, $0x1  }
.LBB2_7:
0x4e: {  	v7 =	vsel vm1, $0x1, v0  }
0x4f: {  	v8 =	vsel vm2, $0x1, v0;
	v5 =	vadd.s32 v7, v5  }
0x50: {  	v6 =	vadd.s32 v8, v6;
	(xrf0) =	vadd.scan.msk.s32 $0xffff, v5  }
0x51: {  	(xrf0) =	vadd.scan.msk.s32 $0xffff, v6;
	_ =	sdelay $0x4  }
0x52: {  	v5, _, _ =	vpop (xrf0)  }
0x53: {  	(v2sf) =	vpush v5, $0xF;
	v5, _, _ =	vpop (xrf0)  }
0x54: {  	(v2sf) =	vpush v5, $0xF;
	_ =	sdelay $0xd  }
0x55: {  	s28 =	spop (v2sf)  }
0x56: {  	v5 =	vlaneseq.u32 @!p1;
	s29 =	spop (v2sf)  }
0x57: {  	v5 =	vmul.u32 @!p1 $0x100, v5;
	s28 =	sadd.s32 $0xFF, s28;
	s29 =	sadd.s32 $0xFF, s29  }
0x58: {  	s28 =	sand.u32 $0xFFFFFF00, s28;
	s29 =	sand.u32 $0xFFFFFF00, s29  }
0x59: {  	v9 =	vimm.s32 @!p1 $0x0;
	v7 =	vor.u32 @!p1 $0x1, v5;
	s29 =	sadd.s32 s28, s29  }
0x5a: {  	v11 =	vor.u32 @!p1 $0x1001, v5;
	v6 =	vmov @!p1 s28;
	v8 =	vmov @!p1 s29  }
0x5b: {  	v5 =	vor.u32 @!p1 $0x2001, v5;
	vm1 =	vlt.s32 @!p1 v6, v7;
	vm2 =	vlt.s32 @!p1 v8, v7  }
0x5c: {  	v7 =	vsel @!p1 vm1, $0x1, v9;
	vm1 =	vlt.s32 @!p1 v6, v11;
	v10 =	vsel @!p1 vm2, $0x1, v9  }
0x5d: {  	vm2 =	vlt.s32 @!p1 v8, v11;
	v7 =	vadd.s32 @!p1 v7, v10;
	v10 =	vsel @!p1 vm1, $0x1, v9  }
0x5e: {  	vm1 =	vlt.s32 @!p1 v6, v5;
	v6 =	vsel @!p1 vm2, $0x1, v9;
	vm2 =	vlt.s32 @!p1 v8, v5  }
0x5f: {  	s2 =	sld [smem:$0x7F3];
	[tilespmem:$0x1A900] =	vst @!p1 v7;
	v5 =	vadd.s32 @!p1 v10, v6;
	v6 =	vsel @!p1 vm1, $0x1, v9;
	v7 =	vsel @!p1 vm2, $0x1, v9  }
0x60: {  	[tilespmem:$0x1A910] =	vst @!p1 v5;
	v5 =	vadd.s32 @!p1 v6, v7  }
0x61: {  	s30 =	simm.s32 @!p1 $0x0;
	s31 =	simm.s32 @!p1 $0x1A900;
	[tilespmem:$0x1A920] =	vst @!p1 v5  }
0x62: {  	[hbm4b:s2+s30] =	stream.linear.scatter @!p1 [tilespmem:s31], [sflag:$0x7], $0x80, $0x38;
	[tilespmem:$0x1A980] =	vst v63  }
0x63: {  	[smem:$0x7F2] =	sst s0;
	s30 =	simm.s32 @!p1 $0x7  }
0x64: {  	_ =	swait.ge @!p1 [sflag:s30], $0x80  }
0x65: {  	[sflag:s30] =	ssyncset.done @!p1 $0x0  }
0x66: {  	[sflag:s30] =	ssyncadd.s32 @!p1 $0xFFFFFF80;
	s30 =	simm.s32 $0x0  }
0x67: {  	v5 =	vld.idx.msk [tilespmem:v4+s30+$0x0 ss:$0x1], $0xffff;
	_ =	sdelay $0x4  }
0x68: {  	vm1 =	vne.s32 v5, $0x0;
	vm2 =	veq.s32 v5, $0x1  }
0x69: {  	v6 =	vsel vm2, $0x1, v0;
	v7 =	vsel vm1, $0x1, v0  }
0x6a: {  	vm1 =	veq.s32 v5, $0x0;
	v5 =	vsub.s32 v7, v6;
	(xrf0) =	vadd.scan.msk.s32 $0xffff, v6  }
0x6b: {  	v6 =	vsel vm1, $0x1, v0;
	(xrf0) =	vadd.scan.msk.s32 $0xffff, v5  }
0x6c: {  	(xrf0) =	vadd.scan.msk.s32 $0xffff, v6;
	_ =	sdelay $0x1  }
0x6d: {  	s4 =	sld [smem:$0x7F4];
	_ =	sdelay $0x1  }
0x6e: {  	s30 =	sadd.s32 s26, s25;
	v5, _, _ =	vpop (xrf0)  }
0x6f: {  	s30 =	ssub.s32 s4, s30;
	v6, _, _ =	vpop (xrf0);
	(v2sf) =	vpush v5, $0xF  }
0x70: {  	s28 =	sadd.s32 s26, s28;
	s29 =	sadd.s32 s29, s30;
	v62, _, _ =	vpop (xrf0);
	(v2sf) =	vpush v6, $0xF  }
0x71: {  	v7 =	vadd.s32 s28, v5;
	v61 =	vadd.s32 s29, v6;
	(v2sf) =	vpush v62, $0xF  }
0x72: {  	v7 =	vsel vm2, v7, v61;
	v63 =	vadd.s32 s25, v62  }
0x73: {  	v7 =	vsel vm1, v63, v7  }
0x74: {  	s26 =	simm.s32 $0x2000;
	v7 =	vadd.s32 $0xFFFFFFFF, v7  }
0x75: {  	s30 =	simm.s32 $0x10;
	[tilespmem:s26+$0x0] =	vst v7  }
0x76: {  	v7 =	vld.idx.msk [tilespmem:v4+s30+$0x0 ss:$0x1], $0xffff;
	_ =	sdelay $0x4  }
0x77: {  	vm2 =	vne.s32 v7, $0x0;
	vm1 =	veq.s32 v7, $0x1  }
0x78: {  	v6 =	vsel vm1, $0x1, v0;
	v5 =	vsel vm2, $0x1, v0  }
0x79: {  	s31 =	simm.s32 $0xC0;
	s30 =	simm.s32 $0x80;
	vm2 =	veq.s32 v7, $0x0;
	v5 =	vsub.s32 v5, v6;
	(xrf0) =	vadd.scan.msk.s32 $0xffff, v6  }
.LBB2_8:
0x7a: {  	p2 =	sne.s32 s31, $0x3C0;
	v6 =	vsel vm2, $0x1, v0;
	(xrf0) =	vadd.scan.msk.s32 $0xffff, v5;
	s2 =	spop (v2sf)  }
0x7b: {  	(xrf0) =	vadd.scan.msk.s32 $0xffff, v6;
	s28 =	sadd.s32 s28, s2;
	s2 =	spop (v2sf)  }
0x7c: {  	s29 =	sadd.s32 s29, s2;
	s2 =	spop (v2sf)  }
0x7d: {  	s25 =	sadd.s32 s25, s2;
	_ =	sdelay $0x1  }
0x7e: {  	v5, _, _ =	vpop (xrf0)  }
0x7f: {  	v6, _, _ =	vpop (xrf0);
	(v2sf) =	vpush v5, $0xF  }
0x80: {  	v5 =	vadd.s32 s28, v5;
	v7 =	vadd.s32 s29, v6;
	v8, _, _ =	vpop (xrf0);
	(v2sf) =	vpush v6, $0xF  }
0x81: {  	v6 =	vadd.s32 s25, v8;
	v5 =	vsel vm1, v5, v7;
	(v2sf) =	vpush v8, $0xF  }
0x82: {  	v5 =	vsel vm2, v6, v5  }
0x83: {  	s26 =	sadd.s32 $0x80, s26;
	v5 =	vadd.s32 $0xFFFFFFFF, v5  }
0x84: {  	s2 =	sshra.s32 s30, $0x2;
	s30 =	smov.u32 s31;
	[tilespmem:s26+$0x0] =	vst v5  }
0x85: {  	v5 =	vld.idx.msk [tilespmem:v4+s2+$0x0 ss:$0x1], $0xffff;
	_ =	sdelay $0x3  }
.Ltmp5:
0x86: {  	(pc) =	sbr.rel @p2 .LBB2_8-.Ltmp5, $4  }
0x87: {  	_ = 	snop  }
0x88: {  	vm2 =	vne.s32 v5, $0x0;
	vm1 =	veq.s32 v5, $0x1  }
0x89: {  	v6 =	vsel vm1, $0x1, v0;
	v7 =	vsel vm2, $0x1, v0  }
0x8a: {  	s31 =	sadd.s32 $0x40, s31;
	vm2 =	veq.s32 v5, $0x0;
	v5 =	vsub.s32 v7, v6;
	(xrf0) =	vadd.scan.msk.s32 $0xffff, v6  }
0x8b: {  	v6 =	vsel vm2, $0x1, v0;
	(xrf0) =	vadd.scan.msk.s32 $0xffff, v5  }
0x8c: {  	(xrf0) =	vadd.scan.msk.s32 $0xffff, v6;
	_ =	sdelay $0x2  }
0x8d: {  	s2 =	spop (v2sf)  }
0x8e: {  	s31 =	spop (v2sf);
	v5, _, _ =	vpop (xrf0)  }
0x8f: {  	s2 =	sadd.s32 s28, s2;
	s28 =	sadd.s32 s29, s31;
	s0 =	spop (v2sf);
	v6, _, _ =	vpop (xrf0)  }
0x90: {  	s25 =	sadd.s32 s25, s0;
	v7 =	vadd.s32 s2, v5;
	v8 =	vadd.s32 s28, v6;
	v9, _, _ =	vpop (xrf0)  }
0x91: {  	v7 =	vsel vm1, v7, v8;
	v55 =	vadd.s32 s25, v9  }
0x92: {  	(v2sf) =	vpush v5, $0xF;
	v5 =	vsel vm2, v55, v7  }
0x93: {  	s26 =	sadd.s32 $0x80, s26;
	(v2sf) =	vpush v6, $0xF;
	v5 =	vadd.s32 $0xFFFFFFFF, v5  }
0x94: {  	s4 =	sshra.s32 s30, $0x2;
	(v2sf) =	vpush v9, $0xF;
	[tilespmem:s26+$0x0] =	vst v5  }
0x95: {  	v5 =	vld.idx.msk [tilespmem:v4+s4+$0x0 ss:$0x1], $0xffff;
	_ =	sdelay $0x4  }
0x96: {  	vm1 =	vne.s32 v5, $0x0;
	vm2 =	veq.s32 v5, $0x1  }
0x97: {  	v6 =	vsel vm2, $0x1, v0;
	v7 =	vsel vm1, $0x1, v0  }
0x98: {  	vm1 =	veq.s32 v5, $0x0;
	v5 =	vsub.s32 v7, v6;
	(xrf0) =	vadd.scan.msk.s32 $0xffff, v6  }
0x99: {  	v6 =	vsel vm1, $0x1, v0;
	(xrf0) =	vadd.scan.msk.s32 $0xffff, v5  }
0x9a: {  	(xrf0) =	vadd.scan.msk.s32 $0xffff, v6;
	_ =	sdelay $0x2  }
0x9b: {  	s0 =	spop (v2sf)  }
0x9c: {  	s30 =	spop (v2sf);
	v5, _, _ =	vpop (xrf0)  }
0x9d: {  	s2 =	sadd.s32 s2, s0;
	s28 =	sadd.s32 s28, s30;
	s4 =	spop (v2sf);
	v6, _, _ =	vpop (xrf0)  }
0x9e: {  	s25 =	sadd.s32 s25, s4;
	v7 =	vadd.s32 s2, v5;
	v56 =	vadd.s32 s28, v6;
	v57, _, _ =	vpop (xrf0)  }
0x9f: {  	v7 =	vsel vm2, v7, v56;
	v58 =	vadd.s32 s25, v57  }
0xa0: {  	v7 =	vsel vm1, v58, v7  }
0xa1: {  	s0 =	sadd.s32 $0x80, s26;
	v7 =	vadd.s32 $0xFFFFFFFF, v7  }
0xa2: {  	[tilespmem:s0+$0x0] =	vst v7  }
0xa3: {  	v7 =	vld [tilespmem:$0x2000]  }
0xa4: {  	v59 =	vld [tilespmem:$0x2080]  }
0xa5: {  	v10 =	vld [tilespmem:$0x2100]  }
0xa6: {  	(v2sf) =	vpush v5, $0xF;
	v5 =	vld [tilespmem:$0x2180]  }
0xa7: {  	(v2sf) =	vpush v6, $0xF;
	v6 =	vld [tilespmem:$0x2200]  }
0xa8: {  	(v2sf) =	vpush v57, $0xF;
	[tilespmem:$0x2800] =	vst v7;
	v7 =	vld [tilespmem:$0x2280]  }
0xa9: {  	v60 =	vld [tilespmem:$0x2300];
	[tilespmem:$0x2810] =	vst v59  }
0xaa: {  	v61 =	vld [tilespmem:$0x2380];
	[tilespmem:$0x2820] =	vst v10  }
0xab: {  	[tilespmem:$0x2830] =	vst v5;
	v5 =	vld [tilespmem:$0x2400]  }
0xac: {  	[tilespmem:$0x2840] =	vst v6;
	v6 =	vld [tilespmem:$0x2480]  }
0xad: {  	[tilespmem:$0x2850] =	vst v7;
	v7 =	vld [tilespmem:$0x2500]  }
0xae: {  	v62 =	vld [tilespmem:$0x2580];
	[tilespmem:$0x2860] =	vst v60  }
0xaf: {  	v63 =	vld [tilespmem:$0x2600];
	[tilespmem:$0x2870] =	vst v61  }
0xb0: {  	[tilespmem:$0x2880] =	vst v5;
	v5 =	vld [tilespmem:$0x2680]  }
0xb1: {  	[tilespmem:$0x2890] =	vst v6;
	v6 =	vld [tilespmem:$0x2700]  }
0xb2: {  	[tilespmem:$0x28A0] =	vst v7;
	v7 =	vld [tilespmem:$0x2780]  }
0xb3: {  	[tilespmem:$0x28B0] =	vst v62  }
0xb4: {  	[tilespmem:$0x28C0] =	vst v63  }
0xb5: {  	s2 =	sld [smem:$0x7F5];
	s4 =	spop (v2sf);
	[tilespmem:$0x28D0] =	vst v5  }
0xb6: {  	s28 =	simm.s32 $0x2800;
	s25 =	spop (v2sf);
	[tilespmem:$0x28E0] =	vst v6  }
0xb7: {  	s0 =	simm.s32 $0x7;
	s26 =	spop (v2sf);
	s25 =	simm.s32 $0x0;
	[tilespmem:$0x28F0] =	vst v7  }
0xb8: {  	[hbm4b:s2+s25] =	stream.linear.scatter [tilespmem:s28], [sflag:$0x7], $0x100, $0x38;
	[tilespmem:$0x1A980] =	vst v63  }
0xb9: {  	_ =	swait.ge [sflag:s0], $0x100  }
0xba: {  	s29 =	sld [smem:$0x7F6]  }
0xbb: {  	s31 =	simm.s32 $0x3100;
	[sflag:s0] =	ssyncset.done $0x0  }
0xbc: {  	s30 =	simm.s32 $0x3900;
	s4 =	simm.s32 $0x5900;
	[sflag:s0] =	ssyncadd.s32 $0xFFFFFF00  }
0xbd: {  	[tilespmem:s1], [sflag:$0x1] =	stream.linear.gather [hbm4b:s29+s25], $0x8000, $0x38;
	[tilespmem:$0x1A980] =	vst v63  }
0xbe: {  	s26 =	simm.s32 $0x2080;
	s0 =	simm.s32 $0x4100;
	s1 =	simm.s32 $0x4900  }
.LBB2_10:
0xbf: {  	p2 =	seq.s32 s25, $0x0  }
0xc0: {  	s2 =	simm.s32 @!p2 $0x5  }
0xc1: {  	_ =	swait.ge @!p2 [sflag:s2], $0x8000  }
0xc2: {  	s28 =	rddreg [dreg:$0x4]  }
0xc3: {  	[sflag:s2] =	ssyncset.done @!p2 $0x0;
	s28 =	sadd.s32 s25, s28  }
0xc4: {  	[sflag:s2] =	ssyncadd.s32 @!p2 $0xFFFF8000;
	s29 =	sadd.s32 $0x201000, s28  }
0xc5: {  	[tilespmem:s22], [sflag:$0x2] =	stream.linear.gather [hbm4b:s29+s3], $0x8000, $0x38;
	[tilespmem:$0x1A980] =	vst v63  }
0xc6: {  	_ =	swait.ge [sflag:s18], $0x8000  }
0xc7: {  	[sflag:s18] =	ssyncset.done $0x0  }
0xc8: {  	[sflag:s18] =	ssyncadd.s32 $0xFFFF8000  }
0xc9: {  	v5 =	vld [tilespmem:s26+$0xFFFFFF80];
	_ =	sdelay $0x4  }
0xca: {  	v6 =	vshll.u32 v5, $0x4  }
0xcb: {  	v5 =	vand.u32 $0x7, v5;
	v6 =	vand.u32 $0xFFFFFF80, v6  }
0xcc: {  	v5 =	vor.u32 v5, v6  }
0xcd: {  	v6 =	vperm.xlane v5, v1;
	_ =	sdelay $0x1  }
0xce: {  	v6 =	vadd.s32 v2, v6;
	_ =	sdelay $0x4  }
0xcf: {  	[hbm4b:s5+s3] =	stream.indirect_vreg.scatter [tilespmem:s17], [sflag:$0x4], $0x80, v6, vm0, $0xb8;
	[tilespmem:$0x1A980] =	vst v63  }
0xd0: {  	_ = 	snop  }
0xd1: {  	[hbm4b:s9+s3] =	stream.indirect_vreg.scatter [tilespmem:s31], [sflag:$0x4], $0x80, v6, vm0, $0xb8;
	[tilespmem:$0x1A980] =	vst v63  }
0xd2: {  	_ = 	snop  }
0xd3: {  	[hbm4b:s10+s3] =	stream.indirect_vreg.scatter [tilespmem:s30], [sflag:$0x4], $0x80, v6, vm0, $0xb8;
	[tilespmem:$0x1A980] =	vst v63  }
0xd4: {  	_ = 	snop  }
0xd5: {  	[hbm4b:s11+s3] =	stream.indirect_vreg.scatter [tilespmem:s0], [sflag:$0x4], $0x80, v6, vm0, $0xb8;
	[tilespmem:$0x1A980] =	vst v63  }
0xd6: {  	_ = 	snop  }
0xd7: {  	[hbm4b:s12+s3] =	stream.indirect_vreg.scatter [tilespmem:s1], [sflag:$0x4], $0x80, v6, vm0, $0xb8;
	[tilespmem:$0x1A980] =	vst v63  }
0xd8: {  	v5 =	vperm.xlane v5, v3  }
0xd9: {  	[hbm4b:s13+s3] =	stream.indirect_vreg.scatter [tilespmem:s21], [sflag:$0x4], $0x80, v6, vm0, $0xb8;
	[tilespmem:$0x1A980] =	vst v63  }
0xda: {  	v5 =	vadd.s32 v2, v5  }
0xdb: {  	[hbm4b:s14+s3] =	stream.indirect_vreg.scatter [tilespmem:s4], [sflag:$0x4], $0x80, v6, vm0, $0xb8;
	[tilespmem:$0x1A980] =	vst v63  }
0xdc: {  	_ = 	snop  }
0xdd: {  	[hbm4b:s15+s3] =	stream.indirect_vreg.scatter [tilespmem:s6], [sflag:$0x4], $0x80, v6, vm0, $0xb8;
	[tilespmem:$0x1A980] =	vst v63  }
0xde: {  	_ = 	snop  }
0xdf: {  	[hbm4b:s5+s3] =	stream.indirect_vreg.scatter [tilespmem:s7], [sflag:$0x4], $0x80, v5, vm0, $0xb8;
	[tilespmem:$0x1A980] =	vst v63  }
0xe0: {  	_ = 	snop  }
0xe1: {  	[hbm4b:s9+s3] =	stream.indirect_vreg.scatter [tilespmem:s8], [sflag:$0x4], $0x80, v5, vm0, $0xb8;
	[tilespmem:$0x1A980] =	vst v63  }
0xe2: {  	_ = 	snop  }
0xe3: {  	[hbm4b:s10+s3] =	stream.indirect_vreg.scatter [tilespmem:s16], [sflag:$0x4], $0x80, v5, vm0, $0xb8;
	[tilespmem:$0x1A980] =	vst v63  }
0xe4: {  	s29 =	simm.s32 $0x8100  }
0xe5: {  	[hbm4b:s11+s3] =	stream.indirect_vreg.scatter [tilespmem:s29], [sflag:$0x4], $0x80, v5, vm0, $0xb8;
	[tilespmem:$0x1A980] =	vst v63  }
0xe6: {  	s29 =	simm.s32 $0x8900  }
0xe7: {  	[hbm4b:s12+s3] =	stream.indirect_vreg.scatter [tilespmem:s29], [sflag:$0x4], $0x80, v5, vm0, $0xb8;
	[tilespmem:$0x1A980] =	vst v63  }
0xe8: {  	s29 =	simm.s32 $0x9100  }
0xe9: {  	[hbm4b:s13+s3] =	stream.indirect_vreg.scatter [tilespmem:s29], [sflag:$0x4], $0x80, v5, vm0, $0xb8;
	[tilespmem:$0x1A980] =	vst v63  }
0xea: {  	s29 =	simm.s32 $0x9900  }
0xeb: {  	[hbm4b:s14+s3] =	stream.indirect_vreg.scatter [tilespmem:s29], [sflag:$0x4], $0x80, v5, vm0, $0xb8;
	[tilespmem:$0x1A980] =	vst v63  }
0xec: {  	s2 =	simm.s32 @!p2 $0x6;
	s29 =	simm.s32 $0xA100  }
0xed: {  	[hbm4b:s15+s3] =	stream.indirect_vreg.scatter [tilespmem:s29], [sflag:$0x4], $0x80, v5, vm0, $0xb8;
	[tilespmem:$0x1A980] =	vst v63  }
0xee: {  	_ =	swait.ge @!p2 [sflag:s2], $0x8000  }
0xef: {  	[sflag:s2] =	ssyncset.done @!p2 $0x0  }
0xf0: {  	s29 =	sadd.s32 $0x202000, s28;
	[sflag:s2] =	ssyncadd.s32 @!p2 $0xFFFF8000  }
0xf1: {  	[tilespmem:s20], [sflag:$0x3] =	stream.linear.gather [hbm4b:s29+s3], $0x8000, $0x38;
	[tilespmem:$0x1A980] =	vst v63  }
0xf2: {  	_ =	swait.ge [sflag:s23], $0x8000  }
0xf3: {  	[sflag:s23] =	ssyncset.done $0x0  }
0xf4: {  	[sflag:s23] =	ssyncadd.s32 $0xFFFF8000  }
0xf5: {  	v5 =	vld [tilespmem:s26+$0x0];
	_ =	sdelay $0x4  }
0xf6: {  	v6 =	vshll.u32 v5, $0x4  }
0xf7: {  	v5 =	vand.u32 $0x7, v5;
	v6 =	vand.u32 $0xFFFFFF80, v6  }
0xf8: {  	v5 =	vor.u32 v5, v6  }
0xf9: {  	v6 =	vperm.xlane v5, v1;
	_ =	sdelay $0x1  }
0xfa: {  	v6 =	vadd.s32 v2, v6;
	_ =	sdelay $0x4  }
0xfb: {  	[hbm4b:s5+s3] =	stream.indirect_vreg.scatter [tilespmem:s22], [sflag:$0x5], $0x80, v6, vm0, $0xb8;
	[tilespmem:$0x1A980] =	vst v63  }
0xfc: {  	s2 =	rddreg [dreg:$0x5]  }
0xfd: {  	[hbm4b:s9+s3] =	stream.indirect_vreg.scatter [tilespmem:s2], [sflag:$0x5], $0x80, v6, vm0, $0xb8;
	[tilespmem:$0x1A980] =	vst v63  }
0xfe: {  	s29 =	rddreg [dreg:$0x6]  }
0xff: {  	[hbm4b:s10+s3] =	stream.indirect_vreg.scatter [tilespmem:s29], [sflag:$0x5], $0x80, v6, vm0, $0xb8;
	[tilespmem:$0x1A980] =	vst v63  }
0x100: {  	s2 =	rddreg [dreg:$0x7]  }
0x101: {  	[hbm4b:s11+s3] =	stream.indirect_vreg.scatter [tilespmem:s2], [sflag:$0x5], $0x80, v6, vm0, $0xb8;
	[tilespmem:$0x1A980] =	vst v63  }
0x102: {  	s29 =	rddreg [dreg:$0x8]  }
0x103: {  	[hbm4b:s12+s3] =	stream.indirect_vreg.scatter [tilespmem:s29], [sflag:$0x5], $0x80, v6, vm0, $0xb8;
	[tilespmem:$0x1A980] =	vst v63  }
0x104: {  	v5 =	vperm.xlane v5, v3;
	s2 =	rddreg [dreg:$0x9]  }
0x105: {  	[hbm4b:s13+s3] =	stream.indirect_vreg.scatter [tilespmem:s2], [sflag:$0x5], $0x80, v6, vm0, $0xb8;
	[tilespmem:$0x1A980] =	vst v63  }
0x106: {  	v5 =	vadd.s32 v2, v5;
	s29 =	rddreg [dreg:$0xa]  }
0x107: {  	[hbm4b:s14+s3] =	stream.indirect_vreg.scatter [tilespmem:s29], [sflag:$0x5], $0x80, v6, vm0, $0xb8;
	[tilespmem:$0x1A980] =	vst v63  }
0x108: {  	s2 =	rddreg [dreg:$0xb]  }
0x109: {  	[hbm4b:s15+s3] =	stream.indirect_vreg.scatter [tilespmem:s2], [sflag:$0x5], $0x80, v6, vm0, $0xb8;
	[tilespmem:$0x1A980] =	vst v63  }
0x10a: {  	s29 =	rddreg [dreg:$0xc]  }
0x10b: {  	[hbm4b:s5+s3] =	stream.indirect_vreg.scatter [tilespmem:s29], [sflag:$0x5], $0x80, v5, vm0, $0xb8;
	[tilespmem:$0x1A980] =	vst v63  }
0x10c: {  	s2 =	rddreg [dreg:$0xd]  }
0x10d: {  	[hbm4b:s9+s3] =	stream.indirect_vreg.scatter [tilespmem:s2], [sflag:$0x5], $0x80, v5, vm0, $0xb8;
	[tilespmem:$0x1A980] =	vst v63  }
0x10e: {  	s29 =	rddreg [dreg:$0xe]  }
0x10f: {  	[hbm4b:s10+s3] =	stream.indirect_vreg.scatter [tilespmem:s29], [sflag:$0x5], $0x80, v5, vm0, $0xb8;
	[tilespmem:$0x1A980] =	vst v63  }
0x110: {  	s2 =	rddreg [dreg:$0xf]  }
0x111: {  	[hbm4b:s11+s3] =	stream.indirect_vreg.scatter [tilespmem:s2], [sflag:$0x5], $0x80, v5, vm0, $0xb8;
	[tilespmem:$0x1A980] =	vst v63  }
0x112: {  	s29 =	rddreg [dreg:$0x10]  }
0x113: {  	[hbm4b:s12+s3] =	stream.indirect_vreg.scatter [tilespmem:s29], [sflag:$0x5], $0x80, v5, vm0, $0xb8;
	[tilespmem:$0x1A980] =	vst v63  }
0x114: {  	s2 =	rddreg [dreg:$0x11]  }
0x115: {  	[hbm4b:s13+s3] =	stream.indirect_vreg.scatter [tilespmem:s2], [sflag:$0x5], $0x80, v5, vm0, $0xb8;
	[tilespmem:$0x1A980] =	vst v63  }
0x116: {  	s29 =	rddreg [dreg:$0x12]  }
0x117: {  	[hbm4b:s14+s3] =	stream.indirect_vreg.scatter [tilespmem:s29], [sflag:$0x5], $0x80, v5, vm0, $0xb8;
	[tilespmem:$0x1A980] =	vst v63  }
0x118: {  	s2 =	rddreg [dreg:$0x13]  }
0x119: {  	[hbm4b:s15+s3] =	stream.indirect_vreg.scatter [tilespmem:s2], [sflag:$0x5], $0x80, v5, vm0, $0xb8;
	[tilespmem:$0x1A980] =	vst v63  }
0x11a: {  	_ =	swait.ge [sflag:s19], $0x8000  }
0x11b: {  	[sflag:s19] =	ssyncset.done $0x0  }
0x11c: {  	s28 =	sadd.s32 $0x203000, s28;
	[sflag:s19] =	ssyncadd.s32 $0xFFFF8000  }
0x11d: {  	[tilespmem:s17], [sflag:$0x1] =	stream.linear.gather [hbm4b:s28+s3], $0x8000, $0x38;
	[tilespmem:$0x1A980] =	vst v63  }
0x11e: {  	_ =	swait.ge [sflag:s24], $0x8000  }
0x11f: {  	[sflag:s24] =	ssyncset.done $0x0  }
0x120: {  	[sflag:s24] =	ssyncadd.s32 $0xFFFF8000  }
0x121: {  	v5 =	vld [tilespmem:s26+$0x80];
	_ =	sdelay $0x4  }
0x122: {  	v6 =	vshll.u32 v5, $0x4  }
0x123: {  	v5 =	vand.u32 $0x7, v5;
	v6 =	vand.u32 $0xFFFFFF80, v6  }
0x124: {  	v5 =	vor.u32 v5, v6  }
0x125: {  	v6 =	vperm.xlane v5, v1;
	_ =	sdelay $0x1  }
0x126: {  	v6 =	vadd.s32 v2, v6;
	_ =	sdelay $0x3  }
0x127: {  	s29 =	rddreg [dreg:$0x14]  }
0x128: {  	[hbm4b:s5+s3] =	stream.indirect_vreg.scatter [tilespmem:s20], [sflag:$0x6], $0x80, v6, vm0, $0xb8;
	[tilespmem:$0x1A980] =	vst v63  }
0x129: {  	s28 =	rddreg [dreg:$0x15]  }
0x12a: {  	[hbm4b:s9+s3] =	stream.indirect_vreg.scatter [tilespmem:s29], [sflag:$0x6], $0x80, v6, vm0, $0xb8;
	[tilespmem:$0x1A980] =	vst v63  }
0x12b: {  	s29 =	rddreg [dreg:$0x16]  }
0x12c: {  	[hbm4b:s10+s3] =	stream.indirect_vreg.scatter [tilespmem:s28], [sflag:$0x6], $0x80, v6, vm0, $0xb8;
	[tilespmem:$0x1A980] =	vst v63  }
0x12d: {  	s28 =	rddreg [dreg:$0x17]  }
0x12e: {  	[hbm4b:s11+s3] =	stream.indirect_vreg.scatter [tilespmem:s29], [sflag:$0x6], $0x80, v6, vm0, $0xb8;
	[tilespmem:$0x1A980] =	vst v63  }
0x12f: {  	s29 =	rddreg [dreg:$0x18]  }
0x130: {  	[hbm4b:s12+s3] =	stream.indirect_vreg.scatter [tilespmem:s28], [sflag:$0x6], $0x80, v6, vm0, $0xb8;
	[tilespmem:$0x1A980] =	vst v63  }
0x131: {  	v5 =	vperm.xlane v5, v3;
	s28 =	rddreg [dreg:$0x19]  }
0x132: {  	[hbm4b:s13+s3] =	stream.indirect_vreg.scatter [tilespmem:s29], [sflag:$0x6], $0x80, v6, vm0, $0xb8;
	[tilespmem:$0x1A980] =	vst v63  }
0x133: {  	v5 =	vadd.s32 v2, v5;
	s29 =	rddreg [dreg:$0x1a]  }
0x134: {  	[hbm4b:s14+s3] =	stream.indirect_vreg.scatter [tilespmem:s28], [sflag:$0x6], $0x80, v6, vm0, $0xb8;
	[tilespmem:$0x1A980] =	vst v63  }
0x135: {  	s28 =	rddreg [dreg:$0x1b]  }
0x136: {  	[hbm4b:s15+s3] =	stream.indirect_vreg.scatter [tilespmem:s29], [sflag:$0x6], $0x80, v6, vm0, $0xb8;
	[tilespmem:$0x1A980] =	vst v63  }
0x137: {  	s29 =	rddreg [dreg:$0x1c]  }
0x138: {  	[hbm4b:s5+s3] =	stream.indirect_vreg.scatter [tilespmem:s28], [sflag:$0x6], $0x80, v5, vm0, $0xb8;
	[tilespmem:$0x1A980] =	vst v63  }
0x139: {  	s28 =	rddreg [dreg:$0x1d]  }
0x13a: {  	[hbm4b:s9+s3] =	stream.indirect_vreg.scatter [tilespmem:s29], [sflag:$0x6], $0x80, v5, vm0, $0xb8;
	[tilespmem:$0x1A980] =	vst v63  }
0x13b: {  	s29 =	rddreg [dreg:$0x1e]  }
0x13c: {  	[hbm4b:s10+s3] =	stream.indirect_vreg.scatter [tilespmem:s28], [sflag:$0x6], $0x80, v5, vm0, $0xb8;
	[tilespmem:$0x1A980] =	vst v63  }
0x13d: {  	s28 =	rddreg [dreg:$0x1f]  }
0x13e: {  	[hbm4b:s11+s3] =	stream.indirect_vreg.scatter [tilespmem:s29], [sflag:$0x6], $0x80, v5, vm0, $0xb8;
	[tilespmem:$0x1A980] =	vst v63  }
0x13f: {  	s25 =	sadd.s32 $0x3000, s25;
	s29 =	sld [smem:$0x7FA]  }
0x140: {  	[hbm4b:s12+s3] =	stream.indirect_vreg.scatter [tilespmem:s28], [sflag:$0x6], $0x80, v5, vm0, $0xb8;
	[tilespmem:$0x1A980] =	vst v63  }
0x141: {  	p2 =	sne.s32 s25, $0xF000;
	s28 =	sld [smem:$0x7FB]  }
0x142: {  	[hbm4b:s13+s3] =	stream.indirect_vreg.scatter [tilespmem:s29], [sflag:$0x6], $0x80, v5, vm0, $0xb8;
	[tilespmem:$0x1A980] =	vst v63  }
.Ltmp6:
0x143: {  	_ = 	snop;
	(pc) =	sbr.rel @p2 .LBB2_10-.Ltmp6, $4  }
0x144: {  	s29 =	sld [smem:$0x7FC]  }
0x145: {  	[hbm4b:s14+s3] =	stream.indirect_vreg.scatter [tilespmem:s28], [sflag:$0x6], $0x80, v5, vm0, $0xb8;
	[tilespmem:$0x1A980] =	vst v63  }
0x146: {  	s26 =	sadd.s32 $0x180, s26  }
0x147: {  	[hbm4b:s15+s3] =	stream.indirect_vreg.scatter [tilespmem:s29], [sflag:$0x6], $0x80, v5, vm0, $0xb8;
	[tilespmem:$0x1A980] =	vst v63  }
0x148: {  	s2 =	simm.s32 $0x5  }
0x149: {  	_ =	swait.ge [sflag:s2], $0x8000  }
0x14a: {  	[sflag:s2] =	ssyncset.done $0x0  }
0x14b: {  	[sflag:s2] =	ssyncadd.s32 $0xFFFF8000  }
0x14c: {  	_ =	swait.ge [sflag:s18], $0x8000  }
0x14d: {  	[sflag:s18] =	ssyncset.done $0x0  }
0x14e: {  	[sflag:s18] =	ssyncadd.s32 $0xFFFF8000  }
0x14f: {  	v5 =	vld [tilespmem:$0x2780];
	_ =	sdelay $0x4  }
0x150: {  	v6 =	vshll.u32 v5, $0x4  }
0x151: {  	v5 =	vand.u32 $0x7, v5;
	v6 =	vand.u32 $0xFFFFFF80, v6  }
0x152: {  	v5 =	vor.u32 v5, v6  }
0x153: {  	v6 =	vperm.xlane v5, v1;
	_ =	sdelay $0x1  }
0x154: {  	v6 =	vadd.s32 v2, v6;
	_ =	sdelay $0x4  }
0x155: {  	[hbm4b:s5+s3] =	stream.indirect_vreg.scatter [tilespmem:s17], [sflag:$0x4], $0x80, v6, vm0, $0xb8;
	[tilespmem:$0x1A980] =	vst v63  }
0x156: {  	_ = 	snop  }
0x157: {  	[hbm4b:s9+s3] =	stream.indirect_vreg.scatter [tilespmem:s31], [sflag:$0x4], $0x80, v6, vm0, $0xb8;
	[tilespmem:$0x1A980] =	vst v63  }
0x158: {  	_ = 	snop  }
0x159: {  	[hbm4b:s10+s3] =	stream.indirect_vreg.scatter [tilespmem:s30], [sflag:$0x4], $0x80, v6, vm0, $0xb8;
	[tilespmem:$0x1A980] =	vst v63  }
0x15a: {  	_ = 	snop  }
0x15b: {  	[hbm4b:s11+s3] =	stream.indirect_vreg.scatter [tilespmem:s0], [sflag:$0x4], $0x80, v6, vm0, $0xb8;
	[tilespmem:$0x1A980] =	vst v63  }
0x15c: {  	_ = 	snop  }
0x15d: {  	[hbm4b:s12+s3] =	stream.indirect_vreg.scatter [tilespmem:s1], [sflag:$0x4], $0x80, v6, vm0, $0xb8;
	[tilespmem:$0x1A980] =	vst v63  }
0x15e: {  	v5 =	vperm.xlane v5, v3  }
0x15f: {  	[hbm4b:s13+s3] =	stream.indirect_vreg.scatter [tilespmem:s21], [sflag:$0x4], $0x80, v6, vm0, $0xb8;
	[tilespmem:$0x1A980] =	vst v63  }
0x160: {  	v5 =	vadd.s32 v2, v5  }
0x161: {  	[hbm4b:s14+s3] =	stream.indirect_vreg.scatter [tilespmem:s4], [sflag:$0x4], $0x80, v6, vm0, $0xb8;
	[tilespmem:$0x1A980] =	vst v63  }
0x162: {  	_ = 	snop  }
0x163: {  	[hbm4b:s15+s3] =	stream.indirect_vreg.scatter [tilespmem:s6], [sflag:$0x4], $0x80, v6, vm0, $0xb8;
	[tilespmem:$0x1A980] =	vst v63  }
0x164: {  	_ = 	snop  }
0x165: {  	[hbm4b:s5+s3] =	stream.indirect_vreg.scatter [tilespmem:s7], [sflag:$0x4], $0x80, v5, vm0, $0xb8;
	[tilespmem:$0x1A980] =	vst v63  }
0x166: {  	_ = 	snop  }
0x167: {  	[hbm4b:s9+s3] =	stream.indirect_vreg.scatter [tilespmem:s8], [sflag:$0x4], $0x80, v5, vm0, $0xb8;
	[tilespmem:$0x1A980] =	vst v63  }
0x168: {  	_ = 	snop  }
0x169: {  	[hbm4b:s10+s3] =	stream.indirect_vreg.scatter [tilespmem:s16], [sflag:$0x4], $0x80, v5, vm0, $0xb8;
	[tilespmem:$0x1A980] =	vst v63  }
0x16a: {  	s2 =	simm.s32 $0x8100  }
0x16b: {  	[hbm4b:s11+s3] =	stream.indirect_vreg.scatter [tilespmem:s2], [sflag:$0x4], $0x80, v5, vm0, $0xb8;
	[tilespmem:$0x1A980] =	vst v63  }
0x16c: {  	s4 =	simm.s32 $0x8900  }
0x16d: {  	[hbm4b:s12+s3] =	stream.indirect_vreg.scatter [tilespmem:s4], [sflag:$0x4], $0x80, v5, vm0, $0xb8;
	[tilespmem:$0x1A980] =	vst v63  }
0x16e: {  	s25 =	simm.s32 $0x9100  }
0x16f: {  	[hbm4b:s13+s3] =	stream.indirect_vreg.scatter [tilespmem:s25], [sflag:$0x4], $0x80, v5, vm0, $0xb8;
	[tilespmem:$0x1A980] =	vst v63  }
0x170: {  	s26 =	simm.s32 $0x9900  }
0x171: {  	[hbm4b:s14+s3] =	stream.indirect_vreg.scatter [tilespmem:s26], [sflag:$0x4], $0x80, v5, vm0, $0xb8;
	[tilespmem:$0x1A980] =	vst v63  }
0x172: {  	s28 =	simm.s32 $0xA100;
	s29 =	simm.s32 $0x6  }
0x173: {  	[hbm4b:s15+s3] =	stream.indirect_vreg.scatter [tilespmem:s28], [sflag:$0x4], $0x80, v5, vm0, $0xb8;
	[tilespmem:$0x1A980] =	vst v63  }
0x174: {  	_ =	swait.ge [sflag:s29], $0x8000  }
0x175: {  	[sflag:s29] =	ssyncset.done $0x0  }
0x176: {  	[sflag:s29] =	ssyncadd.s32 $0xFFFF8000  }
0x177: {  	_ =	swait.ge [sflag:s19], $0x8000  }
0x178: {  	s30 =	sld [smem:$0x7F2]  }
0x179: {  	s31 =	sld [smem:$0x7F7];
	_ =	sdelay $0x1  }
0x17a: {  	s0 =	sadd.s32 $0x1, s30  }
0x17b: {  	p2 =	sne.s32 s0, s31  }
.Ltmp7:
0x17c: {  	_ = 	snop;
	(pc) =	sbr.rel @p2 .LBB2_1-.Ltmp7, $3  }
0x17d: {  	_ =	sdelay $0x1  }
0x17e: {  	[sflag:s19] =	ssyncset.done $0x0  }
0x17f: {  	s1 =	simm.s32 $0x2900;
	s4 =	simm.s32 $0x7;
	[sflag:s19] =	ssyncadd.s32 $0xFFFF8000  }
0x180: {  	_ =	sfence.sel $0x180000  }
0x181: {  	[bflag:$0x0] =	sbarrier.arrive $0xFFFF  }
0x182: {  	_ =	strace $0x90000047  }
0x183: {  	s0 =	stileid.u32;
	[bflag:$0x2] =	sbarrier.arrive $0xFFFF  }
0x184: {  	p0 =	sne.s32 s0, $0x0;
	s0 =	rddreg [dreg:$0x3]  }
0x185: {  	s0 =	sadd.s32 @!p0 $0x100000, s0  }
0x186: {  	[sflag:s0] =	ssyncadd.tile.s32 @!p0 $0x1;
	_ =	shalt  }
.Lfunc_end2:
_tile_overlayer_lowered:
.L_overlay_start_2:
0x187: {  	(tag) =	ssettag $0x2  }
0x188: {  	s0 =	rddreg [dreg:$0x0];
	s2 =	stileid.u32  }
0x189: {  	s1 =	rddreg [dreg:$0x1];
	p0 =	sne.s32 s2, $0x0  }
0x18a: {  	s3 =	rddreg [dreg:$0x2];
	[bflag:$0x3] =	sbarrier.arrive $0xFFFF;
	s2 =	simm.s32 @!p0 $0x1C07  }
0x18b: {  	[timem:s3], [sflag:s2] =	dma.local @!p0 [hbm:s0], s1  }
0x18c: {  	s0 =	simm.s32 @!p0 $0x7  }
0x18d: {  	_ =	swait.ge @!p0 [sflag:s0], s1  }
0x18e: {  	s1 =	ssub.s32 @!p0 $0x0, s1;
	[sflag:s0] =	ssyncset.done @!p0 $0x0  }
0x18f: {  	[sflag:s0] =	ssyncadd.s32 @!p0 s1  }
0x190: {  	[bflag:$0x3] =	sbarrier.arrive $0xFFFF  }
0x191: {  	_ =	shalt  }

// kernel: kernel.13.cloned.1.call-start
scs
__scs_entry_jumppad:
0x0: {  	(pc) =	sbr.rel $0x88, $3  }
0x1: {  	(tag) =	ssettag $0x0;
	lr =	simm.s32 $0x1  }
0x2: {  	[smem:$0x3F87] =	sst lr;
	_ =	strace $0xD0000000  }
0x3: {  	_ = 	snop  }
0x4: {  	_ = 	snop  }
0x5: {  	_ = 	snop  }
0x6: {  	_ = 	snop  }
0x7: {  	_ = 	snop  }
__scs_overlays_trampoline_lowered:
0x8: {  	[smem:$0x3F96] =	sst s0  }
0x9: {  	[smem:$0x3F97] =	sst s1  }
0xa: {  	[smem:$0x3F98] =	sst s2  }
0xb: {  	[smem:$0x3F99] =	sst s3  }
0xc: {  	[smem:$0x3F9A] =	sst s4  }
0xd: {  	[smem:$0x3F9B] =	sst s5  }
0xe: {  	[smem:$0x3F9C] =	sst s6  }
0xf: {  	[smem:$0x3F9D] =	sst s7  }
0x10: {  	[smem:$0x3F9E] =	sst s8  }
0x11: {  	[smem:$0x3F9F] =	sst s9;
	s0 =	simm.s32 @!p0 $0x0  }
0x12: {  	s1 =	sld [smem:$0x3F85];
	s0 =	simm.s32 @p0 $0x1  }
0x13: {  	[smem:$0x3FA0] =	sst s0;
	s0 =	simm.s32 @!p1 $0x0  }
0x14: {  	s2 =	sld [smem:$0x3F84];
	s0 =	simm.s32 @p1 $0x1  }
0x15: {  	[smem:$0x3FA1] =	sst s0;
	s0 =	simm.s32 @!p2 $0x0  }
0x16: {  	s3 =	sld [smem:$0x3FDB];
	s0 =	simm.s32 @p2 $0x1  }
0x17: {  	s4 =	simm.s32 $0x1BF5;
	[smem:$0x3FA3] =	sst s0  }
0x18: {  	s0 =	sld [smem:$0x3F86];
	_ =	swait.ge [sflag:s4], $0x0  }
0x19: {  	s7 =	sld [smem:$0x3F87]  }
0x1a: {  	s8 =	sadd.s32 $0xFFFFE003, lr  }
0x1b: {  	s9 =	sadd.s32 $0xFFFFFEF7, lr;
	s5 =	simm.s32 $0xFFFFFFFF;
	p2 =	slt.u32 s8, $0xFFFFF086  }
0x1c: {  	p1 =	slt.u32 s9, $0xF7A;
	s5 =	simm.s32 @!p2 $0x0  }
0x1d: {  	s5 =	simm.s32 @p1 $0x1;
	p0 =	seq.s32 s7, s2  }
0x1e: {  	s7 =	smul.u32 @!p0 $0xF7A, s2;
	p2 =	seq.s32 @!p0 s5, $0x0  }
0x1f: {  	s9 =	smul.u32 $0xF7A, s1;
	s8 =	simm.s32 @!p0 $0x1BF5;
	p2 =	por !p2, p0  }
0x20: {  	[sflag:s8] =	ssyncset.s32 @!p0 $0xFFFFF086;
	s6 =	sadd.s32 @!p0 s3, s7;
	s7 =	simm.s32 @!p0 $0x108  }
0x21: {  	s3 =	sadd.s32 s3, s9;
	s6 =	sadd.s32 @!p0 $0x88, s6;
	s7 =	simm.s32 @p2 $0x1082  }
0x22: {  	[simem:s7], [sflag:s8] =	dma.local @!p0 [hbm:s6], $0xF7A  }
0x23: {  	s9 =	sor.u32 $0xD0000000, s2;
	s6 =	simm.s32 $0x108;
	_ =	swait.ge @!p0 [sflag:s8], $0x0  }
0x24: {  	s3 =	sadd.s32 $0x88, s3;
	s6 =	simm.s32 @!p1 $0x1082;
	[sflag:s4] =	ssyncset.s32 $0xFFFFF086  }
0x25: {  	[simem:s6], [sflag:s4] =	dma.local [hbm:s3], $0xF7A  }
0x26: {  	[smem:$0x3F87] =	sst s1;
	(tag) =	ssettag s2;
	_ =	strace s9  }
0x27: {  	s1 =	sld [smem:$0x3F97]  }
0x28: {  	s2 =	sld [smem:$0x3F98]  }
0x29: {  	s4 =	sld [smem:$0x3F9A]  }
0x2a: {  	p0 =	seq.s32 s5, $0x0;
	s5 =	sld [smem:$0x3F9B]  }
0x2b: {  	s6 =	sld [smem:$0x3F9C]  }
0x2c: {  	s7 =	sld [smem:$0x3F9D]  }
0x2d: {  	s3 =	simm.s32 $0x108;
	s8 =	sld [smem:$0x3F9E]  }
0x2e: {  	s3 =	simm.s32 @!p0 $0x1082;
	s9 =	sld [smem:$0x3F9F]  }
0x2f: {  	lr =	sadd.s32 s0, s3;
	s0 =	sld [smem:$0x3F96]  }
0x30: {  	s3 =	sld [smem:$0x3F99]  }
0x31: {  	[smem:$0x3FA2] =	sst s10  }
0x32: {  	s10 =	sld [smem:$0x3FA0];
	_ =	sdelay $0x3  }
0x33: {  	p0 =	seq.s32 s10, $0x1;
	s10 =	sld [smem:$0x3FA2];
	_ =	sdelay $0x3  }
0x34: {  	[smem:$0x3FA2] =	sst s10  }
0x35: {  	s10 =	sld [smem:$0x3FA1];
	_ =	sdelay $0x3  }
0x36: {  	p1 =	seq.s32 s10, $0x1;
	s10 =	sld [smem:$0x3FA2];
	_ =	sdelay $0x3  }
0x37: {  	[smem:$0x3FA2] =	sst s10  }
0x38: {  	s10 =	sld [smem:$0x3FA3]  }
0x39: {  	_ = 	snop;
	(pc) =	sbr.ind lr, $3  }
0x3a: {  	_ = 	snop  }
0x3b: {  	_ = 	snop  }
0x3c: {  	p2 =	seq.s32 s10, $0x1;
	s10 =	sld [smem:$0x3FA2]  }
0x3d: {  	_ =	shalt  }
0x3e: {  	_ =	shalt  }
0x3f: {  	_ =	shalt  }
0x40: {  	_ =	shalt  }
0x41: {  	_ =	shalt  }
0x42: {  	_ =	shalt  }
0x43: {  	_ =	shalt  }
0x44: {  	_ =	shalt  }
0x45: {  	_ =	shalt  }
0x46: {  	_ =	shalt  }
0x47: {  	_ =	shalt  }
0x48: {  	_ =	shalt  }
0x49: {  	_ =	shalt  }
0x4a: {  	_ =	shalt  }
0x4b: {  	_ =	shalt  }
0x4c: {  	_ =	shalt  }
0x4d: {  	_ =	shalt  }
0x4e: {  	_ =	shalt  }
0x4f: {  	_ =	shalt  }
0x50: {  	_ =	shalt  }
0x51: {  	_ =	shalt  }
0x52: {  	_ =	shalt  }
0x53: {  	_ =	shalt  }
0x54: {  	_ =	shalt  }
0x55: {  	_ =	shalt  }
0x56: {  	_ =	shalt  }
0x57: {  	_ =	shalt  }
0x58: {  	_ =	shalt  }
0x59: {  	_ =	shalt  }
0x5a: {  	_ =	shalt  }
0x5b: {  	_ =	shalt  }
0x5c: {  	_ =	shalt  }
0x5d: {  	_ =	shalt  }
0x5e: {  	_ =	shalt  }
0x5f: {  	_ =	shalt  }
0x60: {  	_ =	shalt  }
0x61: {  	_ =	shalt  }
0x62: {  	_ =	shalt  }
0x63: {  	_ =	shalt  }
0x64: {  	_ =	shalt  }
0x65: {  	_ =	shalt  }
0x66: {  	_ =	shalt  }
0x67: {  	_ =	shalt  }
0x68: {  	_ =	shalt  }
0x69: {  	_ =	shalt  }
0x6a: {  	_ =	shalt  }
0x6b: {  	_ =	shalt  }
0x6c: {  	_ =	shalt  }
0x6d: {  	_ =	shalt  }
0x6e: {  	_ =	shalt  }
0x6f: {  	_ =	shalt  }
0x70: {  	_ =	shalt  }
0x71: {  	_ =	shalt  }
0x72: {  	_ =	shalt  }
0x73: {  	_ =	shalt  }
0x74: {  	_ =	shalt  }
0x75: {  	_ =	shalt  }
0x76: {  	_ =	shalt  }
0x77: {  	_ =	shalt  }
0x78: {  	_ =	shalt  }
0x79: {  	_ =	shalt  }
0x7a: {  	_ =	shalt  }
0x7b: {  	_ =	shalt  }
0x7c: {  	_ =	shalt  }
0x7d: {  	_ =	shalt  }
0x7e: {  	_ =	shalt  }
0x7f: {  	_ =	shalt  }
0x80: {  	_ =	shalt  }
0x81: {  	_ =	shalt  }
0x82: {  	_ =	shalt  }
0x83: {  	_ =	shalt  }
0x84: {  	_ =	shalt  }
0x85: {  	_ =	shalt  }
0x86: {  	_ =	shalt  }
0x87: {  	_ =	shalt  }
.Lfunc_end0:
.L_simem_size_0:
called_computation.2_lowered:
.L_overlay_start_0:
0x88: {  	s2 =	sld [smem:$0x3FD9]  }
0x89: {  	s3 =	sld [smem:$0x3FFE];
	_ =	sdelay $0x1  }
0x8a: {  	s1 =	srdreg.scid  }
0x8b: {  	s0 =	sand.u32 $0x1, s1  }
0x8c: {  	s16 =	sshll.u32 s0, $0xA;
	s2 =	sadd.s32 s3, s2  }
0x8d: {  	s2 =	sadd.s32 s2, s16  }
0x8e: {  	[smem:$0x3FAE] =	sst s2  }
0x8f: {  	_ = 	snop  }
0x90: {  	(tm) =	ssettm $0x1  }
0x91: {  	s17 =	sld [smem:$0x3FFB];
	_ =	sdelay $0x3  }
0x92: {  	_ =	strace s17  }
0x93: {  	s2 =	sld [smem:$0x3FFC];
	_ =	sdelay $0x3  }
0x94: {  	_ =	strace s2  }
0x95: {  	s2 =	sld [smem:$0x3FFD];
	_ =	sdelay $0x3  }
0x96: {  	_ =	strace s2  }
0x97: {  	_ =	strace $0x8FFFFFFF  }
0x98: {  	s18 =	sld [smem:$0x3FDB];
	_ =	sdelay $0x1  }
0x99: {  	s19 =	simm.s32 $_scs_section_size  }
0x9a: {  	s4 =	simm.s32 $_size__tile_overlayer_lowered;
	s5 =	simm.s32 $_tile_overlayer_lowered  }
0x9b: {  	s22 =	simm.s32 $0x1BFF;
	s21 =	sshll.u32 s5, $0x1;
	s2 =	sadd.s32 s19, s18  }
0x9c: {  	s6 =	simm.s32 $0x0;
	s20 =	sshll.u32 s4, $0x1;
	s4 =	sadd.s32 s21, s2  }
0x9d: {  	[timem:s6], [sflag:s22] =	dma.local [hbm:s4], s20  }
0x9e: {  	_ =	swait.ge [sflag:s22], s20  }
0x9f: {  	s3 =	ssub.s32 $0x0, s20;
	[sflag:s22] =	ssyncset.done $0x0  }
0xa0: {  	[sflag:s22] =	ssyncadd.s32 s3;
	_ =	sdelay $0x1  }
0xa1: {  	s23 =	simm.s32 $0x1B8B  }
0xa2: {  	_ =	swait.ge [sflag:s23], $0x1  }
0xa3: {  	[sflag:s23] =	ssyncset.done $0x0  }
0xa4: {  	s25 =	simm.s32 $0x1B8E;
	s24 =	sld [smem:$0x3FFE];
	[sflag:s23] =	ssyncadd.s32 $0xFFFFFFFF  }
0xa5: {  	s26 =	simm.s32 $execute0_lowered;
	[smem:$0x3FD2] =	sst s25  }
0xa6: {  	s4 =	sshll.u32 s26, $0x1;
	_ =	strace $0x8000004C;
	[dreg:$0x1] =	wrdreg $0xFFFFFFFF  }
0xa7: {  	s28 =	simm.s32 $_size_execute0_lowered;
	s2 =	sadd.s32 s2, s4;
	[dreg:$0x0] =	wrdreg $0x0  }
0xa8: {  	s4 =	sshll.u32 s28, $0x1;
	[dreg:$0x2] =	wrdreg s2  }
0xa9: {  	[dreg:$0x3] =	wrdreg s4  }
0xaa: {  	[dreg:$0x4] =	wrdreg $0xC0  }
0xab: {  	_ =	task [dreg:s6], $0x5FFFF  }
0xac: {  	[dreg:$0x1] =	wrdreg $0xFFFFFFFF  }
0xad: {  	[dreg:$0x0] =	wrdreg $0x60  }
0xae: {  	[dreg:$0x2] =	wrdreg s24  }
0xaf: {  	[dreg:$0x3] =	wrdreg $0x9  }
0xb0: {  	_ =	task.clear_ibuf [dreg:s6], $0x4FFFF;
	_ =	strace $0x9000004C  }
0xb1: {  	s29 =	simm.s32 $0x9;
	_ =	strace $0x8000004E  }
0xb2: {  	_ =	swait.ge [sflag:s29], $0x1  }
0xb3: {  	[sflag:s29] =	ssyncadd.s32 $0xFFFFFFFF  }
0xb4: {  	_ =	strace $0x9000004E  }
0xb5: {  	_ =	sfence  }
0xb6: {  	s30 =	sld [smem:$0x0];
	_ =	sdelay $0x2  }
0xb7: {  	s31 =	sshll.u32 s1, $0xD;
	s1 =	sshrl.u32 s1, $0x2  }
0xb8: {  	s3 =	sand.u32 $0x4000, s31;
	s1 =	sadd.s32 s1, s30  }
0xb9: {  	s0 =	sor.u32 s3, s0;
	s1 =	sshll.u32 s1, $0x11  }
0xba: {  	s0 =	sor.u32 s1, s0  }
0xbb: {  	s0 =	sadd.s32 $0x8F2B, s0  }
0xbc: {  	[sflag:s0] =	ssyncadd.remote.s32 $0x1  }
0xbd: {  	_ =	sfence.sel $0xFFFF  }
0xbe: {  	[dreg:$0x0] =	wrdreg $0xFFFFFFFF;
	(pc) =	sbr.abs _section_cstart, $3  }
0xbf: {  	[dreg:$0x1] =	wrdreg $0xFFFFFFFF  }
0xc0: {  	_ =	task.clear_ibuf [dreg:s6], $0x2FFFF;
	_ =	strace $0x9FFFFFFF  }
0xc1: {  	(tm) =	ssettm $0x7FFFFFFF  }
tec
execute0_lowered:
.L_overlay_start_1:
0x0: {  	(tag) =	ssettag $0x1  }
0x1: {  	s5 =	rddreg [dreg:$0x0]  }
0x2: {  	s0 =	rddreg [dreg:$0x1];
	s2 =	simm.s32 $0x0;
	s4 =	srdreg.scid  }
0x3: {  	s1 =	stileid.u32;
	s11 =	simm.s32 $0x80;
	s12 =	simm.s32 $0x100  }
0x4: {  	s13 =	simm.s32 $0x4100;
	s14 =	simm.s32 $0x1;
	s15 =	simm.s32 $0x8100  }
0x5: {  	s16 =	simm.s32 $0x0;
	[smem:$0x7FF] =	sst s2;
	s3 =	sadd.s32 $0x29800, s5  }
0x6: {  	s6 =	sand.u32 $0x1, s4;
	s7 =	sshll.u32 s1, $0x1;
	s4 =	sadd.s32 $0x5800, s5  }
0x7: {  	_ =	strace $0x8000004D;
	s7 =	sor.u32 s6, s7;
	s6 =	ssub.s32 $0x2, s6  }
0x8: {  	s8 =	sshll.u32 s7, $0x5;
	s7 =	sshll.u32 s7, $0x8;
	s9 =	sshrl.u32 s6, $0x1  }
0x9: {  	s8 =	sadd.s32 s8, s5;
	s10 =	sadd.s32 s7, s5;
	s9 =	ssub.s32 s6, s9  }
0xa: {  	v0 =	vlaneseq.u32;
	s5 =	sadd.s32 $0x486000, s8;
	s6 =	sadd.s32 $0x4D800, s10;
	s7 =	sadd.s32 $0x245A00, s8  }
0xb: {  	v0 =	vmul.u32 $0x80, v0;
	s8 =	sadd.s32 $0x4F800, s10;
	s9 =	smax.u32 s9, $0x1;
	s10 =	simm.s32 $0x2  }
.LBB2_1:
0xc: {  	[tilespmem:s2], [sflag:$0x2] =	stream.linear.gather [hbm4b:s5+s2], $0x100, $0x38;
	[tilespmem:$0x8900] =	vst v63  }
0xd: {  	_ =	swait.ge [sflag:s10], $0x100  }
0xe: {  	[sflag:s10] =	ssyncset.done $0x0  }
0xf: {  	[sflag:s10] =	ssyncadd.s32 $0xFFFFFF00  }
0x10: {  	[tilespmem:s12], [sflag:$0x1] =	stream.indirect.gather [hbm4b:s3+s11], $0x80, s2, s11, $0xb8;
	[tilespmem:$0x8900] =	vst v63  }
0x11: {  	_ = 	snop  }
0x12: {  	v1 =	vmov s2;
	[tilespmem:s13], [sflag:$0x1] =	stream.indirect.gather [hbm4b:s3+s11], $0x80, s11, s11, $0xb8;
	[tilespmem:$0x8900] =	vst v63  }
0x13: {  	v1 =	vshll.u32 v1, $0x7;
	_ =	swait.ge [sflag:s14], $0x4000  }
0x14: {  	v1 =	vor.u32 v0, v1;
	[sflag:s14] =	ssyncset.done $0x0  }
0x15: {  	[sflag:s14] =	ssyncadd.s32 $0xFFFFC000  }
0x16: {  	_ =	swait.ge [sflag:s14], $0x4000  }
0x17: {  	s17 =	simm.s32 $0x10;
	[sflag:s14] =	ssyncset.done $0x0  }
0x18: {  	v2 =	vmov s17;
	[sflag:s14] =	ssyncadd.s32 $0xFFFFC000  }
0x19: {  	v2 =	vshll.u32 v2, $0x7;
	v1 =	vld.idx.msk [tilespmem:v1+s12+$0x0], $0xffff  }
0x1a: {  	v3 =	vor.u32 v0, v2;
	_ =	sdelay $0x3  }
0x1b: {  	s31 =	simm.s32 $0x20;
	[tilespmem:s15+$0x0] =	vst v1  }
0x1c: {  	s18 =	simm.s32 $0x30;
	s17 =	simm.s32 $0x8100;
	v2 =	vmov s31;
	v1 =	vld.idx.msk [tilespmem:v3+s12+$0x0], $0xffff  }
.LBB2_2:
0x1d: {  	p0 =	sne.s32 s18, $0xF0;
	v2 =	vshll.u32 v2, $0x7  }
0x1e: {  	v3 =	vor.u32 v0, v2  }
.Ltmp0:
0x1f: {  	(pc) =	sbr.rel @p0 .LBB2_2-.Ltmp0, $4  }
0x20: {  	_ = 	snop  }
0x21: {  	s17 =	sadd.s32 $0x80, s17  }
0x22: {  	[tilespmem:s17+$0x0] =	vst v1  }
0x23: {  	v2 =	vmov s18;
	s18 =	sadd.s32 $0x10, s18;
	v1 =	vld.idx.msk [tilespmem:v3+s12+$0x0], $0xffff  }
0x24: {  	v2 =	vshll.u32 v2, $0x7  }
0x25: {  	v2 =	vor.u32 v0, v2;
	_ =	sdelay $0x2  }
0x26: {  	s17 =	sadd.s32 $0x80, s17  }
0x27: {  	[tilespmem:s17+$0x0] =	vst v1  }
0x28: {  	v1 =	vld.idx.msk [tilespmem:v2+s12+$0x0], $0xffff;
	_ =	sdelay $0x3  }
0x29: {  	s17 =	sadd.s32 $0x80, s17  }
0x2a: {  	s18 =	simm.s32 $0x0;
	[tilespmem:s17+$0x0] =	vst v1;
	s17 =	simm.s32 $0x8100  }
0x2b: {  	[hbm4b:s6+s18] =	stream.linear.scatter [tilespmem:s17], [sflag:$0x2], $0x800, $0x38;
	[tilespmem:$0x8900] =	vst v63  }
0x2c: {  	_ =	swait.ge [sflag:s10], $0x800  }
0x2d: {  	[sflag:s10] =	ssyncset.done $0x0  }
0x2e: {  	[sflag:s10] =	ssyncadd.s32 $0xFFFFF800  }
0x2f: {  	[tilespmem:s18], [sflag:$0x2] =	stream.linear.gather [hbm4b:s7+s18], $0x100, $0x38;
	[tilespmem:$0x8900] =	vst v63  }
0x30: {  	_ =	swait.ge [sflag:s10], $0x100  }
0x31: {  	[sflag:s10] =	ssyncset.done $0x0  }
0x32: {  	[sflag:s10] =	ssyncadd.s32 $0xFFFFFF00  }
0x33: {  	[tilespmem:s12], [sflag:$0x1] =	stream.indirect.gather [hbm4b:s4+s11], $0x80, s18, s11, $0xb8;
	[tilespmem:$0x8900] =	vst v63  }
0x34: {  	_ = 	snop  }
0x35: {  	v1 =	vmov s18;
	[tilespmem:s13], [sflag:$0x1] =	stream.indirect.gather [hbm4b:s4+s11], $0x80, s11, s11, $0xb8;
	[tilespmem:$0x8900] =	vst v63  }
0x36: {  	v1 =	vshll.u32 v1, $0x7;
	_ =	swait.ge [sflag:s14], $0x4000  }
0x37: {  	v1 =	vor.u32 v0, v1;
	[sflag:s14] =	ssyncset.done $0x0  }
0x38: {  	[sflag:s14] =	ssyncadd.s32 $0xFFFFC000  }
0x39: {  	_ =	swait.ge [sflag:s14], $0x4000  }
0x3a: {  	s30 =	simm.s32 $0x10;
	[sflag:s14] =	ssyncset.done $0x0  }
0x3b: {  	v2 =	vmov s30;
	[sflag:s14] =	ssyncadd.s32 $0xFFFFC000  }
0x3c: {  	v2 =	vshll.u32 v2, $0x7;
	v1 =	vld.idx.msk [tilespmem:v1+s12+$0x0], $0xffff  }
0x3d: {  	v3 =	vor.u32 v0, v2;
	_ =	sdelay $0x3  }
0x3e: {  	s31 =	simm.s32 $0x20;
	[tilespmem:s17+$0x0] =	vst v1  }
0x3f: {  	v2 =	vmov s31;
	s18 =	simm.s32 $0x30;
	v1 =	vld.idx.msk [tilespmem:v3+s12+$0x0], $0xffff  }
.LBB2_4:
0x40: {  	p0 =	sne.s32 s18, $0xF0;
	v2 =	vshll.u32 v2, $0x7  }
0x41: {  	v3 =	vor.u32 v0, v2  }
.Ltmp1:
0x42: {  	(pc) =	sbr.rel @p0 .LBB2_4-.Ltmp1, $4  }
0x43: {  	_ = 	snop  }
0x44: {  	s17 =	sadd.s32 $0x80, s17  }
0x45: {  	[tilespmem:s17+$0x0] =	vst v1  }
0x46: {  	v2 =	vmov s18;
	s18 =	sadd.s32 $0x10, s18;
	v1 =	vld.idx.msk [tilespmem:v3+s12+$0x0], $0xffff  }
0x47: {  	v2 =	vshll.u32 v2, $0x7  }
0x48: {  	v2 =	vor.u32 v0, v2;
	_ =	sdelay $0x2  }
0x49: {  	s17 =	sadd.s32 $0x80, s17  }
0x4a: {  	[tilespmem:s17+$0x0] =	vst v1  }
0x4b: {  	v1 =	vld.idx.msk [tilespmem:v2+s12+$0x0], $0xffff;
	_ =	sdelay $0x2  }
0x4c: {  	s16 =	sadd.s32 $0x1, s16  }
0x4d: {  	p0 =	sne.s32 s16, s9;
	s17 =	sadd.s32 $0x80, s17  }
.Ltmp2:
0x4e: {  	[tilespmem:s17+$0x0] =	vst v1;
	(pc) =	sbr.rel @p0 .LBB2_1-.Ltmp2, $4  }
0x4f: {  	[hbm4b:s8+s2] =	stream.linear.scatter [tilespmem:s15], [sflag:$0x2], $0x800, $0x38;
	[tilespmem:$0x8900] =	vst v63  }
0x50: {  	_ =	swait.ge [sflag:s10], $0x800  }
0x51: {  	[sflag:s10] =	ssyncset.done $0x0  }
0x52: {  	[sflag:s10] =	ssyncadd.s32 $0xFFFFF800  }
0x53: {  	_ =	sfence.sel $0x180000  }
0x54: {  	[bflag:$0x0] =	sbarrier.arrive $0xFFFF  }
0x55: {  	p0 =	sne.s32 s1, $0x0;
	_ =	strace $0x9000004D  }
0x56: {  	s0 =	sadd.s32 @!p0 $0x100000, s0;
	[bflag:$0x2] =	sbarrier.arrive $0xFFFF  }
0x57: {  	[sflag:s0] =	ssyncadd.tile.s32 @!p0 $0x1;
	_ =	shalt  }
.Lfunc_end2:
_tile_overlayer_lowered:
.L_overlay_start_2:
0x58: {  	(tag) =	ssettag $0x2  }
0x59: {  	s0 =	rddreg [dreg:$0x0];
	s2 =	stileid.u32  }
0x5a: {  	s1 =	rddreg [dreg:$0x1];
	p0 =	sne.s32 s2, $0x0  }
0x5b: {  	s3 =	rddreg [dreg:$0x2];
	[bflag:$0x3] =	sbarrier.arrive $0xFFFF;
	s2 =	simm.s32 @!p0 $0x1C02  }
0x5c: {  	[timem:s3], [sflag:s2] =	dma.local @!p0 [hbm:s0], s1  }
0x5d: {  	s0 =	simm.s32 @!p0 $0x2  }
0x5e: {  	_ =	swait.ge @!p0 [sflag:s0], s1  }
0x5f: {  	s1 =	ssub.s32 @!p0 $0x0, s1;
	[sflag:s0] =	ssyncset.done @!p0 $0x0  }
0x60: {  	[sflag:s0] =	ssyncadd.s32 @!p0 s1  }
0x61: {  	[bflag:$0x3] =	sbarrier.arrive $0xFFFF  }
0x62: {  	_ =	shalt  }

// kernel: kernel.7.cloned.1.call-start
scs
__scs_entry_jumppad:
0x0: {  	(pc) =	sbr.rel $0x88, $3  }
0x1: {  	(tag) =	ssettag $0x0;
	lr =	simm.s32 $0x1  }
0x2: {  	[smem:$0x3F87] =	sst lr;
	_ =	strace $0xD0000000  }
0x3: {  	_ = 	snop  }
0x4: {  	_ = 	snop  }
0x5: {  	_ = 	snop  }
0x6: {  	_ = 	snop  }
0x7: {  	_ = 	snop  }
__scs_overlays_trampoline_lowered:
0x8: {  	[smem:$0x3F96] =	sst s0  }
0x9: {  	[smem:$0x3F97] =	sst s1  }
0xa: {  	[smem:$0x3F98] =	sst s2  }
0xb: {  	[smem:$0x3F99] =	sst s3  }
0xc: {  	[smem:$0x3F9A] =	sst s4  }
0xd: {  	[smem:$0x3F9B] =	sst s5  }
0xe: {  	[smem:$0x3F9C] =	sst s6  }
0xf: {  	[smem:$0x3F9D] =	sst s7  }
0x10: {  	[smem:$0x3F9E] =	sst s8  }
0x11: {  	[smem:$0x3F9F] =	sst s9;
	s0 =	simm.s32 @!p0 $0x0  }
0x12: {  	s1 =	sld [smem:$0x3F85];
	s0 =	simm.s32 @p0 $0x1  }
0x13: {  	[smem:$0x3FA0] =	sst s0;
	s0 =	simm.s32 @!p1 $0x0  }
0x14: {  	s2 =	sld [smem:$0x3F84];
	s0 =	simm.s32 @p1 $0x1  }
0x15: {  	[smem:$0x3FA1] =	sst s0;
	s0 =	simm.s32 @!p2 $0x0  }
0x16: {  	s3 =	sld [smem:$0x3FDB];
	s0 =	simm.s32 @p2 $0x1  }
0x17: {  	s4 =	simm.s32 $0x1BF5;
	[smem:$0x3FA3] =	sst s0  }
0x18: {  	s0 =	sld [smem:$0x3F86];
	_ =	swait.ge [sflag:s4], $0x0  }
0x19: {  	s7 =	sld [smem:$0x3F87]  }
0x1a: {  	s8 =	sadd.s32 $0xFFFFE003, lr  }
0x1b: {  	s9 =	sadd.s32 $0xFFFFFEF7, lr;
	s5 =	simm.s32 $0xFFFFFFFF;
	p2 =	slt.u32 s8, $0xFFFFF086  }
0x1c: {  	p1 =	slt.u32 s9, $0xF7A;
	s5 =	simm.s32 @!p2 $0x0  }
0x1d: {  	s5 =	simm.s32 @p1 $0x1;
	p0 =	seq.s32 s7, s2  }
0x1e: {  	s7 =	smul.u32 @!p0 $0xF7A, s2;
	p2 =	seq.s32 @!p0 s5, $0x0  }
0x1f: {  	s9 =	smul.u32 $0xF7A, s1;
	s8 =	simm.s32 @!p0 $0x1BF5;
	p2 =	por !p2, p0  }
0x20: {  	[sflag:s8] =	ssyncset.s32 @!p0 $0xFFFFF086;
	s6 =	sadd.s32 @!p0 s3, s7;
	s7 =	simm.s32 @!p0 $0x108  }
0x21: {  	s3 =	sadd.s32 s3, s9;
	s6 =	sadd.s32 @!p0 $0x88, s6;
	s7 =	simm.s32 @p2 $0x1082  }
0x22: {  	[simem:s7], [sflag:s8] =	dma.local @!p0 [hbm:s6], $0xF7A  }
0x23: {  	s9 =	sor.u32 $0xD0000000, s2;
	s6 =	simm.s32 $0x108;
	_ =	swait.ge @!p0 [sflag:s8], $0x0  }
0x24: {  	s3 =	sadd.s32 $0x88, s3;
	s6 =	simm.s32 @!p1 $0x1082;
	[sflag:s4] =	ssyncset.s32 $0xFFFFF086  }
0x25: {  	[simem:s6], [sflag:s4] =	dma.local [hbm:s3], $0xF7A  }
0x26: {  	[smem:$0x3F87] =	sst s1;
	(tag) =	ssettag s2;
	_ =	strace s9  }
0x27: {  	s1 =	sld [smem:$0x3F97]  }
0x28: {  	s2 =	sld [smem:$0x3F98]  }
0x29: {  	s4 =	sld [smem:$0x3F9A]  }
0x2a: {  	p0 =	seq.s32 s5, $0x0;
	s5 =	sld [smem:$0x3F9B]  }
0x2b: {  	s6 =	sld [smem:$0x3F9C]  }
0x2c: {  	s7 =	sld [smem:$0x3F9D]  }
0x2d: {  	s3 =	simm.s32 $0x108;
	s8 =	sld [smem:$0x3F9E]  }
0x2e: {  	s3 =	simm.s32 @!p0 $0x1082;
	s9 =	sld [smem:$0x3F9F]  }
0x2f: {  	lr =	sadd.s32 s0, s3;
	s0 =	sld [smem:$0x3F96]  }
0x30: {  	s3 =	sld [smem:$0x3F99]  }
0x31: {  	[smem:$0x3FA2] =	sst s10  }
0x32: {  	s10 =	sld [smem:$0x3FA0];
	_ =	sdelay $0x3  }
0x33: {  	p0 =	seq.s32 s10, $0x1;
	s10 =	sld [smem:$0x3FA2];
	_ =	sdelay $0x3  }
0x34: {  	[smem:$0x3FA2] =	sst s10  }
0x35: {  	s10 =	sld [smem:$0x3FA1];
	_ =	sdelay $0x3  }
0x36: {  	p1 =	seq.s32 s10, $0x1;
	s10 =	sld [smem:$0x3FA2];
	_ =	sdelay $0x3  }
0x37: {  	[smem:$0x3FA2] =	sst s10  }
0x38: {  	s10 =	sld [smem:$0x3FA3]  }
0x39: {  	_ = 	snop;
	(pc) =	sbr.ind lr, $3  }
0x3a: {  	_ = 	snop  }
0x3b: {  	_ = 	snop  }
0x3c: {  	p2 =	seq.s32 s10, $0x1;
	s10 =	sld [smem:$0x3FA2]  }
0x3d: {  	_ =	shalt  }
0x3e: {  	_ =	shalt  }
0x3f: {  	_ =	shalt  }
0x40: {  	_ =	shalt  }
0x41: {  	_ =	shalt  }
0x42: {  	_ =	shalt  }
0x43: {  	_ =	shalt  }
0x44: {  	_ =	shalt  }
0x45: {  	_ =	shalt  }
0x46: {  	_ =	shalt  }
0x47: {  	_ =	shalt  }
0x48: {  	_ =	shalt  }
0x49: {  	_ =	shalt  }
0x4a: {  	_ =	shalt  }
0x4b: {  	_ =	shalt  }
0x4c: {  	_ =	shalt  }
0x4d: {  	_ =	shalt  }
0x4e: {  	_ =	shalt  }
0x4f: {  	_ =	shalt  }
0x50: {  	_ =	shalt  }
0x51: {  	_ =	shalt  }
0x52: {  	_ =	shalt  }
0x53: {  	_ =	shalt  }
0x54: {  	_ =	shalt  }
0x55: {  	_ =	shalt  }
0x56: {  	_ =	shalt  }
0x57: {  	_ =	shalt  }
0x58: {  	_ =	shalt  }
0x59: {  	_ =	shalt  }
0x5a: {  	_ =	shalt  }
0x5b: {  	_ =	shalt  }
0x5c: {  	_ =	shalt  }
0x5d: {  	_ =	shalt  }
0x5e: {  	_ =	shalt  }
0x5f: {  	_ =	shalt  }
0x60: {  	_ =	shalt  }
0x61: {  	_ =	shalt  }
0x62: {  	_ =	shalt  }
0x63: {  	_ =	shalt  }
0x64: {  	_ =	shalt  }
0x65: {  	_ =	shalt  }
0x66: {  	_ =	shalt  }
0x67: {  	_ =	shalt  }
0x68: {  	_ =	shalt  }
0x69: {  	_ =	shalt  }
0x6a: {  	_ =	shalt  }
0x6b: {  	_ =	shalt  }
0x6c: {  	_ =	shalt  }
0x6d: {  	_ =	shalt  }
0x6e: {  	_ =	shalt  }
0x6f: {  	_ =	shalt  }
0x70: {  	_ =	shalt  }
0x71: {  	_ =	shalt  }
0x72: {  	_ =	shalt  }
0x73: {  	_ =	shalt  }
0x74: {  	_ =	shalt  }
0x75: {  	_ =	shalt  }
0x76: {  	_ =	shalt  }
0x77: {  	_ =	shalt  }
0x78: {  	_ =	shalt  }
0x79: {  	_ =	shalt  }
0x7a: {  	_ =	shalt  }
0x7b: {  	_ =	shalt  }
0x7c: {  	_ =	shalt  }
0x7d: {  	_ =	shalt  }
0x7e: {  	_ =	shalt  }
0x7f: {  	_ =	shalt  }
0x80: {  	_ =	shalt  }
0x81: {  	_ =	shalt  }
0x82: {  	_ =	shalt  }
0x83: {  	_ =	shalt  }
0x84: {  	_ =	shalt  }
0x85: {  	_ =	shalt  }
0x86: {  	_ =	shalt  }
0x87: {  	_ =	shalt  }
.Lfunc_end0:
.L_simem_size_0:
called_computation_lowered:
.L_overlay_start_0:
0x88: {  	s2 =	sld [smem:$0x3FD9]  }
0x89: {  	s3 =	sld [smem:$0x3FFE];
	_ =	sdelay $0x1  }
0x8a: {  	s1 =	srdreg.scid  }
0x8b: {  	s0 =	sand.u32 $0x1, s1  }
0x8c: {  	s17 =	sshll.u32 s0, $0xA;
	s2 =	sadd.s32 s3, s2  }
0x8d: {  	s2 =	sadd.s32 s2, s17  }
0x8e: {  	[smem:$0x3FAE] =	sst s2  }
0x8f: {  	_ = 	snop  }
0x90: {  	s18 =	sld [smem:$0x3FC9];
	(tm) =	ssettm $0x1  }
0x91: {  	s19 =	sld [smem:$0x3FFB];
	_ =	sdelay $0x3  }
0x92: {  	_ =	strace s19  }
0x93: {  	s2 =	sld [smem:$0x3FFC];
	_ =	sdelay $0x3  }
0x94: {  	_ =	strace s2  }
0x95: {  	s2 =	sld [smem:$0x3FFD];
	_ =	sdelay $0x3  }
0x96: {  	_ =	strace s2  }
0x97: {  	_ =	strace $0x8FFFFFFF  }
0x98: {  	s20 =	sld [smem:$0x3FDB];
	_ =	sdelay $0x1  }
0x99: {  	s4 =	simm.s32 $_scs_section_size  }
0x9a: {  	s5 =	simm.s32 $_size__tile_overlayer_lowered;
	s6 =	simm.s32 $_tile_overlayer_lowered  }
0x9b: {  	s7 =	simm.s32 $0x1BFF;
	s21 =	sshll.u32 s6, $0x1;
	s4 =	sadd.s32 s4, s20  }
0x9c: {  	s22 =	simm.s32 $0x0;
	s5 =	sshll.u32 s5, $0x1;
	s6 =	sadd.s32 s21, s4  }
0x9d: {  	[timem:s22], [sflag:s7] =	dma.local [hbm:s6], s5  }
0x9e: {  	_ =	swait.ge [sflag:s7], s5  }
0x9f: {  	s5 =	ssub.s32 $0x0, s5;
	[sflag:s7] =	ssyncset.done $0x0  }
0xa0: {  	[sflag:s7] =	ssyncadd.s32 s5;
	_ =	sdelay $0x1  }
0xa1: {  	s23 =	simm.s32 $0x1B8B  }
0xa2: {  	_ =	swait.ge [sflag:s23], $0x1  }
0xa3: {  	[sflag:s23] =	ssyncset.done $0x0  }
0xa4: {  	[sflag:s23] =	ssyncadd.s32 $0xFFFFFFFF  }
0xa5: {  	s5 =	sld [smem:$0x0]  }
0xa6: {  	s6 =	sand.u32 $0xFFFFFFFE, s1  }
0xa7: {  	p0 =	sne.s32 s1, s6  }
0xa8: {  	s6 =	sshll.u32 @p0 s6, $0xE  }
0xa9: {  	s6 =	sadd.s32 @p0 $0x11B8D, s6;
	s7 =	sshll.u32 @p0 s5, $0x11  }
0xaa: {  	s6 =	sor.u32 @p0 s7, s6  }
0xab: {  	[sflag:s6] =	ssyncadd.remote.s32 @p0 $0x1;
	_ =	sdelay $0x1  }
0xac: {  	s6 =	simm.s32 @p0 $0x1B8D  }
0xad: {  	_ =	swait.eq @p0 [sflag:s6], $0x1  }
0xae: {  	[sflag:s6] =	ssyncadd.s32 @p0 $0xFFFFFFFF  }
0xaf: {  	s7 =	sshll.u32 @!p0 s1, $0xE  }
0xb0: {  	s7 =	sor.u32 @!p0 $0x4000, s7;
	s6 =	simm.s32 @!p0 $0x1B8D  }
0xb1: {  	s5 =	sshll.u32 @!p0 s5, $0x11;
	s7 =	sadd.s32 @!p0 $0x11B8D, s7;
	_ =	swait.eq @!p0 [sflag:s6], $0x1  }
0xb2: {  	s5 =	sor.u32 @!p0 s5, s7;
	[sflag:s6] =	ssyncadd.s32 @!p0 $0xFFFFFFFF  }
0xb3: {  	s25 =	simm.s32 $0x1B8E;
	s24 =	sld [smem:$0x3FFE];
	[sflag:s5] =	ssyncadd.remote.s32 @!p0 $0x1  }
0xb4: {  	s26 =	simm.s32 $execute0_lowered;
	[smem:$0x3FD2] =	sst s25  }
0xb5: {  	s6 =	sshll.u32 s26, $0x1;
	_ =	strace $0x80000049;
	[dreg:$0x1] =	wrdreg $0xFFFFFFFF  }
0xb6: {  	s28 =	simm.s32 $_size_execute0_lowered;
	s4 =	sadd.s32 s4, s6;
	[dreg:$0x0] =	wrdreg $0x0  }
0xb7: {  	s6 =	sshll.u32 s28, $0x1;
	[dreg:$0x2] =	wrdreg s4  }
0xb8: {  	[dreg:$0x3] =	wrdreg s6  }
0xb9: {  	[dreg:$0x4] =	wrdreg $0xC0  }
0xba: {  	_ =	task [dreg:s22], $0x5FFFF  }
0xbb: {  	[dreg:$0x1] =	wrdreg $0xFFFFFFFF  }
0xbc: {  	[dreg:$0x0] =	wrdreg $0x60  }
0xbd: {  	[dreg:$0x2] =	wrdreg s24  }
0xbe: {  	[dreg:$0x3] =	wrdreg s18  }
0xbf: {  	[dreg:$0x4] =	wrdreg $0x9  }
0xc0: {  	_ =	task.clear_ibuf [dreg:s22], $0x5FFFF;
	_ =	strace $0x90000049  }
0xc1: {  	s29 =	simm.s32 $0x9;
	_ =	strace $0x8000004B  }
0xc2: {  	_ =	swait.ge [sflag:s29], $0x1  }
0xc3: {  	[sflag:s29] =	ssyncadd.s32 $0xFFFFFFFF  }
0xc4: {  	_ =	strace $0x9000004B  }
0xc5: {  	_ =	sfence  }
0xc6: {  	s30 =	sld [smem:$0x0];
	_ =	sdelay $0x2  }
0xc7: {  	s31 =	sshll.u32 s1, $0xD;
	s1 =	sshrl.u32 s1, $0x2  }
0xc8: {  	s4 =	sand.u32 $0x4000, s31;
	s1 =	sadd.s32 s1, s30  }
0xc9: {  	s0 =	sor.u32 s4, s0;
	s1 =	sshll.u32 s1, $0x11  }
0xca: {  	s0 =	sor.u32 s1, s0  }
0xcb: {  	s0 =	sadd.s32 $0x8F2B, s0  }
0xcc: {  	[sflag:s0] =	ssyncadd.remote.s32 $0x1  }
0xcd: {  	_ =	sfence.sel $0xFFFF  }
0xce: {  	[dreg:$0x0] =	wrdreg $0xFFFFFFFF;
	(pc) =	sbr.abs _section_cstart, $3  }
0xcf: {  	[dreg:$0x1] =	wrdreg $0xFFFFFFFF  }
0xd0: {  	_ =	task.clear_ibuf [dreg:s22], $0x2FFFF;
	_ =	strace $0x9FFFFFFF  }
0xd1: {  	(tm) =	ssettm $0x7FFFFFFF  }
tec
execute0_lowered:
.L_overlay_start_1:
0x0: {  	(tag) =	ssettag $0x1  }
0x1: {  	s3 =	rddreg [dreg:$0x0]  }
0x2: {  	s4 =	rddreg [dreg:$0x1];
	s2 =	simm.s32 $0x0  }
0x3: {  	[smem:$0x7FF] =	sst s2;
	s5 =	sadd.s32 $0x5400, s3;
	s29 =	sadd.s32 $0x245E00, s3  }
0x4: {  	_ =	strace $0x8000004A;
	[smem:$0x7F3] =	sst s5  }
0x5: {  	s31 =	simm.s32 $0xB100;
	[smem:$0x7F4] =	sst s29  }
0x6: {  	s0 =	srdreg.scid;
	s10 =	simm.s32 $0xB900;
	[dreg:$0x4] =	wrdreg s31  }
0x7: {  	s16 =	stileid.u32;
	s11 =	simm.s32 $0xC100;
	[dreg:$0x5] =	wrdreg s10  }
0x8: {  	s13 =	simm.s32 $0xC900;
	s14 =	simm.s32 $0xD100;
	[dreg:$0x6] =	wrdreg s11  }
0x9: {  	s17 =	simm.s32 $0xD900;
	s18 =	simm.s32 $0xE100;
	[dreg:$0x7] =	wrdreg s13  }
0xa: {  	s19 =	simm.s32 $0xE900;
	s20 =	simm.s32 $0xF100;
	[dreg:$0x8] =	wrdreg s14  }
0xb: {  	s21 =	simm.s32 $0xF900;
	s22 =	simm.s32 $0x10100;
	[dreg:$0x9] =	wrdreg s17  }
0xc: {  	s23 =	simm.s32 $0x10900;
	s24 =	simm.s32 $0x11100;
	[dreg:$0xa] =	wrdreg s18  }
0xd: {  	s25 =	simm.s32 $0x11900;
	s1 =	sand.u32 $0x1, s0;
	[dreg:$0xb] =	wrdreg s19  }
0xe: {  	s26 =	sshll.u32 s16, $0x1;
	s6 =	sshll.u32 s16, $0x11;
	[dreg:$0xc] =	wrdreg s20  }
0xf: {  	s0 =	sor.u32 s1, s26;
	s6 =	sadd.s32 s6, s4;
	[dreg:$0xd] =	wrdreg s21  }
0x10: {  	s8 =	sshll.u32 s1, $0x10;
	s5 =	sadd.s32 $0x246000, s3;
	[dreg:$0xe] =	wrdreg s22  }
0x11: {  	s30 =	ssub.s32 $0x2, s1;
	s10 =	sadd.s32 $0x246200, s3;
	[dreg:$0xf] =	wrdreg s23  }
0x12: {  	s11 =	sadd.s32 $0x246300, s3;
	s13 =	sadd.s32 $0x246500, s3;
	[dreg:$0x10] =	wrdreg s24  }
0x13: {  	s14 =	sadd.s32 $0x246600, s3;
	s26 =	sshll.u32 s16, $0x5;
	[dreg:$0x11] =	wrdreg s25  }
0x14: {  	s29 =	sshll.u32 s1, $0x4;
	s17 =	simm.s32 $0x14900;
	s18 =	simm.s32 $0x15100  }
0x15: {  	s19 =	sshll.u32 s16, $0xB;
	s20 =	simm.s32 $0x15900;
	s1 =	sshll.u32 s1, $0xA  }
0x16: {  	s21 =	simm.s32 $0x16100;
	s22 =	simm.s32 $0x16900;
	[dreg:$0x16] =	wrdreg s17  }
0x17: {  	s23 =	simm.s32 $0x17100;
	s24 =	simm.s32 $0x17900;
	[dreg:$0x17] =	wrdreg s18  }
0x18: {  	s16 =	simm.s32 $0x7900;
	s28 =	sshll.u32 s0, $0x5;
	[dreg:$0x18] =	wrdreg s20  }
0x19: {  	s6 =	sadd.s32 s8, s6;
	s9 =	sshrl.u32 s30, $0x1;
	[dreg:$0x19] =	wrdreg s21  }
0x1a: {  	s12 =	sshll.u32 s0, $0x8;
	s15 =	sshll.u32 s0, $0x10;
	[dreg:$0x1a] =	wrdreg s22  }
0x1b: {  	s1 =	sor.u32 s1, s19;
	p0 =	seq.s32 s0, $0x0;
	[dreg:$0x1b] =	wrdreg s23  }
0x1c: {  	[dreg:$0x1c] =	wrdreg s24;
	p1 =	sne.s32 s0, $0x0;
	s19 =	simm.s32 $0x4  }
0x1d: {  	s21 =	simm.s32 $0x4900;
	s17 =	simm.s32 $0x2900;
	[dreg:$0x3] =	wrdreg s6  }
0x1e: {  	s22 =	simm.s32 $0xA900;
	[smem:$0x7F5] =	sst s12;
	s4 =	sadd.s32 s4, s15  }
0x1f: {  	s7 =	sadd.s32 s28, s3;
	s28 =	simm.s32 $0x12100;
	[smem:$0x7F7] =	sst s4  }
0x20: {  	s8 =	ssub.s32 s30, s9;
	s30 =	simm.s32 $0x13100;
	[dreg:$0x12] =	wrdreg s28  }
0x21: {  	s18 =	simm.s32 $0x1;
	s25 =	sshrl.u32 s1, $0x2;
	[dreg:$0x13] =	wrdreg s30  }
0x22: {  	s20 =	simm.s32 $0x12900;
	s7 =	sadd.s32 $0x486000, s7;
	[smem:$0x7FD] =	sst s25  }
0x23: {  	s23 =	simm.s32 $0x2;
	s31 =	smax.u32 s8, $0x1;
	[smem:$0x7F6] =	sst s7  }
0x24: {  	s24 =	simm.s32 $0x3;
	s8 =	simm.s32 $0x14100;
	[smem:$0x7F8] =	sst s31  }
0x25: {  	s4 =	sor.u32 s26, s29;
	s26 =	simm.s32 $0x18100;
	[dreg:$0x15] =	wrdreg s8  }
0x26: {  	s9 =	sadd.s32 $0x246100, s3;
	s28 =	simm.s32 $0x18900;
	[dreg:$0x1d] =	wrdreg s26  }
0x27: {  	s12 =	sadd.s32 $0x246400, s3;
	s29 =	simm.s32 $0x19100;
	[dreg:$0x1e] =	wrdreg s28  }
0x28: {  	s15 =	sadd.s32 $0x246700, s3;
	s30 =	simm.s32 $0x19900;
	[dreg:$0x1f] =	wrdreg s29  }
0x29: {  	s1 =	simm.s32 $0x2900;
	s7 =	simm.s32 $0x13900;
	[smem:$0x7FB] =	sst s30  }
0x2a: {  	s3 =	simm.s32 $0x0;
	s6 =	smax.u32 s4, $0x1;
	[dreg:$0x14] =	wrdreg s7  }
0x2b: {  	v3 =	vlaneseq.u32;
	v0 =	vimm.s32 $0x0;
	s4 =	ssub.s32 $0x200, s4;
	s31 =	simm.s32 $0x1A100;
	[smem:$0x7F9] =	sst s6  }
0x2c: {  	vm0 =	vmmov $0xffff;
	v2 =	vshrl.u32 v3, $0x3;
	v1 =	vand.u32 $0x7, v3;
	s8 =	simm.s32 $0x7100;
	[smem:$0x7FA] =	sst s4;
	s4 =	simm.s32 $0x7  }
0x2d: {  	v3 =	vor.u32 $0x8, v3;
	v2 =	vmul.u32 $0x8, v2;
	v4 =	vmov s25;
	[smem:$0x7FC] =	sst s31;
	s6 =	simm.s32 $0x6100;
	s7 =	simm.s32 $0x6900  }
.LBB2_1:
0x2e: {  	s0 =	sld [smem:$0x7F3];
	_ =	sdelay $0x1  }
.Ltmp0:
0x2f: {  	_ = 	snop;
	(pc) =	sbr.rel @p0 .LBB2_5-.Ltmp0, $4  }
0x30: {  	[tilespmem:s2], [sflag:$0x7] =	stream.linear.gather [hbm4b:s0+s2], $0x2000, $0x38;
	[tilespmem:$0x1A980] =	vst v63  }
0x31: {  	_ =	swait.ge [sflag:s4], $0x2000  }
0x32: {  	[sflag:s4] =	ssyncset.done $0x0  }
0x33: {  	v5 =	vimm.s32 $0x0;
	v6 =	vimm.s32 $0x0;
	[sflag:s4] =	ssyncadd.s32 $0xFFFFE000  }
0x34: {  	s0 =	sld [smem:$0x7F9];
	_ =	sdelay $0x2  }
0x35: {  	v5 =	vld [tilespmem:s2+$0x0];
	p2 =	sne.s32 s0, $0x1  }
.Ltmp1:
0x36: {  	_ = 	snop;
	(pc) =	sbr.rel @!p2 .LBB2_4-.Ltmp1, $3  }
0x37: {  	_ =	sdelay $0x1  }
0x38: {  	v6 =	vimm.s32 $0x0  }
0x39: {  	s26 =	sadd.s32 $0x10, s2;
	s25 =	sadd.s32 $0xFFFFFFFF, s0;
	vm1 =	veq.s32 v5, $0x0;
	vm2 =	veq.s32 v5, $0x1;
	v5 =	vimm.s32 $0x0  }
.LBB2_3:
0x3a: {  	v7 =	vld [tilespmem:s26+$0x0];
	p2 =	sne.s32 s25, $0x1;
	s25 =	sadd.s32 $0xFFFFFFFF, s25;
	v8 =	vsel vm1, $0x1, v0;
	v9 =	vsel vm2, $0x1, v0  }
.Ltmp2:
0x3b: {  	v5 =	vadd.s32 v8, v5;
	v6 =	vadd.s32 v9, v6;
	(pc) =	sbr.rel @p2 .LBB2_3-.Ltmp2, $2  }
0x3c: {  	_ =	sdelay $0x2  }
0x3d: {  	s26 =	sadd.s32 $0x10, s26;
	vm1 =	veq.s32 v7, $0x0;
	vm2 =	veq.s32 v7, $0x1  }
.LBB2_4:
0x3e: {  	v7 =	vsel vm1, $0x1, v0;
	v8 =	vsel vm2, $0x1, v0  }
0x3f: {  	v5 =	vadd.s32 v7, v5;
	v6 =	vadd.s32 v8, v6  }
.LBB2_5:
0x40: {  	(xrf0) =	vadd.scan.msk.s32 $0xffff, v5  }
0x41: {  	(xrf0) =	vadd.scan.msk.s32 $0xffff, v6;
	_ =	sdelay $0x4  }
0x42: {  	v7, _, _ =	vpop (xrf0)  }
0x43: {  	(v2sf) =	vpush v7, $0xF;
	v7, _, _ =	vpop (xrf0)  }
0x44: {  	(v2sf) =	vpush v7, $0xF;
	_ =	sdelay $0x5  }
0x45: {  	s29 =	sld [smem:$0x7FD]  }
0x46: {  	s0 =	sld [smem:$0x7FA];
	_ =	sdelay $0x2  }
0x47: {  	p2 =	sne.s32 s0, $0x1;
	v7 =	vld [tilespmem:s29+$0x0]  }
.Ltmp3:
0x48: {  	_ = 	snop;
	(pc) =	sbr.rel @!p2 .LBB2_7-.Ltmp3, $3  }
0x49: {  	_ =	sdelay $0x1  }
0x4a: {  	s25 =	spop (v2sf)  }
0x4b: {  	s28 =	sadd.s32 $0xFFFFFFFF, s0;
	s29 =	sadd.s32 $0x10, s29;
	vm1 =	veq.s32 v7, $0x0;
	vm2 =	veq.s32 v7, $0x1;
	s26 =	spop (v2sf)  }
.LBB2_6:
0x4c: {  	v7 =	vld [tilespmem:s29+$0x0];
	p2 =	sne.s32 s28, $0x1;
	s28 =	sadd.s32 $0xFFFFFFFF, s28;
	v8 =	vsel vm1, $0x1, v0;
	v9 =	vsel vm2, $0x1, v0  }
.Ltmp4:
0x4d: {  	v5 =	vadd.s32 v8, v5;
	v6 =	vadd.s32 v9, v6;
	(pc) =	sbr.rel @p2 .LBB2_6-.Ltmp4, $2  }
0x4e: {  	_ =	sdelay $0x2  }
0x4f: {  	s29 =	sadd.s32 $0x10, s29;
	vm1 =	veq.s32 v7, $0x0;
	vm2 =	veq.s32 v7, $0x1  }
.LBB2_7:
0x50: {  	v7 =	vsel vm1, $0x1, v0  }
0x51: {  	v8 =	vsel vm2, $0x1, v0;
	v5 =	vadd.s32 v7, v5  }
0x52: {  	v6 =	vadd.s32 v8, v6;
	(xrf0) =	vadd.scan.msk.s32 $0xffff, v5  }
0x53: {  	(xrf0) =	vadd.scan.msk.s32 $0xffff, v6;
	_ =	sdelay $0x4  }
0x54: {  	v5, _, _ =	vpop (xrf0)  }
0x55: {  	(v2sf) =	vpush v5, $0xF;
	v5, _, _ =	vpop (xrf0)  }
0x56: {  	(v2sf) =	vpush v5, $0xF;
	_ =	sdelay $0xd  }
0x57: {  	s28 =	spop (v2sf)  }
0x58: {  	v5 =	vlaneseq.u32 @!p1;
	s29 =	spop (v2sf)  }
0x59: {  	v5 =	vmul.u32 @!p1 $0x100, v5;
	s28 =	sadd.s32 $0xFF, s28;
	s29 =	sadd.s32 $0xFF, s29  }
0x5a: {  	s28 =	sand.u32 $0xFFFFFF00, s28;
	s29 =	sand.u32 $0xFFFFFF00, s29  }
0x5b: {  	v9 =	vimm.s32 @!p1 $0x0;
	v7 =	vor.u32 @!p1 $0x1, v5;
	s29 =	sadd.s32 s28, s29  }
0x5c: {  	v11 =	vor.u32 @!p1 $0x1001, v5;
	v6 =	vmov @!p1 s28;
	v8 =	vmov @!p1 s29  }
0x5d: {  	v5 =	vor.u32 @!p1 $0x2001, v5;
	vm1 =	vlt.s32 @!p1 v6, v7;
	vm2 =	vlt.s32 @!p1 v8, v7  }
0x5e: {  	v7 =	vsel @!p1 vm1, $0x1, v9;
	vm1 =	vlt.s32 @!p1 v6, v11;
	v10 =	vsel @!p1 vm2, $0x1, v9  }
0x5f: {  	vm2 =	vlt.s32 @!p1 v8, v11;
	v7 =	vadd.s32 @!p1 v7, v10;
	v10 =	vsel @!p1 vm1, $0x1, v9  }
0x60: {  	vm1 =	vlt.s32 @!p1 v6, v5;
	v6 =	vsel @!p1 vm2, $0x1, v9;
	vm2 =	vlt.s32 @!p1 v8, v5  }
0x61: {  	s0 =	sld [smem:$0x7F4];
	[tilespmem:$0x1A900] =	vst @!p1 v7;
	v5 =	vadd.s32 @!p1 v10, v6;
	v6 =	vsel @!p1 vm1, $0x1, v9;
	v7 =	vsel @!p1 vm2, $0x1, v9  }
0x62: {  	[tilespmem:$0x1A910] =	vst @!p1 v5;
	v5 =	vadd.s32 @!p1 v6, v7  }
0x63: {  	s30 =	simm.s32 @!p1 $0x0;
	s31 =	simm.s32 @!p1 $0x1A900;
	[tilespmem:$0x1A920] =	vst @!p1 v5  }
0x64: {  	[hbm4b:s0+s30] =	stream.linear.scatter @!p1 [tilespmem:s31], [sflag:$0x7], $0x80, $0x38;
	[tilespmem:$0x1A980] =	vst v63  }
0x65: {  	[smem:$0x7F2] =	sst s3;
	s30 =	simm.s32 @!p1 $0x7  }
0x66: {  	_ =	swait.ge @!p1 [sflag:s30], $0x80  }
0x67: {  	[sflag:s30] =	ssyncset.done @!p1 $0x0  }
0x68: {  	[sflag:s30] =	ssyncadd.s32 @!p1 $0xFFFFFF80;
	s30 =	simm.s32 $0x0  }
0x69: {  	v5 =	vld.idx.msk [tilespmem:v4+s30+$0x0 ss:$0x1], $0xffff;
	_ =	sdelay $0x4  }
0x6a: {  	vm1 =	vne.s32 v5, $0x0;
	vm2 =	veq.s32 v5, $0x1  }
0x6b: {  	v6 =	vsel vm2, $0x1, v0;
	v7 =	vsel vm1, $0x1, v0  }
0x6c: {  	vm1 =	veq.s32 v5, $0x0;
	v5 =	vsub.s32 v7, v6;
	(xrf0) =	vadd.scan.msk.s32 $0xffff, v6  }
0x6d: {  	v6 =	vsel vm1, $0x1, v0;
	(xrf0) =	vadd.scan.msk.s32 $0xffff, v5  }
0x6e: {  	(xrf0) =	vadd.scan.msk.s32 $0xffff, v6;
	_ =	sdelay $0x1  }
0x6f: {  	s4 =	sld [smem:$0x7F5];
	_ =	sdelay $0x1  }
0x70: {  	s30 =	sadd.s32 s26, s25;
	v5, _, _ =	vpop (xrf0)  }
0x71: {  	s30 =	ssub.s32 s4, s30;
	v6, _, _ =	vpop (xrf0);
	(v2sf) =	vpush v5, $0xF  }
0x72: {  	s28 =	sadd.s32 s26, s28;
	s29 =	sadd.s32 s29, s30;
	v62, _, _ =	vpop (xrf0);
	(v2sf) =	vpush v6, $0xF  }
0x73: {  	v7 =	vadd.s32 s28, v5;
	v61 =	vadd.s32 s29, v6;
	(v2sf) =	vpush v62, $0xF  }
0x74: {  	v7 =	vsel vm2, v7, v61;
	v63 =	vadd.s32 s25, v62  }
0x75: {  	v7 =	vsel vm1, v63, v7  }
0x76: {  	s26 =	simm.s32 $0x2000;
	v7 =	vadd.s32 $0xFFFFFFFF, v7  }
0x77: {  	s30 =	simm.s32 $0x10;
	[tilespmem:s26+$0x0] =	vst v7  }
0x78: {  	v7 =	vld.idx.msk [tilespmem:v4+s30+$0x0 ss:$0x1], $0xffff;
	_ =	sdelay $0x4  }
0x79: {  	vm2 =	vne.s32 v7, $0x0;
	vm1 =	veq.s32 v7, $0x1  }
0x7a: {  	v6 =	vsel vm1, $0x1, v0;
	v5 =	vsel vm2, $0x1, v0  }
0x7b: {  	s31 =	simm.s32 $0xC0;
	s30 =	simm.s32 $0x80;
	vm2 =	veq.s32 v7, $0x0;
	v5 =	vsub.s32 v5, v6;
	(xrf0) =	vadd.scan.msk.s32 $0xffff, v6  }
.LBB2_8:
0x7c: {  	p2 =	sne.s32 s31, $0x3C0;
	v6 =	vsel vm2, $0x1, v0;
	(xrf0) =	vadd.scan.msk.s32 $0xffff, v5;
	s0 =	spop (v2sf)  }
0x7d: {  	(xrf0) =	vadd.scan.msk.s32 $0xffff, v6;
	s28 =	sadd.s32 s28, s0;
	s0 =	spop (v2sf)  }
0x7e: {  	s29 =	sadd.s32 s29, s0;
	s0 =	spop (v2sf)  }
0x7f: {  	s25 =	sadd.s32 s25, s0;
	_ =	sdelay $0x1  }
0x80: {  	v5, _, _ =	vpop (xrf0)  }
0x81: {  	v6, _, _ =	vpop (xrf0);
	(v2sf) =	vpush v5, $0xF  }
0x82: {  	v5 =	vadd.s32 s28, v5;
	v7 =	vadd.s32 s29, v6;
	v8, _, _ =	vpop (xrf0);
	(v2sf) =	vpush v6, $0xF  }
0x83: {  	v6 =	vadd.s32 s25, v8;
	v5 =	vsel vm1, v5, v7;
	(v2sf) =	vpush v8, $0xF  }
0x84: {  	v5 =	vsel vm2, v6, v5  }
0x85: {  	s26 =	sadd.s32 $0x80, s26;
	v5 =	vadd.s32 $0xFFFFFFFF, v5  }
0x86: {  	s0 =	sshra.s32 s30, $0x2;
	s30 =	smov.u32 s31;
	[tilespmem:s26+$0x0] =	vst v5  }
0x87: {  	v5 =	vld.idx.msk [tilespmem:v4+s0+$0x0 ss:$0x1], $0xffff;
	_ =	sdelay $0x3  }
.Ltmp5:
0x88: {  	(pc) =	sbr.rel @p2 .LBB2_8-.Ltmp5, $4  }
0x89: {  	_ = 	snop  }
0x8a: {  	vm2 =	vne.s32 v5, $0x0;
	vm1 =	veq.s32 v5, $0x1  }
0x8b: {  	v6 =	vsel vm1, $0x1, v0;
	v7 =	vsel vm2, $0x1, v0  }
0x8c: {  	s31 =	sadd.s32 $0x40, s31;
	vm2 =	veq.s32 v5, $0x0;
	v5 =	vsub.s32 v7, v6;
	(xrf0) =	vadd.scan.msk.s32 $0xffff, v6  }
0x8d: {  	v6 =	vsel vm2, $0x1, v0;
	(xrf0) =	vadd.scan.msk.s32 $0xffff, v5  }
0x8e: {  	(xrf0) =	vadd.scan.msk.s32 $0xffff, v6;
	_ =	sdelay $0x2  }
0x8f: {  	s0 =	spop (v2sf)  }
0x90: {  	s31 =	spop (v2sf);
	v5, _, _ =	vpop (xrf0)  }
0x91: {  	s0 =	sadd.s32 s28, s0;
	s28 =	sadd.s32 s29, s31;
	s3 =	spop (v2sf);
	v6, _, _ =	vpop (xrf0)  }
0x92: {  	s25 =	sadd.s32 s25, s3;
	v7 =	vadd.s32 s0, v5;
	v8 =	vadd.s32 s28, v6;
	v9, _, _ =	vpop (xrf0)  }
0x93: {  	v7 =	vsel vm1, v7, v8;
	v55 =	vadd.s32 s25, v9  }
0x94: {  	(v2sf) =	vpush v5, $0xF;
	v5 =	vsel vm2, v55, v7  }
0x95: {  	s26 =	sadd.s32 $0x80, s26;
	(v2sf) =	vpush v6, $0xF;
	v5 =	vadd.s32 $0xFFFFFFFF, v5  }
0x96: {  	s4 =	sshra.s32 s30, $0x2;
	(v2sf) =	vpush v9, $0xF;
	[tilespmem:s26+$0x0] =	vst v5  }
0x97: {  	v5 =	vld.idx.msk [tilespmem:v4+s4+$0x0 ss:$0x1], $0xffff;
	_ =	sdelay $0x4  }
0x98: {  	vm1 =	vne.s32 v5, $0x0;
	vm2 =	veq.s32 v5, $0x1  }
0x99: {  	v6 =	vsel vm2, $0x1, v0;
	v7 =	vsel vm1, $0x1, v0  }
0x9a: {  	vm1 =	veq.s32 v5, $0x0;
	v5 =	vsub.s32 v7, v6;
	(xrf0) =	vadd.scan.msk.s32 $0xffff, v6  }
0x9b: {  	v6 =	vsel vm1, $0x1, v0;
	(xrf0) =	vadd.scan.msk.s32 $0xffff, v5  }
0x9c: {  	(xrf0) =	vadd.scan.msk.s32 $0xffff, v6;
	_ =	sdelay $0x2  }
0x9d: {  	s3 =	spop (v2sf)  }
0x9e: {  	s30 =	spop (v2sf);
	v5, _, _ =	vpop (xrf0)  }
0x9f: {  	s0 =	sadd.s32 s0, s3;
	s28 =	sadd.s32 s28, s30;
	s4 =	spop (v2sf);
	v6, _, _ =	vpop (xrf0)  }
0xa0: {  	s25 =	sadd.s32 s25, s4;
	v7 =	vadd.s32 s0, v5;
	v56 =	vadd.s32 s28, v6;
	v57, _, _ =	vpop (xrf0)  }
0xa1: {  	v7 =	vsel vm2, v7, v56;
	v58 =	vadd.s32 s25, v57  }
0xa2: {  	v7 =	vsel vm1, v58, v7  }
0xa3: {  	s26 =	sadd.s32 $0x80, s26;
	v7 =	vadd.s32 $0xFFFFFFFF, v7  }
0xa4: {  	[tilespmem:s26+$0x0] =	vst v7  }
0xa5: {  	v7 =	vld [tilespmem:$0x2000]  }
0xa6: {  	v59 =	vld [tilespmem:$0x2080]  }
0xa7: {  	v10 =	vld [tilespmem:$0x2100]  }
0xa8: {  	(v2sf) =	vpush v5, $0xF;
	v5 =	vld [tilespmem:$0x2180]  }
0xa9: {  	(v2sf) =	vpush v6, $0xF;
	v6 =	vld [tilespmem:$0x2200]  }
0xaa: {  	(v2sf) =	vpush v57, $0xF;
	[tilespmem:$0x2800] =	vst v7;
	v7 =	vld [tilespmem:$0x2280]  }
0xab: {  	v60 =	vld [tilespmem:$0x2300];
	[tilespmem:$0x2810] =	vst v59  }
0xac: {  	v61 =	vld [tilespmem:$0x2380];
	[tilespmem:$0x2820] =	vst v10  }
0xad: {  	[tilespmem:$0x2830] =	vst v5;
	v5 =	vld [tilespmem:$0x2400]  }
0xae: {  	[tilespmem:$0x2840] =	vst v6;
	v6 =	vld [tilespmem:$0x2480]  }
0xaf: {  	[tilespmem:$0x2850] =	vst v7;
	v7 =	vld [tilespmem:$0x2500]  }
0xb0: {  	v62 =	vld [tilespmem:$0x2580];
	[tilespmem:$0x2860] =	vst v60  }
0xb1: {  	v63 =	vld [tilespmem:$0x2600];
	[tilespmem:$0x2870] =	vst v61  }
0xb2: {  	[tilespmem:$0x2880] =	vst v5;
	v5 =	vld [tilespmem:$0x2680]  }
0xb3: {  	[tilespmem:$0x2890] =	vst v6;
	v6 =	vld [tilespmem:$0x2700]  }
0xb4: {  	[tilespmem:$0x28A0] =	vst v7;
	v7 =	vld [tilespmem:$0x2780]  }
0xb5: {  	[tilespmem:$0x28B0] =	vst v62  }
0xb6: {  	[tilespmem:$0x28C0] =	vst v63  }
0xb7: {  	s0 =	sld [smem:$0x7F6];
	s28 =	spop (v2sf);
	[tilespmem:$0x28D0] =	vst v5  }
0xb8: {  	s4 =	simm.s32 $0x2800;
	s29 =	spop (v2sf);
	[tilespmem:$0x28E0] =	vst v6  }
0xb9: {  	s25 =	simm.s32 $0x0;
	s28 =	simm.s32 $0x7;
	s3 =	spop (v2sf);
	[tilespmem:$0x28F0] =	vst v7  }
0xba: {  	[hbm4b:s0+s25] =	stream.linear.scatter [tilespmem:s4], [sflag:$0x7], $0x100, $0x38;
	[tilespmem:$0x1A980] =	vst v63  }
0xbb: {  	_ =	swait.ge [sflag:s28], $0x100  }
0xbc: {  	s29 =	sld [smem:$0x7F7]  }
0xbd: {  	s31 =	simm.s32 $0x3100;
	[sflag:s28] =	ssyncset.done $0x0  }
0xbe: {  	s30 =	simm.s32 $0x3900;
	s26 =	simm.s32 $0x2080;
	[sflag:s28] =	ssyncadd.s32 $0xFFFFFF00  }
0xbf: {  	[tilespmem:s1], [sflag:$0x1] =	stream.linear.gather [hbm4b:s29+s25], $0x8000, $0x38;
	[tilespmem:$0x1A980] =	vst v63  }
0xc0: {  	s3 =	simm.s32 $0x5100;
	s4 =	simm.s32 $0x5900;
	s1 =	simm.s32 $0x4100  }
.LBB2_10:
0xc1: {  	p2 =	seq.s32 s25, $0x0  }
0xc2: {  	s0 =	simm.s32 @!p2 $0x5  }
0xc3: {  	_ =	swait.ge @!p2 [sflag:s0], $0x8000  }
0xc4: {  	s28 =	rddreg [dreg:$0x3]  }
0xc5: {  	[sflag:s0] =	ssyncset.done @!p2 $0x0;
	s28 =	sadd.s32 s25, s28  }
0xc6: {  	[sflag:s0] =	ssyncadd.s32 @!p2 $0xFFFF8000;
	s29 =	sadd.s32 $0x1000, s28  }
0xc7: {  	[tilespmem:s22], [sflag:$0x2] =	stream.linear.gather [hbm4b:s29+s2], $0x8000, $0x38;
	[tilespmem:$0x1A980] =	vst v63  }
0xc8: {  	_ =	swait.ge [sflag:s18], $0x8000  }
0xc9: {  	[sflag:s18] =	ssyncset.done $0x0  }
0xca: {  	[sflag:s18] =	ssyncadd.s32 $0xFFFF8000  }
0xcb: {  	v5 =	vld [tilespmem:s26+$0xFFFFFF80];
	_ =	sdelay $0x4  }
0xcc: {  	v6 =	vshll.u32 v5, $0x4  }
0xcd: {  	v5 =	vand.u32 $0x7, v5;
	v6 =	vand.u32 $0xFFFFFF80, v6  }
0xce: {  	v5 =	vor.u32 v5, v6  }
0xcf: {  	v6 =	vperm.xlane v5, v1;
	_ =	sdelay $0x1  }
0xd0: {  	v6 =	vadd.s32 v2, v6;
	_ =	sdelay $0x4  }
0xd1: {  	[hbm4b:s5+s2] =	stream.indirect_vreg.scatter [tilespmem:s17], [sflag:$0x4], $0x80, v6, vm0, $0xb8;
	[tilespmem:$0x1A980] =	vst v63  }
0xd2: {  	_ = 	snop  }
0xd3: {  	[hbm4b:s9+s2] =	stream.indirect_vreg.scatter [tilespmem:s31], [sflag:$0x4], $0x80, v6, vm0, $0xb8;
	[tilespmem:$0x1A980] =	vst v63  }
0xd4: {  	_ = 	snop  }
0xd5: {  	[hbm4b:s10+s2] =	stream.indirect_vreg.scatter [tilespmem:s30], [sflag:$0x4], $0x80, v6, vm0, $0xb8;
	[tilespmem:$0x1A980] =	vst v63  }
0xd6: {  	_ = 	snop  }
0xd7: {  	[hbm4b:s11+s2] =	stream.indirect_vreg.scatter [tilespmem:s1], [sflag:$0x4], $0x80, v6, vm0, $0xb8;
	[tilespmem:$0x1A980] =	vst v63  }
0xd8: {  	_ = 	snop  }
0xd9: {  	[hbm4b:s12+s2] =	stream.indirect_vreg.scatter [tilespmem:s21], [sflag:$0x4], $0x80, v6, vm0, $0xb8;
	[tilespmem:$0x1A980] =	vst v63  }
0xda: {  	v5 =	vperm.xlane v5, v3  }
0xdb: {  	[hbm4b:s13+s2] =	stream.indirect_vreg.scatter [tilespmem:s3], [sflag:$0x4], $0x80, v6, vm0, $0xb8;
	[tilespmem:$0x1A980] =	vst v63  }
0xdc: {  	v5 =	vadd.s32 v2, v5  }
0xdd: {  	[hbm4b:s14+s2] =	stream.indirect_vreg.scatter [tilespmem:s4], [sflag:$0x4], $0x80, v6, vm0, $0xb8;
	[tilespmem:$0x1A980] =	vst v63  }
0xde: {  	_ = 	snop  }
0xdf: {  	[hbm4b:s15+s2] =	stream.indirect_vreg.scatter [tilespmem:s6], [sflag:$0x4], $0x80, v6, vm0, $0xb8;
	[tilespmem:$0x1A980] =	vst v63  }
0xe0: {  	_ = 	snop  }
0xe1: {  	[hbm4b:s5+s2] =	stream.indirect_vreg.scatter [tilespmem:s7], [sflag:$0x4], $0x80, v5, vm0, $0xb8;
	[tilespmem:$0x1A980] =	vst v63  }
0xe2: {  	_ = 	snop  }
0xe3: {  	[hbm4b:s9+s2] =	stream.indirect_vreg.scatter [tilespmem:s8], [sflag:$0x4], $0x80, v5, vm0, $0xb8;
	[tilespmem:$0x1A980] =	vst v63  }
0xe4: {  	_ = 	snop  }
0xe5: {  	[hbm4b:s10+s2] =	stream.indirect_vreg.scatter [tilespmem:s16], [sflag:$0x4], $0x80, v5, vm0, $0xb8;
	[tilespmem:$0x1A980] =	vst v63  }
0xe6: {  	s29 =	simm.s32 $0x8100  }
0xe7: {  	[hbm4b:s11+s2] =	stream.indirect_vreg.scatter [tilespmem:s29], [sflag:$0x4], $0x80, v5, vm0, $0xb8;
	[tilespmem:$0x1A980] =	vst v63  }
0xe8: {  	s29 =	simm.s32 $0x8900  }
0xe9: {  	[hbm4b:s12+s2] =	stream.indirect_vreg.scatter [tilespmem:s29], [sflag:$0x4], $0x80, v5, vm0, $0xb8;
	[tilespmem:$0x1A980] =	vst v63  }
0xea: {  	s29 =	simm.s32 $0x9100  }
0xeb: {  	[hbm4b:s13+s2] =	stream.indirect_vreg.scatter [tilespmem:s29], [sflag:$0x4], $0x80, v5, vm0, $0xb8;
	[tilespmem:$0x1A980] =	vst v63  }
0xec: {  	s29 =	simm.s32 $0x9900  }
0xed: {  	[hbm4b:s14+s2] =	stream.indirect_vreg.scatter [tilespmem:s29], [sflag:$0x4], $0x80, v5, vm0, $0xb8;
	[tilespmem:$0x1A980] =	vst v63  }
0xee: {  	s0 =	simm.s32 @!p2 $0x6;
	s29 =	simm.s32 $0xA100  }
0xef: {  	[hbm4b:s15+s2] =	stream.indirect_vreg.scatter [tilespmem:s29], [sflag:$0x4], $0x80, v5, vm0, $0xb8;
	[tilespmem:$0x1A980] =	vst v63  }
0xf0: {  	_ =	swait.ge @!p2 [sflag:s0], $0x8000  }
0xf1: {  	[sflag:s0] =	ssyncset.done @!p2 $0x0  }
0xf2: {  	s29 =	sadd.s32 $0x2000, s28;
	[sflag:s0] =	ssyncadd.s32 @!p2 $0xFFFF8000  }
0xf3: {  	[tilespmem:s20], [sflag:$0x3] =	stream.linear.gather [hbm4b:s29+s2], $0x8000, $0x38;
	[tilespmem:$0x1A980] =	vst v63  }
0xf4: {  	_ =	swait.ge [sflag:s23], $0x8000  }
0xf5: {  	[sflag:s23] =	ssyncset.done $0x0  }
0xf6: {  	[sflag:s23] =	ssyncadd.s32 $0xFFFF8000  }
0xf7: {  	v5 =	vld [tilespmem:s26+$0x0];
	_ =	sdelay $0x4  }
0xf8: {  	v6 =	vshll.u32 v5, $0x4  }
0xf9: {  	v5 =	vand.u32 $0x7, v5;
	v6 =	vand.u32 $0xFFFFFF80, v6  }
0xfa: {  	v5 =	vor.u32 v5, v6  }
0xfb: {  	v6 =	vperm.xlane v5, v1;
	_ =	sdelay $0x1  }
0xfc: {  	v6 =	vadd.s32 v2, v6;
	_ =	sdelay $0x4  }
0xfd: {  	[hbm4b:s5+s2] =	stream.indirect_vreg.scatter [tilespmem:s22], [sflag:$0x5], $0x80, v6, vm0, $0xb8;
	[tilespmem:$0x1A980] =	vst v63  }
0xfe: {  	s0 =	rddreg [dreg:$0x4]  }
0xff: {  	[hbm4b:s9+s2] =	stream.indirect_vreg.scatter [tilespmem:s0], [sflag:$0x5], $0x80, v6, vm0, $0xb8;
	[tilespmem:$0x1A980] =	vst v63  }
0x100: {  	s29 =	rddreg [dreg:$0x5]  }
0x101: {  	[hbm4b:s10+s2] =	stream.indirect_vreg.scatter [tilespmem:s29], [sflag:$0x5], $0x80, v6, vm0, $0xb8;
	[tilespmem:$0x1A980] =	vst v63  }
0x102: {  	s0 =	rddreg [dreg:$0x6]  }
0x103: {  	[hbm4b:s11+s2] =	stream.indirect_vreg.scatter [tilespmem:s0], [sflag:$0x5], $0x80, v6, vm0, $0xb8;
	[tilespmem:$0x1A980] =	vst v63  }
0x104: {  	s29 =	rddreg [dreg:$0x7]  }
0x105: {  	[hbm4b:s12+s2] =	stream.indirect_vreg.scatter [tilespmem:s29], [sflag:$0x5], $0x80, v6, vm0, $0xb8;
	[tilespmem:$0x1A980] =	vst v63  }
0x106: {  	v5 =	vperm.xlane v5, v3;
	s0 =	rddreg [dreg:$0x8]  }
0x107: {  	[hbm4b:s13+s2] =	stream.indirect_vreg.scatter [tilespmem:s0], [sflag:$0x5], $0x80, v6, vm0, $0xb8;
	[tilespmem:$0x1A980] =	vst v63  }
0x108: {  	v5 =	vadd.s32 v2, v5;
	s29 =	rddreg [dreg:$0x9]  }
0x109: {  	[hbm4b:s14+s2] =	stream.indirect_vreg.scatter [tilespmem:s29], [sflag:$0x5], $0x80, v6, vm0, $0xb8;
	[tilespmem:$0x1A980] =	vst v63  }
0x10a: {  	s0 =	rddreg [dreg:$0xa]  }
0x10b: {  	[hbm4b:s15+s2] =	stream.indirect_vreg.scatter [tilespmem:s0], [sflag:$0x5], $0x80, v6, vm0, $0xb8;
	[tilespmem:$0x1A980] =	vst v63  }
0x10c: {  	s29 =	rddreg [dreg:$0xb]  }
0x10d: {  	[hbm4b:s5+s2] =	stream.indirect_vreg.scatter [tilespmem:s29], [sflag:$0x5], $0x80, v5, vm0, $0xb8;
	[tilespmem:$0x1A980] =	vst v63  }
0x10e: {  	s0 =	rddreg [dreg:$0xc]  }
0x10f: {  	[hbm4b:s9+s2] =	stream.indirect_vreg.scatter [tilespmem:s0], [sflag:$0x5], $0x80, v5, vm0, $0xb8;
	[tilespmem:$0x1A980] =	vst v63  }
0x110: {  	s29 =	rddreg [dreg:$0xd]  }
0x111: {  	[hbm4b:s10+s2] =	stream.indirect_vreg.scatter [tilespmem:s29], [sflag:$0x5], $0x80, v5, vm0, $0xb8;
	[tilespmem:$0x1A980] =	vst v63  }
0x112: {  	s0 =	rddreg [dreg:$0xe]  }
0x113: {  	[hbm4b:s11+s2] =	stream.indirect_vreg.scatter [tilespmem:s0], [sflag:$0x5], $0x80, v5, vm0, $0xb8;
	[tilespmem:$0x1A980] =	vst v63  }
0x114: {  	s29 =	rddreg [dreg:$0xf]  }
0x115: {  	[hbm4b:s12+s2] =	stream.indirect_vreg.scatter [tilespmem:s29], [sflag:$0x5], $0x80, v5, vm0, $0xb8;
	[tilespmem:$0x1A980] =	vst v63  }
0x116: {  	s0 =	rddreg [dreg:$0x10]  }
0x117: {  	[hbm4b:s13+s2] =	stream.indirect_vreg.scatter [tilespmem:s0], [sflag:$0x5], $0x80, v5, vm0, $0xb8;
	[tilespmem:$0x1A980] =	vst v63  }
0x118: {  	s29 =	rddreg [dreg:$0x11]  }
0x119: {  	[hbm4b:s14+s2] =	stream.indirect_vreg.scatter [tilespmem:s29], [sflag:$0x5], $0x80, v5, vm0, $0xb8;
	[tilespmem:$0x1A980] =	vst v63  }
0x11a: {  	s0 =	rddreg [dreg:$0x12]  }
0x11b: {  	[hbm4b:s15+s2] =	stream.indirect_vreg.scatter [tilespmem:s0], [sflag:$0x5], $0x80, v5, vm0, $0xb8;
	[tilespmem:$0x1A980] =	vst v63  }
0x11c: {  	_ =	swait.ge [sflag:s19], $0x8000  }
0x11d: {  	[sflag:s19] =	ssyncset.done $0x0  }
0x11e: {  	s28 =	sadd.s32 $0x3000, s28;
	[sflag:s19] =	ssyncadd.s32 $0xFFFF8000  }
0x11f: {  	[tilespmem:s17], [sflag:$0x1] =	stream.linear.gather [hbm4b:s28+s2], $0x8000, $0x38;
	[tilespmem:$0x1A980] =	vst v63  }
0x120: {  	_ =	swait.ge [sflag:s24], $0x8000  }
0x121: {  	[sflag:s24] =	ssyncset.done $0x0  }
0x122: {  	[sflag:s24] =	ssyncadd.s32 $0xFFFF8000  }
0x123: {  	v5 =	vld [tilespmem:s26+$0x80];
	_ =	sdelay $0x4  }
0x124: {  	v6 =	vshll.u32 v5, $0x4  }
0x125: {  	v5 =	vand.u32 $0x7, v5;
	v6 =	vand.u32 $0xFFFFFF80, v6  }
0x126: {  	v5 =	vor.u32 v5, v6  }
0x127: {  	v6 =	vperm.xlane v5, v1;
	_ =	sdelay $0x1  }
0x128: {  	v6 =	vadd.s32 v2, v6;
	_ =	sdelay $0x3  }
0x129: {  	s29 =	rddreg [dreg:$0x13]  }
0x12a: {  	[hbm4b:s5+s2] =	stream.indirect_vreg.scatter [tilespmem:s20], [sflag:$0x6], $0x80, v6, vm0, $0xb8;
	[tilespmem:$0x1A980] =	vst v63  }
0x12b: {  	s28 =	rddreg [dreg:$0x14]  }
0x12c: {  	[hbm4b:s9+s2] =	stream.indirect_vreg.scatter [tilespmem:s29], [sflag:$0x6], $0x80, v6, vm0, $0xb8;
	[tilespmem:$0x1A980] =	vst v63  }
0x12d: {  	s29 =	rddreg [dreg:$0x15]  }
0x12e: {  	[hbm4b:s10+s2] =	stream.indirect_vreg.scatter [tilespmem:s28], [sflag:$0x6], $0x80, v6, vm0, $0xb8;
	[tilespmem:$0x1A980] =	vst v63  }
0x12f: {  	s28 =	rddreg [dreg:$0x16]  }
0x130: {  	[hbm4b:s11+s2] =	stream.indirect_vreg.scatter [tilespmem:s29], [sflag:$0x6], $0x80, v6, vm0, $0xb8;
	[tilespmem:$0x1A980] =	vst v63  }
0x131: {  	s29 =	rddreg [dreg:$0x17]  }
0x132: {  	[hbm4b:s12+s2] =	stream.indirect_vreg.scatter [tilespmem:s28], [sflag:$0x6], $0x80, v6, vm0, $0xb8;
	[tilespmem:$0x1A980] =	vst v63  }
0x133: {  	v5 =	vperm.xlane v5, v3;
	s28 =	rddreg [dreg:$0x18]  }
0x134: {  	[hbm4b:s13+s2] =	stream.indirect_vreg.scatter [tilespmem:s29], [sflag:$0x6], $0x80, v6, vm0, $0xb8;
	[tilespmem:$0x1A980] =	vst v63  }
0x135: {  	v5 =	vadd.s32 v2, v5;
	s29 =	rddreg [dreg:$0x19]  }
0x136: {  	[hbm4b:s14+s2] =	stream.indirect_vreg.scatter [tilespmem:s28], [sflag:$0x6], $0x80, v6, vm0, $0xb8;
	[tilespmem:$0x1A980] =	vst v63  }
0x137: {  	s28 =	rddreg [dreg:$0x1a]  }
0x138: {  	[hbm4b:s15+s2] =	stream.indirect_vreg.scatter [tilespmem:s29], [sflag:$0x6], $0x80, v6, vm0, $0xb8;
	[tilespmem:$0x1A980] =	vst v63  }
0x139: {  	s29 =	rddreg [dreg:$0x1b]  }
0x13a: {  	[hbm4b:s5+s2] =	stream.indirect_vreg.scatter [tilespmem:s28], [sflag:$0x6], $0x80, v5, vm0, $0xb8;
	[tilespmem:$0x1A980] =	vst v63  }
0x13b: {  	s28 =	rddreg [dreg:$0x1c]  }
0x13c: {  	[hbm4b:s9+s2] =	stream.indirect_vreg.scatter [tilespmem:s29], [sflag:$0x6], $0x80, v5, vm0, $0xb8;
	[tilespmem:$0x1A980] =	vst v63  }
0x13d: {  	s29 =	rddreg [dreg:$0x1d]  }
0x13e: {  	[hbm4b:s10+s2] =	stream.indirect_vreg.scatter [tilespmem:s28], [sflag:$0x6], $0x80, v5, vm0, $0xb8;
	[tilespmem:$0x1A980] =	vst v63  }
0x13f: {  	s28 =	rddreg [dreg:$0x1e]  }
0x140: {  	[hbm4b:s11+s2] =	stream.indirect_vreg.scatter [tilespmem:s29], [sflag:$0x6], $0x80, v5, vm0, $0xb8;
	[tilespmem:$0x1A980] =	vst v63  }
0x141: {  	s25 =	sadd.s32 $0x3000, s25;
	s29 =	rddreg [dreg:$0x1f]  }
0x142: {  	[hbm4b:s12+s2] =	stream.indirect_vreg.scatter [tilespmem:s28], [sflag:$0x6], $0x80, v5, vm0, $0xb8;
	[tilespmem:$0x1A980] =	vst v63  }
0x143: {  	p2 =	sne.s32 s25, $0xF000;
	s28 =	sld [smem:$0x7FB]  }
0x144: {  	[hbm4b:s13+s2] =	stream.indirect_vreg.scatter [tilespmem:s29], [sflag:$0x6], $0x80, v5, vm0, $0xb8;
	[tilespmem:$0x1A980] =	vst v63  }
.Ltmp6:
0x145: {  	_ = 	snop;
	(pc) =	sbr.rel @p2 .LBB2_10-.Ltmp6, $4  }
0x146: {  	s29 =	sld [smem:$0x7FC]  }
0x147: {  	[hbm4b:s14+s2] =	stream.indirect_vreg.scatter [tilespmem:s28], [sflag:$0x6], $0x80, v5, vm0, $0xb8;
	[tilespmem:$0x1A980] =	vst v63  }
0x148: {  	s26 =	sadd.s32 $0x180, s26  }
0x149: {  	[hbm4b:s15+s2] =	stream.indirect_vreg.scatter [tilespmem:s29], [sflag:$0x6], $0x80, v5, vm0, $0xb8;
	[tilespmem:$0x1A980] =	vst v63  }
0x14a: {  	s0 =	simm.s32 $0x5  }
0x14b: {  	_ =	swait.ge [sflag:s0], $0x8000  }
0x14c: {  	[sflag:s0] =	ssyncset.done $0x0  }
0x14d: {  	[sflag:s0] =	ssyncadd.s32 $0xFFFF8000  }
0x14e: {  	_ =	swait.ge [sflag:s18], $0x8000  }
0x14f: {  	[sflag:s18] =	ssyncset.done $0x0  }
0x150: {  	[sflag:s18] =	ssyncadd.s32 $0xFFFF8000  }
0x151: {  	v5 =	vld [tilespmem:$0x2780];
	_ =	sdelay $0x4  }
0x152: {  	v6 =	vshll.u32 v5, $0x4  }
0x153: {  	v5 =	vand.u32 $0x7, v5;
	v6 =	vand.u32 $0xFFFFFF80, v6  }
0x154: {  	v5 =	vor.u32 v5, v6  }
0x155: {  	v6 =	vperm.xlane v5, v1;
	_ =	sdelay $0x1  }
0x156: {  	v6 =	vadd.s32 v2, v6;
	_ =	sdelay $0x4  }
0x157: {  	[hbm4b:s5+s2] =	stream.indirect_vreg.scatter [tilespmem:s17], [sflag:$0x4], $0x80, v6, vm0, $0xb8;
	[tilespmem:$0x1A980] =	vst v63  }
0x158: {  	_ = 	snop  }
0x159: {  	[hbm4b:s9+s2] =	stream.indirect_vreg.scatter [tilespmem:s31], [sflag:$0x4], $0x80, v6, vm0, $0xb8;
	[tilespmem:$0x1A980] =	vst v63  }
0x15a: {  	_ = 	snop  }
0x15b: {  	[hbm4b:s10+s2] =	stream.indirect_vreg.scatter [tilespmem:s30], [sflag:$0x4], $0x80, v6, vm0, $0xb8;
	[tilespmem:$0x1A980] =	vst v63  }
0x15c: {  	_ = 	snop  }
0x15d: {  	[hbm4b:s11+s2] =	stream.indirect_vreg.scatter [tilespmem:s1], [sflag:$0x4], $0x80, v6, vm0, $0xb8;
	[tilespmem:$0x1A980] =	vst v63  }
0x15e: {  	_ = 	snop  }
0x15f: {  	[hbm4b:s12+s2] =	stream.indirect_vreg.scatter [tilespmem:s21], [sflag:$0x4], $0x80, v6, vm0, $0xb8;
	[tilespmem:$0x1A980] =	vst v63  }
0x160: {  	v5 =	vperm.xlane v5, v3  }
0x161: {  	[hbm4b:s13+s2] =	stream.indirect_vreg.scatter [tilespmem:s3], [sflag:$0x4], $0x80, v6, vm0, $0xb8;
	[tilespmem:$0x1A980] =	vst v63  }
0x162: {  	v5 =	vadd.s32 v2, v5  }
0x163: {  	[hbm4b:s14+s2] =	stream.indirect_vreg.scatter [tilespmem:s4], [sflag:$0x4], $0x80, v6, vm0, $0xb8;
	[tilespmem:$0x1A980] =	vst v63  }
0x164: {  	_ = 	snop  }
0x165: {  	[hbm4b:s15+s2] =	stream.indirect_vreg.scatter [tilespmem:s6], [sflag:$0x4], $0x80, v6, vm0, $0xb8;
	[tilespmem:$0x1A980] =	vst v63  }
0x166: {  	_ = 	snop  }
0x167: {  	[hbm4b:s5+s2] =	stream.indirect_vreg.scatter [tilespmem:s7], [sflag:$0x4], $0x80, v5, vm0, $0xb8;
	[tilespmem:$0x1A980] =	vst v63  }
0x168: {  	_ = 	snop  }
0x169: {  	[hbm4b:s9+s2] =	stream.indirect_vreg.scatter [tilespmem:s8], [sflag:$0x4], $0x80, v5, vm0, $0xb8;
	[tilespmem:$0x1A980] =	vst v63  }
0x16a: {  	_ = 	snop  }
0x16b: {  	[hbm4b:s10+s2] =	stream.indirect_vreg.scatter [tilespmem:s16], [sflag:$0x4], $0x80, v5, vm0, $0xb8;
	[tilespmem:$0x1A980] =	vst v63  }
0x16c: {  	s3 =	simm.s32 $0x8100  }
0x16d: {  	[hbm4b:s11+s2] =	stream.indirect_vreg.scatter [tilespmem:s3], [sflag:$0x4], $0x80, v5, vm0, $0xb8;
	[tilespmem:$0x1A980] =	vst v63  }
0x16e: {  	s4 =	simm.s32 $0x8900  }
0x16f: {  	[hbm4b:s12+s2] =	stream.indirect_vreg.scatter [tilespmem:s4], [sflag:$0x4], $0x80, v5, vm0, $0xb8;
	[tilespmem:$0x1A980] =	vst v63  }
0x170: {  	s25 =	simm.s32 $0x9100  }
0x171: {  	[hbm4b:s13+s2] =	stream.indirect_vreg.scatter [tilespmem:s25], [sflag:$0x4], $0x80, v5, vm0, $0xb8;
	[tilespmem:$0x1A980] =	vst v63  }
0x172: {  	s26 =	simm.s32 $0x9900  }
0x173: {  	[hbm4b:s14+s2] =	stream.indirect_vreg.scatter [tilespmem:s26], [sflag:$0x4], $0x80, v5, vm0, $0xb8;
	[tilespmem:$0x1A980] =	vst v63  }
0x174: {  	s28 =	simm.s32 $0xA100;
	s29 =	simm.s32 $0x6  }
0x175: {  	[hbm4b:s15+s2] =	stream.indirect_vreg.scatter [tilespmem:s28], [sflag:$0x4], $0x80, v5, vm0, $0xb8;
	[tilespmem:$0x1A980] =	vst v63  }
0x176: {  	_ =	swait.ge [sflag:s29], $0x8000  }
0x177: {  	[sflag:s29] =	ssyncset.done $0x0  }
0x178: {  	[sflag:s29] =	ssyncadd.s32 $0xFFFF8000  }
0x179: {  	_ =	swait.ge [sflag:s19], $0x8000  }
0x17a: {  	s30 =	sld [smem:$0x7F2]  }
0x17b: {  	s31 =	sld [smem:$0x7F8];
	_ =	sdelay $0x1  }
0x17c: {  	s3 =	sadd.s32 $0x1, s30  }
0x17d: {  	p2 =	sne.s32 s3, s31  }
.Ltmp7:
0x17e: {  	_ = 	snop;
	(pc) =	sbr.rel @p2 .LBB2_1-.Ltmp7, $3  }
0x17f: {  	_ =	sdelay $0x1  }
0x180: {  	[sflag:s19] =	ssyncset.done $0x0  }
0x181: {  	s1 =	simm.s32 $0x2900;
	s4 =	simm.s32 $0x7;
	[sflag:s19] =	ssyncadd.s32 $0xFFFF8000  }
0x182: {  	_ =	sfence.sel $0x180000  }
0x183: {  	[bflag:$0x0] =	sbarrier.arrive $0xFFFF  }
0x184: {  	_ =	strace $0x9000004A  }
0x185: {  	s0 =	stileid.u32;
	[bflag:$0x2] =	sbarrier.arrive $0xFFFF  }
0x186: {  	p0 =	sne.s32 s0, $0x0;
	s0 =	rddreg [dreg:$0x2]  }
0x187: {  	s0 =	sadd.s32 @!p0 $0x100000, s0  }
0x188: {  	[sflag:s0] =	ssyncadd.tile.s32 @!p0 $0x1;
	_ =	shalt  }
.Lfunc_end2:
_tile_overlayer_lowered:
.L_overlay_start_2:
0x189: {  	(tag) =	ssettag $0x2  }
0x18a: {  	s0 =	rddreg [dreg:$0x0];
	s2 =	stileid.u32  }
0x18b: {  	s1 =	rddreg [dreg:$0x1];
	p0 =	sne.s32 s2, $0x0  }
0x18c: {  	s3 =	rddreg [dreg:$0x2];
	[bflag:$0x3] =	sbarrier.arrive $0xFFFF;
	s2 =	simm.s32 @!p0 $0x1C07  }
0x18d: {  	[timem:s3], [sflag:s2] =	dma.local @!p0 [hbm:s0], s1  }
0x18e: {  	s0 =	simm.s32 @!p0 $0x7  }
0x18f: {  	_ =	swait.ge @!p0 [sflag:s0], s1  }
0x190: {  	s1 =	ssub.s32 @!p0 $0x0, s1;
	[sflag:s0] =	ssyncset.done @!p0 $0x0  }
0x191: {  	[sflag:s0] =	ssyncadd.s32 @!p0 s1  }
0x192: {  	[bflag:$0x3] =	sbarrier.arrive $0xFFFF  }
0x193: {  	_ =	shalt  }

</sc_bundles>
